<compile_context>
chip_gen: v7x
topology: tpu7x:2x2x1
jax: 0.10.2.dev20260603
libtpu: 0.0.44.dev20260713+nightly
codegen_flags: <defaults>
</compile_context>

<pallas_src>
import functools

import jax
import jax.numpy as jnp
from jax.experimental import pallas as pl
from jax.experimental.pallas import tpu as pltpu
from jax.experimental.pallas import tpu_sc as plsc

NUM_SPARSE = 26
VOCAB = 100000
EMB = 32
DENSE = 13
PACK = 4

GATHER_WINDOW = 128
BLOCK_B = 512


def _sc_gather(packed_tables, q_idx):
    n_idx = q_idx.shape[0]
    width = PACK * EMB
    mesh = plsc.VectorSubcoreMesh(core_axis_name="core", subcore_axis_name="subcore")
    idx2d = q_idx.reshape(1, n_idx)

    @functools.partial(
        pl.kernel,
        out_type=jax.ShapeDtypeStruct((n_idx, width), jnp.float32),
        mesh=mesh,
        compiler_params=pltpu.CompilerParams(use_tc_tiling_on_sc=True),
    )
    def gather_kernel(tab_hbm, idx_hbm, out_hbm):
        def body(i_vmem, o_vmem):
            pltpu.sync_copy(tab_hbm.at[i_vmem.at[0]], o_vmem)

        pltpu.emit_pipeline(
            body,
            grid=(n_idx // GATHER_WINDOW,),
            in_specs=[pl.BlockSpec((1, GATHER_WINDOW), lambda i: (0, i))],
            out_specs=[pl.BlockSpec((GATHER_WINDOW, width), lambda i: (i, 0))],
            core_axis_name=("core", "subcore"),
            dimension_semantics=(pltpu.PARALLEL,),
        )(idx_hbm, out_hbm)

    return gather_kernel(packed_tables, idx2d)


def _dense_body(cfT_ref, g_ref, k_ref, bw0T_ref, bb0_ref, bw1T_ref, bb1_ref,
                bw2T_ref, bb2_ref, tw0T_ref, tb0_ref, tw1T_ref, tb1_ref,
                tw2T_ref, tb2_ref, out_ref):
    f32 = jnp.float32

    def mm(wT_ref, x):
        return jnp.dot(wT_ref[...], x, preferred_element_type=f32,
                       precision=jax.lax.Precision.HIGHEST)

    gT = []
    for t in range(NUM_SPARSE):
        gt = jnp.transpose(g_ref[t])
        kt = k_ref[t][None, :]
        st = jnp.zeros((EMB, BLOCK_B), f32)
        for k in range(PACK):
            st = st + jnp.where(kt == k, gt[k * EMB:(k + 1) * EMB, :], 0.0)
        gT.append(st)

    h = jnp.maximum(mm(bw0T_ref, cfT_ref[...]) + bb0_ref[...], 0.0)
    h = jnp.maximum(mm(bw1T_ref, h) + bb1_ref[...], 0.0)
    dT = jnp.maximum(mm(bw2T_ref, h) + bb2_ref[...], 0.0)

    S = jnp.stack([dT] + gT, axis=0)

    cross = []
    for i in range(NUM_SPARSE):
        cross.append(jnp.sum(S[i][None, :, :] * S[i + 1:], axis=1))

    xT = jnp.concatenate([dT] + cross, axis=0)

    h = jnp.maximum(mm(tw0T_ref, xT) + tb0_ref[...], 0.0)
    h = jnp.maximum(mm(tw1T_ref, h) + tb1_ref[...], 0.0)
    out_ref[...] = mm(tw2T_ref, h) + tb2_ref[...]


def _dense_forward(cfT, gpacked, karr, wts, batch, interpret=False):
    (bw0T, bb0, bw1T, bb1, bw2T, bb2, tw0T, tb0, tw1T, tb1, tw2T, tb2) = wts
    grid = batch // BLOCK_B

    def full(a):
        return pl.BlockSpec(a.shape, lambda i: (0,) * a.ndim)

    return pl.pallas_call(
        _dense_body,
        grid=(grid,),
        in_specs=[
            pl.BlockSpec((DENSE, BLOCK_B), lambda i: (0, i)),
            pl.BlockSpec((NUM_SPARSE, BLOCK_B, PACK * EMB), lambda i: (0, i, 0)),
            pl.BlockSpec((NUM_SPARSE, BLOCK_B), lambda i: (0, i)),
            full(bw0T), full(bb0), full(bw1T), full(bb1),
            full(bw2T), full(bb2), full(tw0T), full(tb0),
            full(tw1T), full(tb1), full(tw2T), full(tb2),
        ],
        out_specs=pl.BlockSpec((1, BLOCK_B), lambda i: (0, i)),
        out_shape=jax.ShapeDtypeStruct((1, batch), jnp.float32),
        compiler_params=pltpu.CompilerParams(
            dimension_semantics=("parallel",)),
        interpret=interpret,
    )(cfT, gpacked, karr, bw0T, bb0, bw1T, bb1, bw2T, bb2,
      tw0T, tb0, tw1T, tb1, tw2T, tb2)


def kernel(count_features, category_features, tables, bw0, bb0, bw1, bb1,
           bw2, bb2, tw0, tb0, tw1, tb1, tw2, tb2):
    batch = count_features.shape[0]

    packed_tables = tables.reshape(NUM_SPARSE * VOCAB // PACK, PACK * EMB)
    offs = (jnp.arange(NUM_SPARSE, dtype=jnp.int32) * VOCAB)[:, None]
    flat_idx = (category_features.T.astype(jnp.int32) + offs)
    q_idx = (flat_idx // PACK).reshape(-1)
    karr = flat_idx % PACK
    gathered = _sc_gather(packed_tables, q_idx)
    gpacked = gathered.reshape(NUM_SPARSE, batch, PACK * EMB)

    cfT = count_features.T
    wts = (bw0.T, bb0[:, None], bw1.T, bb1[:, None], bw2.T, bb2[:, None],
           tw0.T, tb0[:, None], tw1.T, tb1[:, None], tw2.T, tb2[:, None])
    out = _dense_forward(cfT, gpacked, karr, wts, batch)
    return out.reshape(batch, 1)

# --- scband reference (transcript-rebuilt; emitter-appended) ---
"""Pipeline reference for scband-dlrm-35416300323235 (READ-ONLY COPY).

The authoritative reference and input builder live on the scoring server;
editing this copy changes nothing except your own understanding.
"""

import jax, jax.numpy as jnp
import numpy as np

NUM_SPARSE = 26
VOCAB = 100000
EMB = 32
DENSE = 13
B = 16384


def _lin(k, fan_in, fan_out):
    kw, kb = jax.random.split(k)
    lim = 1.0 / np.sqrt(fan_in)
    W = jax.random.uniform(kw, (fan_in, fan_out), jnp.float32, -lim, lim)
    b = jax.random.uniform(kb, (fan_out,), jnp.float32, -lim, lim)
    return W, b


def setup_inputs(seed: int = 0) -> dict:
    key = jax.random.key(seed)
    ks = jax.random.split(key, 10)
    inp = {}
    inp['count_features'] = jax.random.normal(ks[0], (B, DENSE), jnp.float32)
    inp['category_features'] = jax.random.randint(ks[1], (B, NUM_SPARSE), 0, VOCAB, dtype=jnp.int32)
    inp['tables'] = jax.random.normal(ks[2], (NUM_SPARSE, VOCAB, EMB), jnp.float32) * 0.01
    # BottomMLP: 13 -> 512 -> 256 -> 32 (each followed by ReLU)
    inp['bw0'], inp['bb0'] = _lin(ks[3], DENSE, 512)
    inp['bw1'], inp['bb1'] = _lin(ks[4], 512, 256)
    inp['bw2'], inp['bb2'] = _lin(ks[5], 256, EMB)
    # Interaction output dim: triu of (26+1)x(26+1), offset=1 -> 351
    inter_dim = (NUM_SPARSE + 1) * NUM_SPARSE // 2
    top_in = EMB + inter_dim  # 32 + 351 = 383
    # TopMLP: 383 -> 512 -> 256 -> 1 (ReLU on hidden only)
    inp['tw0'], inp['tb0'] = _lin(ks[6], top_in, 512)
    inp['tw1'], inp['tb1'] = _lin(ks[7], 512, 256)
    inp['tw2'], inp['tb2'] = _lin(ks[8], 256, 1)
    return inp


def reference(count_features, category_features, tables, bw0, bb0, bw1, bb1, bw2, bb2, tw0, tb0, tw1, tb1, tw2, tb2):
    # BottomMLP (Linear+ReLU for every layer, including the last)
    h = count_features
    for W, b in ((bw0, bb0), (bw1, bb1), (bw2, bb2)):
        h = jax.nn.relu(h @ W + b)
    dense_embedded = h  # [B, EMB]
    # SparseEmbedding: EmbeddingBag(mode='mean') over bags of size 1 == plain gather
    feat_ids = jnp.arange(NUM_SPARSE)[None, :]  # [1, 26]
    sparse_embedded = tables[feat_ids, category_features]  # [B, 26, EMB]
    # InteractionLayer over [dense] + 26 sparse embeddings
    stacked = jnp.concatenate([dense_embedded[:, None, :], sparse_embedded], axis=1)  # [B, 27, EMB]
    interactions = jnp.einsum('bne,bme->bnm', stacked, stacked)  # [B, 27, 27]
    iu, ju = jnp.triu_indices(NUM_SPARSE + 1, k=1)
    cross_term = interactions[:, iu, ju]  # [B, 351]
    # TopMLP
    x = jnp.concatenate([dense_embedded, cross_term], axis=1)  # [B, 383]
    x = jax.nn.relu(x @ tw0 + tb0)
    x = jax.nn.relu(x @ tw1 + tb1)
    logits = x @ tw2 + tb2  # [B, 1]
    return logits

if __name__ == "__main__":
    import jax
    _d = setup_inputs()
    print(jax.jit(kernel)(*tuple(_d.values())))

</pallas_src>

<mosaic_0001>
#map = affine_map<(d0, d1) -> (0, 0)>
module attributes {stable_mosaic.version = 14 : i64} {
  func.func @gather_kernel(%arg0: i32, %arg1: i32, %arg2: memref<650000x128xf32, #tpu.memory_space<hbm>>, %arg3: memref<1x425984xi32, #tpu.memory_space<hbm>>, %arg4: memref<425984x128xf32, #tpu.memory_space<hbm>>) attributes {dimension_semantics = [#tpu.dimension_semantics<core_parallel>, #tpu.dimension_semantics<subcore_parallel>], iteration_bounds = array<i64: 2, 16>, scalar_prefetch = 0 : i64, scratch_operands = 0 : i64, tpu.core_type = #tpu.core_type<sc_vector_subcore>, window_params = [{transform_indices = #map}, {transform_indices = #map}, {transform_indices = #map}]} {
    %mul3A = arith.constant 1 : i32
    %mul3A_0 = arith.muli %arg1, %mul3A : i32
    %add3A = arith.constant 0 : i32
    %add3A_1 = arith.addi %add3A, %mul3A_0 : i32
    %mul3A_2 = arith.constant 16 : i32
    %mul3A_3 = arith.muli %arg0, %mul3A_2 : i32
    %add3A_4 = arith.addi %add3A_1, %mul3A_3 : i32
    %mul3A_5 = arith.constant 104 : i32
    %mul3A_6 = arith.muli %add3A_4, %mul3A_5 : i32
    "tpu.region"() ({
      %run_scoped3A = memref.alloca() : memref<2x1x128xi32, #tpu.memory_space<vmem>>
      %run_scoped3A_7 = tpu.sem_alloc : memref<2x!tpu.dma_semaphore, #tpu.memory_space<semaphore_mem>>
      %run_scoped3A_8 = memref.alloca() : memref<2x128x128xf32, #tpu.memory_space<vmem>>
      %run_scoped3A_9 = tpu.sem_alloc : memref<2x!tpu.dma_semaphore, #tpu.memory_space<semaphore_mem>>
      %add3A_10 = arith.constant 0 : i32
      %add3A_11 = arith.addi %add3A_10, %mul3A_6 : i32
      %select_n3A = arith.constant true
      %select_n3A_12 = arith.constant 0 : i32
      %select_n3A_13 = arith.constant -1 : i32
      %select_n3A_14 = arith.select %select_n3A, %select_n3A_13, %select_n3A_12 : i32
      %eq3A = arith.constant -1 : i32
      %eq3A_15 = arith.cmpi eq, %select_n3A_14, %eq3A : i32
      %select_n3A_16 = arith.constant 103 : i32
      %select_n3A_17 = arith.select %eq3A_15, %select_n3A_16, %select_n3A_14 : i32
      %add3A_18 = arith.addi %select_n3A_17, %mul3A_6 : i32
      %select_n3A_19 = arith.constant true
      %select_n3A_20 = arith.constant 0 : i32
      %select_n3A_21 = arith.constant 1 : i32
      %select_n3A_22 = arith.select %select_n3A_19, %select_n3A_21, %select_n3A_20 : i32
      %eq3A_23 = arith.constant 104 : i32
      %eq3A_24 = arith.cmpi eq, %select_n3A_22, %eq3A_23 : i32
      %select_n3A_25 = arith.constant 0 : i32
      %select_n3A_26 = arith.select %eq3A_24, %select_n3A_25, %select_n3A_22 : i32
      %add3A_27 = arith.addi %select_n3A_26, %mul3A_6 : i32
      %add3A_28 = arith.constant 1 : i32
      %add3A_29 = arith.addi %select_n3A_26, %add3A_28 : i32
      %select_n3A_30 = arith.constant true
      %select_n3A_31 = arith.select %select_n3A_30, %add3A_29, %select_n3A_26 : i32
      %eq3A_32 = arith.constant 104 : i32
      %eq3A_33 = arith.cmpi eq, %select_n3A_31, %eq3A_32 : i32
      %select_n3A_34 = arith.constant 0 : i32
      %select_n3A_35 = arith.select %eq3A_33, %select_n3A_34, %select_n3A_31 : i32
      %add3A_36 = arith.addi %select_n3A_35, %mul3A_6 : i32
      "tpu.trace_start"() <{level = 10 : i32, message = "ep_initialize_0"}> : () -> ()
      %rem3A = arith.constant 0 : i32
      %rem3A_37 = arith.constant 2 : i32
      %rem3A_38 = arith.remui %rem3A, %rem3A_37 : i32
      %mul3A_39 = arith.constant 128 : i32
      %mul3A_40 = arith.muli %mul3A_39, %add3A_11 : i32
      %dma_start3A = arith.constant 0 : i32
      %dma_start3A_41 = arith.constant 0 : i32
      %dma_start3A_42 = tpu.memref_slice %run_scoped3A[%rem3A_38, %dma_start3A, %dma_start3A_41] : memref<2x1x128xi32, #tpu.memory_space<vmem>> -> memref<1x1x128xi32, #tpu.memory_space<vmem>>
      %dma_start3A_43 = tpu.memref_squeeze %dma_start3A_42 : memref<1x1x128xi32, #tpu.memory_space<vmem>> -> memref<1x128xi32, #tpu.memory_space<vmem>>
      %dma_start3A_44 = arith.constant 0 : i32
      %dma_start3A_45 = tpu.memref_slice %arg3[%dma_start3A_44, %mul3A_40] : memref<1x425984xi32, #tpu.memory_space<hbm>> -> memref<1x128xi32, #tpu.memory_space<hbm>>
      %dma_start3A_46 = tpu.memref_slice %run_scoped3A_7[%rem3A_38] : memref<2x!tpu.dma_semaphore, #tpu.memory_space<semaphore_mem>> -> memref<1x!tpu.dma_semaphore, #tpu.memory_space<semaphore_mem>>
      %dma_start3A_47 = tpu.memref_squeeze %dma_start3A_46 : memref<1x!tpu.dma_semaphore, #tpu.memory_space<semaphore_mem>> -> memref<!tpu.dma_semaphore, #tpu.memory_space<semaphore_mem>>
      %dma_start3A_48 = arith.constant 0 : i32
      %dma_start3A_49 = arith.constant 0 : i32
      %dma_start3A_50 = tpu.memref_slice %run_scoped3A[%rem3A_38, %dma_start3A_48, %dma_start3A_49] : memref<2x1x128xi32, #tpu.memory_space<vmem>> -> memref<1x1x128xi32, #tpu.memory_space<vmem>>
      %dma_start3A_51 = tpu.memref_squeeze %dma_start3A_50 : memref<1x1x128xi32, #tpu.memory_space<vmem>> -> memref<1x128xi32, #tpu.memory_space<vmem>>
      %dma_start3A_52 = arith.constant 0 : i32
      %dma_start3A_53 = tpu.memref_slice %arg3[%dma_start3A_52, %mul3A_40] : memref<1x425984xi32, #tpu.memory_space<hbm>> -> memref<1x128xi32, #tpu.memory_space<hbm>>
      tpu.enqueue_dma source(%dma_start3A_53 : memref<1x128xi32, #tpu.memory_space<hbm>>) target(%dma_start3A_51 : memref<1x128xi32, #tpu.memory_space<vmem>>) target_semaphore(%dma_start3A_47 : memref<!tpu.dma_semaphore, #tpu.memory_space<semaphore_mem>>)
      %add3A_54 = arith.constant 0 : i32
      %add3A_55 = arith.constant 1 : i32
      %add3A_56 = arith.addi %add3A_54, %add3A_55 : i32
      %select_n3A_57 = arith.constant true
      %select_n3A_58 = arith.constant 0 : i32
      %select_n3A_59 = arith.select %select_n3A_57, %add3A_56, %select_n3A_58 : i32
      "tpu.trace_stop"() : () -> ()
      %scan3A = arith.constant 0 : i32
      %scan3A_60 = arith.constant 0 : i32
      %scan3A_61 = arith.constant 0 : i32
      %scan3A_62 = arith.constant 0 : i32
      %scan3A_63 = arith.constant 0 : i32
      %scan3A_64 = arith.constant 104 : i32
      %scan3A_65 = arith.addi %scan3A_63, %scan3A_64 : i32
      %scan3A_66 = arith.constant 1 : i32
      %scan3A_67:5 = scf.for %scan3A_121 = %scan3A_63 to %scan3A_65 step %scan3A_66 iter_args(%scan3A_122 = %select_n3A_59, %scan3A_123 = %scan3A, %scan3A_124 = %scan3A_60, %scan3A_125 = %scan3A_61, %scan3A_126 = %scan3A_62) -> (i32, i32, i32, i32, i32)  : i32 {
        %eq3A_127 = arith.constant 0 : i32
        %eq3A_128 = arith.cmpi eq, %scan3A_121, %eq3A_127 : i32
        %eq3A_129 = arith.constant 103 : i32
        %eq3A_130 = arith.cmpi eq, %scan3A_121, %eq3A_129 : i32
        %add3A_131 = arith.addi %scan3A_126, %mul3A_6 : i32
        %sub3A_132 = arith.constant 1 : i32
        %sub3A_133 = arith.subi %scan3A_126, %sub3A_132 : i32
        %select_n3A_134 = arith.constant true
        %select_n3A_135 = arith.select %select_n3A_134, %sub3A_133, %scan3A_126 : i32
        %eq3A_136 = arith.constant -1 : i32
        %eq3A_137 = arith.cmpi eq, %select_n3A_135, %eq3A_136 : i32
        %select_n3A_138 = arith.constant 103 : i32
        %select_n3A_139 = arith.select %eq3A_137, %select_n3A_138, %select_n3A_135 : i32
        %add3A_140 = arith.addi %select_n3A_139, %mul3A_6 : i32
        %add3A_141 = arith.constant 1 : i32
        %add3A_142 = arith.addi %scan3A_126, %add3A_141 : i32
        %select_n3A_143 = arith.constant true
        %select_n3A_144 = arith.select %select_n3A_143, %add3A_142, %scan3A_126 : i32
        %eq3A_145 = arith.constant 104 : i32
        %eq3A_146 = arith.cmpi eq, %select_n3A_144, %eq3A_145 : i32
        %select_n3A_147 = arith.constant 0 : i32
        %select_n3A_148 = arith.select %eq3A_146, %select_n3A_147, %select_n3A_144 : i32
        %add3A_149 = arith.addi %select_n3A_148, %mul3A_6 : i32
        %add3A_150 = arith.constant 1 : i32
        %add3A_151 = arith.addi %select_n3A_148, %add3A_150 : i32
        %select_n3A_152 = arith.constant true
        %select_n3A_153 = arith.select %select_n3A_152, %add3A_151, %select_n3A_148 : i32
        %eq3A_154 = arith.constant 104 : i32
        %eq3A_155 = arith.cmpi eq, %select_n3A_153, %eq3A_154 : i32
        %select_n3A_156 = arith.constant 0 : i32
        %select_n3A_157 = arith.select %eq3A_155, %select_n3A_156, %select_n3A_153 : i32
        %add3A_158 = arith.addi %select_n3A_157, %mul3A_6 : i32
        %ne3A = arith.cmpi ne, %add3A_131, %add3A_149 : i32
        %or3A = arith.constant false
        %or3A_159 = arith.ori %or3A, %ne3A : i1
        %ge3A = arith.constant 103 : i32
        %ge3A_160 = arith.cmpi sge, %scan3A_121, %ge3A : i32
        %not3A = arith.constant true
        %not3A_161 = arith.xori %ge3A_160, %not3A : i1
        %and3A = arith.andi %or3A_159, %not3A_161 : i1
        %convert_element_type3A = arith.extui %and3A : i1 to i32
        %cond3A = arith.constant 0 : i32
        %cond3A_162 = arith.cmpi ne, %convert_element_type3A, %cond3A : i32
        scf.if %cond3A_162 {
          "tpu.trace_start"() <{level = 10 : i32, message = "ep_copy_in"}> : () -> ()
          %rem3A_264 = arith.constant 2 : i32
          %rem3A_265 = arith.remui %scan3A_122, %rem3A_264 : i32
          %mul3A_266 = arith.constant 128 : i32
          %mul3A_267 = arith.muli %mul3A_266, %add3A_149 : i32
          %dma_start3A_268 = arith.constant 0 : i32
          %dma_start3A_269 = arith.constant 0 : i32
          %dma_start3A_270 = tpu.memref_slice %run_scoped3A[%rem3A_265, %dma_start3A_268, %dma_start3A_269] : memref<2x1x128xi32, #tpu.memory_space<vmem>> -> memref<1x1x128xi32, #tpu.memory_space<vmem>>
          %dma_start3A_271 = tpu.memref_squeeze %dma_start3A_270 : memref<1x1x128xi32, #tpu.memory_space<vmem>> -> memref<1x128xi32, #tpu.memory_space<vmem>>
          %dma_start3A_272 = arith.constant 0 : i32
          %dma_start3A_273 = tpu.memref_slice %arg3[%dma_start3A_272, %mul3A_267] : memref<1x425984xi32, #tpu.memory_space<hbm>> -> memref<1x128xi32, #tpu.memory_space<hbm>>
          %dma_start3A_274 = tpu.memref_slice %run_scoped3A_7[%rem3A_265] : memref<2x!tpu.dma_semaphore, #tpu.memory_space<semaphore_mem>> -> memref<1x!tpu.dma_semaphore, #tpu.memory_space<semaphore_mem>>
          %dma_start3A_275 = tpu.memref_squeeze %dma_start3A_274 : memref<1x!tpu.dma_semaphore, #tpu.memory_space<semaphore_mem>> -> memref<!tpu.dma_semaphore, #tpu.memory_space<semaphore_mem>>
          %dma_start3A_276 = arith.constant 0 : i32
          %dma_start3A_277 = arith.constant 0 : i32
          %dma_start3A_278 = tpu.memref_slice %run_scoped3A[%rem3A_265, %dma_start3A_276, %dma_start3A_277] : memref<2x1x128xi32, #tpu.memory_space<vmem>> -> memref<1x1x128xi32, #tpu.memory_space<vmem>>
          %dma_start3A_279 = tpu.memref_squeeze %dma_start3A_278 : memref<1x1x128xi32, #tpu.memory_space<vmem>> -> memref<1x128xi32, #tpu.memory_space<vmem>>
          %dma_start3A_280 = arith.constant 0 : i32
          %dma_start3A_281 = tpu.memref_slice %arg3[%dma_start3A_280, %mul3A_267] : memref<1x425984xi32, #tpu.memory_space<hbm>> -> memref<1x128xi32, #tpu.memory_space<hbm>>
          tpu.enqueue_dma source(%dma_start3A_281 : memref<1x128xi32, #tpu.memory_space<hbm>>) target(%dma_start3A_279 : memref<1x128xi32, #tpu.memory_space<vmem>>) target_semaphore(%dma_start3A_275 : memref<!tpu.dma_semaphore, #tpu.memory_space<semaphore_mem>>)
          "tpu.trace_stop"() : () -> ()
        } else {
        }
        %and3A_163 = arith.constant true
        %and3A_164 = arith.andi %and3A, %and3A_163 : i1
        %add3A_165 = arith.constant 1 : i32
        %add3A_166 = arith.addi %scan3A_122, %add3A_165 : i32
        %select_n3A_167 = arith.select %and3A_164, %add3A_166, %scan3A_122 : i32
        %ne3A_168 = arith.cmpi ne, %add3A_131, %add3A_149 : i32
        %or3A_169 = arith.constant false
        %or3A_170 = arith.ori %or3A_169, %ne3A_168 : i1
        %or3A_171 = arith.constant false
        %or3A_172 = arith.ori %or3A_170, %or3A_171 : i1
        %ge3A_173 = arith.constant 103 : i32
        %ge3A_174 = arith.cmpi sge, %scan3A_121, %ge3A_173 : i32
        %not3A_175 = arith.constant true
        %not3A_176 = arith.xori %ge3A_174, %not3A_175 : i1
        %and3A_177 = arith.andi %or3A_172, %not3A_176 : i1
        %ne3A_178 = arith.cmpi ne, %add3A_131, %add3A_140 : i32
        %or3A_179 = arith.constant false
        %or3A_180 = arith.ori %or3A_179, %ne3A_178 : i1
        %or3A_181 = arith.ori %or3A_180, %eq3A_128 : i1
        %convert_element_type3A_182 = arith.extui %or3A_181 : i1 to i32
        %cond3A_183 = arith.constant 0 : i32
        %cond3A_184 = arith.cmpi ne, %convert_element_type3A_182, %cond3A_183 : i32
        scf.if %cond3A_184 {
          "tpu.trace_start"() <{level = 10 : i32, message = "ep_wait_in"}> : () -> ()
          %mul3A_264 = arith.constant 128 : i32
          %mul3A_265 = arith.muli %mul3A_264, %add3A_131 : i32
          %rem3A_266 = arith.constant 2 : i32
          %rem3A_267 = arith.remui %scan3A_123, %rem3A_266 : i32
          %dma_wait3A_268 = arith.constant 0 : i32
          %dma_wait3A_269 = arith.constant 0 : i32
          %dma_wait3A_270 = tpu.memref_slice %run_scoped3A[%rem3A_267, %dma_wait3A_268, %dma_wait3A_269] : memref<2x1x128xi32, #tpu.memory_space<vmem>> -> memref<1x1x128xi32, #tpu.memory_space<vmem>>
          %dma_wait3A_271 = tpu.memref_squeeze %dma_wait3A_270 : memref<1x1x128xi32, #tpu.memory_space<vmem>> -> memref<1x128xi32, #tpu.memory_space<vmem>>
          %dma_wait3A_272 = arith.constant 0 : i32
          %dma_wait3A_273 = tpu.memref_slice %arg3[%dma_wait3A_272, %mul3A_265] : memref<1x425984xi32, #tpu.memory_space<hbm>> -> memref<1x128xi32, #tpu.memory_space<hbm>>
          %dma_wait3A_274 = tpu.memref_slice %run_scoped3A_7[%rem3A_267] : memref<2x!tpu.dma_semaphore, #tpu.memory_space<semaphore_mem>> -> memref<1x!tpu.dma_semaphore, #tpu.memory_space<semaphore_mem>>
          %dma_wait3A_275 = tpu.memref_squeeze %dma_wait3A_274 : memref<1x!tpu.dma_semaphore, #tpu.memory_space<semaphore_mem>> -> memref<!tpu.dma_semaphore, #tpu.memory_space<semaphore_mem>>
          %dma_wait3A_276 = arith.constant 0 : i32
          %dma_wait3A_277 = arith.constant 0 : i32
          %dma_wait3A_278 = tpu.memref_slice %run_scoped3A[%rem3A_267, %dma_wait3A_276, %dma_wait3A_277] : memref<2x1x128xi32, #tpu.memory_space<vmem>> -> memref<1x1x128xi32, #tpu.memory_space<vmem>>
          %dma_wait3A_279 = tpu.memref_squeeze %dma_wait3A_278 : memref<1x1x128xi32, #tpu.memory_space<vmem>> -> memref<1x128xi32, #tpu.memory_space<vmem>>
          %dma_wait3A_280 = arith.constant 0 : i32
          %dma_wait3A_281 = tpu.memref_slice %arg3[%dma_wait3A_280, %mul3A_265] : memref<1x425984xi32, #tpu.memory_space<hbm>> -> memref<1x128xi32, #tpu.memory_space<hbm>>
          tpu.wait_dma2 semaphore(%dma_wait3A_275 : memref<!tpu.dma_semaphore, #tpu.memory_space<semaphore_mem>>) src(%dma_wait3A_281 : memref<1x128xi32, #tpu.memory_space<hbm>>) dst(%dma_wait3A_279 : memref<1x128xi32, #tpu.memory_space<vmem>>)
          "tpu.trace_stop"() : () -> ()
        } else {
        }
        %ne3A_185 = arith.cmpi ne, %add3A_131, %add3A_140 : i32
        %or3A_186 = arith.constant false
        %or3A_187 = arith.ori %or3A_186, %ne3A_185 : i1
        %or3A_188 = arith.constant false
        %or3A_189 = arith.ori %or3A_187, %or3A_188 : i1
        %or3A_190 = arith.ori %or3A_189, %eq3A_128 : i1
        %convert_element_type3A_191 = arith.extui %or3A_190 : i1 to i32
        %cond3A_192 = arith.constant 0 : i32
        %cond3A_193 = arith.cmpi ne, %convert_element_type3A_191, %cond3A_192 : i32
        scf.if %cond3A_193 {
        } else {
        }
        %rem3A_194 = arith.constant 2 : i32
        %rem3A_195 = arith.remui %scan3A_123, %rem3A_194 : i32
        %rem3A_196 = arith.constant 2 : i32
        %rem3A_197 = arith.remui %scan3A_124, %rem3A_196 : i32
        %run_scoped3A_198 = arith.constant 0 : i32
        "tpu.trace_start"() <{level = 10 : i32, message = "ep_run_kernel"}> : () -> ()
        "tpu.region"() ({
          %run_scoped3A_264 = tpu.sem_alloc : memref<!tpu.dma_semaphore, #tpu.memory_space<semaphore_mem>>
          %dma_start3A_265 = arith.constant 0 : i32
          %dma_start3A_266 = arith.constant 0 : i32
          %dma_start3A_267 = tpu.memref_slice %run_scoped3A_8[%rem3A_197, %dma_start3A_265, %dma_start3A_266] : memref<2x128x128xf32, #tpu.memory_space<vmem>> -> memref<1x128x128xf32, #tpu.memory_space<vmem>>
          %dma_start3A_268 = tpu.memref_squeeze %dma_start3A_267 : memref<1x128x128xf32, #tpu.memory_space<vmem>> -> memref<128x128xf32, #tpu.memory_space<vmem>>
          %dma_start3A_269 = arith.constant 0 : i32
          %dma_start3A_270 = arith.constant 0 : i32
          %dma_start3A_271 = tpu.memref_slice %run_scoped3A[%rem3A_195, %dma_start3A_269, %dma_start3A_270] : memref<2x1x128xi32, #tpu.memory_space<vmem>> -> memref<1x1x128xi32, #tpu.memory_space<vmem>>
          %dma_start3A_272 = tpu.memref_squeeze %dma_start3A_271 : memref<1x1x128xi32, #tpu.memory_space<vmem>> -> memref<1x128xi32, #tpu.memory_space<vmem>>
          %dma_start3A_273 = arith.constant 0 : i32
          %dma_start3A_274 = tpu.memref_slice %dma_start3A_272[%run_scoped3A_198, %dma_start3A_273] : memref<1x128xi32, #tpu.memory_space<vmem>> -> memref<1x128xi32, #tpu.memory_space<vmem>>
          %dma_start3A_275 = tpu.memref_squeeze %dma_start3A_274 : memref<1x128xi32, #tpu.memory_space<vmem>> -> memref<128xi32, #tpu.memory_space<vmem>>
          %dma_start3A_276 = arith.constant 0 : i32
          %dma_start3A_277 = arith.constant 0 : i32
          %dma_start3A_278 = tpu.memref_slice %arg2[%dma_start3A_276, %dma_start3A_277] : memref<650000x128xf32, #tpu.memory_space<hbm>> -> memref<650000x128xf32, #tpu.memory_space<hbm>>
          tpu.enqueue_indirect_dma source(%dma_start3A_278 : memref<650000x128xf32, #tpu.memory_space<hbm>>) target(%dma_start3A_268 : memref<128x128xf32, #tpu.memory_space<vmem>>) offsets(%dma_start3A_275 : memref<128xi32, #tpu.memory_space<vmem>>) semaphore(%run_scoped3A_264 : memref<!tpu.dma_semaphore, #tpu.memory_space<semaphore_mem>>)
          %dma_wait3A_279 = arith.constant 0 : i32
          %dma_wait3A_280 = arith.constant 0 : i32
          %dma_wait3A_281 = tpu.memref_slice %run_scoped3A_8[%rem3A_197, %dma_wait3A_279, %dma_wait3A_280] : memref<2x128x128xf32, #tpu.memory_space<vmem>> -> memref<1x128x128xf32, #tpu.memory_space<vmem>>
          %dma_wait3A_282 = tpu.memref_squeeze %dma_wait3A_281 : memref<1x128x128xf32, #tpu.memory_space<vmem>> -> memref<128x128xf32, #tpu.memory_space<vmem>>
          %dma_wait3A_283 = arith.constant 0 : i32
          %dma_wait3A_284 = arith.constant 0 : i32
          %dma_wait3A_285 = tpu.memref_slice %run_scoped3A[%rem3A_195, %dma_wait3A_283, %dma_wait3A_284] : memref<2x1x128xi32, #tpu.memory_space<vmem>> -> memref<1x1x128xi32, #tpu.memory_space<vmem>>
          %dma_wait3A_286 = tpu.memref_squeeze %dma_wait3A_285 : memref<1x1x128xi32, #tpu.memory_space<vmem>> -> memref<1x128xi32, #tpu.memory_space<vmem>>
          %dma_wait3A_287 = arith.constant 0 : i32
          %dma_wait3A_288 = tpu.memref_slice %dma_wait3A_286[%run_scoped3A_198, %dma_wait3A_287] : memref<1x128xi32, #tpu.memory_space<vmem>> -> memref<1x128xi32, #tpu.memory_space<vmem>>
          %dma_wait3A_289 = tpu.memref_squeeze %dma_wait3A_288 : memref<1x128xi32, #tpu.memory_space<vmem>> -> memref<128xi32, #tpu.memory_space<vmem>>
          %dma_wait3A_290 = arith.constant 0 : i32
          %dma_wait3A_291 = arith.constant 0 : i32
          %dma_wait3A_292 = tpu.memref_slice %arg2[%dma_wait3A_290, %dma_wait3A_291] : memref<650000x128xf32, #tpu.memory_space<hbm>> -> memref<650000x128xf32, #tpu.memory_space<hbm>>
          tpu.wait_indirect_dma semaphore(%run_scoped3A_264 : memref<!tpu.dma_semaphore, #tpu.memory_space<semaphore_mem>>) src(%dma_wait3A_292 : memref<650000x128xf32, #tpu.memory_space<hbm>>) dst(%dma_wait3A_282 : memref<128x128xf32, #tpu.memory_space<vmem>>)
          tpu.yield
        }) : () -> ()
        "tpu.trace_stop"() : () -> ()
        %ne3A_199 = arith.cmpi ne, %add3A_131, %add3A_149 : i32
        %or3A_200 = arith.constant false
        %or3A_201 = arith.ori %or3A_200, %ne3A_199 : i1
        %or3A_202 = arith.ori %or3A_201, %eq3A_130 : i1
        %convert_element_type3A_203 = arith.extui %or3A_202 : i1 to i32
        %cond3A_204 = arith.constant 0 : i32
        %cond3A_205 = arith.cmpi ne, %convert_element_type3A_203, %cond3A_204 : i32
        scf.if %cond3A_205 {
        } else {
        }
        %and3A_206 = arith.constant false
        %and3A_207 = arith.andi %or3A_202, %and3A_206 : i1
        %ne3A_208 = arith.cmpi ne, %add3A_131, %add3A_149 : i32
        %or3A_209 = arith.constant false
        %or3A_210 = arith.ori %or3A_209, %ne3A_208 : i1
        %or3A_211 = arith.constant false
        %or3A_212 = arith.ori %or3A_210, %or3A_211 : i1
        %or3A_213 = arith.ori %or3A_212, %eq3A_130 : i1
        %convert_element_type3A_214 = arith.extui %or3A_213 : i1 to i32
        %cond3A_215 = arith.constant 0 : i32
        %cond3A_216 = arith.cmpi ne, %convert_element_type3A_214, %cond3A_215 : i32
        scf.if %cond3A_216 {
          "tpu.trace_start"() <{level = 10 : i32, message = "ep_copy_out"}> : () -> ()
          %rem3A_264 = arith.constant 2 : i32
          %rem3A_265 = arith.remui %scan3A_124, %rem3A_264 : i32
          %mul3A_266 = arith.constant 128 : i32
          %mul3A_267 = arith.muli %mul3A_266, %add3A_131 : i32
          %dma_start3A_268 = arith.constant 0 : i32
          %dma_start3A_269 = arith.constant 0 : i32
          %dma_start3A_270 = tpu.memref_slice %run_scoped3A_8[%rem3A_265, %dma_start3A_268, %dma_start3A_269] : memref<2x128x128xf32, #tpu.memory_space<vmem>> -> memref<1x128x128xf32, #tpu.memory_space<vmem>>
          %dma_start3A_271 = tpu.memref_squeeze %dma_start3A_270 : memref<1x128x128xf32, #tpu.memory_space<vmem>> -> memref<128x128xf32, #tpu.memory_space<vmem>>
          %dma_start3A_272 = arith.constant 0 : i32
          %dma_start3A_273 = tpu.memref_slice %arg4[%mul3A_267, %dma_start3A_272] : memref<425984x128xf32, #tpu.memory_space<hbm>> -> memref<128x128xf32, #tpu.memory_space<hbm>>
          %dma_start3A_274 = tpu.memref_slice %run_scoped3A_9[%rem3A_265] : memref<2x!tpu.dma_semaphore, #tpu.memory_space<semaphore_mem>> -> memref<1x!tpu.dma_semaphore, #tpu.memory_space<semaphore_mem>>
          %dma_start3A_275 = tpu.memref_squeeze %dma_start3A_274 : memref<1x!tpu.dma_semaphore, #tpu.memory_space<semaphore_mem>> -> memref<!tpu.dma_semaphore, #tpu.memory_space<semaphore_mem>>
          %dma_start3A_276 = arith.constant 0 : i32
          %dma_start3A_277 = tpu.memref_slice %arg4[%mul3A_267, %dma_start3A_276] : memref<425984x128xf32, #tpu.memory_space<hbm>> -> memref<128x128xf32, #tpu.memory_space<hbm>>
          %dma_start3A_278 = arith.constant 0 : i32
          %dma_start3A_279 = arith.constant 0 : i32
          %dma_start3A_280 = tpu.memref_slice %run_scoped3A_8[%rem3A_265, %dma_start3A_278, %dma_start3A_279] : memref<2x128x128xf32, #tpu.memory_space<vmem>> -> memref<1x128x128xf32, #tpu.memory_space<vmem>>
          %dma_start3A_281 = tpu.memref_squeeze %dma_start3A_280 : memref<1x128x128xf32, #tpu.memory_space<vmem>> -> memref<128x128xf32, #tpu.memory_space<vmem>>
          tpu.enqueue_dma source(%dma_start3A_281 : memref<128x128xf32, #tpu.memory_space<vmem>>) target(%dma_start3A_277 : memref<128x128xf32, #tpu.memory_space<hbm>>) target_semaphore(%dma_start3A_275 : memref<!tpu.dma_semaphore, #tpu.memory_space<semaphore_mem>>)
          "tpu.trace_stop"() : () -> ()
        } else {
        }
        %and3A_217 = arith.constant true
        %and3A_218 = arith.andi %or3A_213, %and3A_217 : i1
        %add3A_219 = arith.constant 1 : i32
        %add3A_220 = arith.addi %scan3A_124, %add3A_219 : i32
        %select_n3A_221 = arith.select %and3A_218, %add3A_220, %scan3A_124 : i32
        %ne3A_222 = arith.cmpi ne, %add3A_131, %add3A_140 : i32
        %or3A_223 = arith.constant false
        %or3A_224 = arith.ori %or3A_223, %ne3A_222 : i1
        %not3A_225 = arith.constant true
        %not3A_226 = arith.xori %eq3A_128, %not3A_225 : i1
        %and3A_227 = arith.andi %or3A_224, %not3A_226 : i1
        %convert_element_type3A_228 = arith.extui %and3A_227 : i1 to i32
        %cond3A_229 = arith.constant 0 : i32
        %cond3A_230 = arith.cmpi ne, %convert_element_type3A_228, %cond3A_229 : i32
        scf.if %cond3A_230 {
        } else {
        }
        %and3A_231 = arith.constant false
        %and3A_232 = arith.andi %and3A_227, %and3A_231 : i1
        %ne3A_233 = arith.cmpi ne, %add3A_131, %add3A_140 : i32
        %or3A_234 = arith.constant false
        %or3A_235 = arith.ori %or3A_234, %ne3A_233 : i1
        %or3A_236 = arith.constant false
        %or3A_237 = arith.ori %or3A_235, %or3A_236 : i1
        %not3A_238 = arith.constant true
        %not3A_239 = arith.xori %eq3A_128, %not3A_238 : i1
        %and3A_240 = arith.andi %or3A_237, %not3A_239 : i1
        %convert_element_type3A_241 = arith.extui %and3A_240 : i1 to i32
        %cond3A_242 = arith.constant 0 : i32
        %cond3A_243 = arith.cmpi ne, %convert_element_type3A_241, %cond3A_242 : i32
        scf.if %cond3A_243 {
          "tpu.trace_start"() <{level = 10 : i32, message = "ep_wait_out"}> : () -> ()
          %rem3A_264 = arith.constant 2 : i32
          %rem3A_265 = arith.remui %scan3A_125, %rem3A_264 : i32
          %mul3A_266 = arith.constant 128 : i32
          %mul3A_267 = arith.muli %mul3A_266, %add3A_140 : i32
          %dma_wait3A_268 = arith.constant 0 : i32
          %dma_wait3A_269 = arith.constant 0 : i32
          %dma_wait3A_270 = tpu.memref_slice %run_scoped3A_8[%rem3A_265, %dma_wait3A_268, %dma_wait3A_269] : memref<2x128x128xf32, #tpu.memory_space<vmem>> -> memref<1x128x128xf32, #tpu.memory_space<vmem>>
          %dma_wait3A_271 = tpu.memref_squeeze %dma_wait3A_270 : memref<1x128x128xf32, #tpu.memory_space<vmem>> -> memref<128x128xf32, #tpu.memory_space<vmem>>
          %dma_wait3A_272 = arith.constant 0 : i32
          %dma_wait3A_273 = tpu.memref_slice %arg4[%mul3A_267, %dma_wait3A_272] : memref<425984x128xf32, #tpu.memory_space<hbm>> -> memref<128x128xf32, #tpu.memory_space<hbm>>
          %dma_wait3A_274 = tpu.memref_slice %run_scoped3A_9[%rem3A_265] : memref<2x!tpu.dma_semaphore, #tpu.memory_space<semaphore_mem>> -> memref<1x!tpu.dma_semaphore, #tpu.memory_space<semaphore_mem>>
          %dma_wait3A_275 = tpu.memref_squeeze %dma_wait3A_274 : memref<1x!tpu.dma_semaphore, #tpu.memory_space<semaphore_mem>> -> memref<!tpu.dma_semaphore, #tpu.memory_space<semaphore_mem>>
          %dma_wait3A_276 = arith.constant 0 : i32
          %dma_wait3A_277 = tpu.memref_slice %arg4[%mul3A_267, %dma_wait3A_276] : memref<425984x128xf32, #tpu.memory_space<hbm>> -> memref<128x128xf32, #tpu.memory_space<hbm>>
          %dma_wait3A_278 = arith.constant 0 : i32
          %dma_wait3A_279 = arith.constant 0 : i32
          %dma_wait3A_280 = tpu.memref_slice %run_scoped3A_8[%rem3A_265, %dma_wait3A_278, %dma_wait3A_279] : memref<2x128x128xf32, #tpu.memory_space<vmem>> -> memref<1x128x128xf32, #tpu.memory_space<vmem>>
          %dma_wait3A_281 = tpu.memref_squeeze %dma_wait3A_280 : memref<1x128x128xf32, #tpu.memory_space<vmem>> -> memref<128x128xf32, #tpu.memory_space<vmem>>
          tpu.wait_dma2 semaphore(%dma_wait3A_275 : memref<!tpu.dma_semaphore, #tpu.memory_space<semaphore_mem>>) src(%dma_wait3A_281 : memref<128x128xf32, #tpu.memory_space<vmem>>) dst(%dma_wait3A_277 : memref<128x128xf32, #tpu.memory_space<hbm>>)
          "tpu.trace_stop"() : () -> ()
        } else {
        }
        %and3A_244 = arith.constant true
        %and3A_245 = arith.andi %and3A_240, %and3A_244 : i1
        %add3A_246 = arith.constant 1 : i32
        %add3A_247 = arith.addi %scan3A_125, %add3A_246 : i32
        %select_n3A_248 = arith.select %and3A_245, %add3A_247, %scan3A_125 : i32
        %ne3A_249 = arith.cmpi ne, %add3A_131, %add3A_149 : i32
        %or3A_250 = arith.constant false
        %or3A_251 = arith.ori %or3A_250, %ne3A_249 : i1
        %or3A_252 = arith.ori %or3A_251, %eq3A_130 : i1
        %add3A_253 = arith.constant 1 : i32
        %add3A_254 = arith.addi %scan3A_123, %add3A_253 : i32
        %select_n3A_255 = arith.select %or3A_252, %add3A_254, %scan3A_123 : i32
        %add3A_256 = arith.constant 1 : i32
        %add3A_257 = arith.addi %scan3A_126, %add3A_256 : i32
        %select_n3A_258 = arith.constant true
        %select_n3A_259 = arith.select %select_n3A_258, %add3A_257, %scan3A_126 : i32
        %eq3A_260 = arith.constant 104 : i32
        %eq3A_261 = arith.cmpi eq, %select_n3A_259, %eq3A_260 : i32
        %select_n3A_262 = arith.constant 0 : i32
        %select_n3A_263 = arith.select %eq3A_261, %select_n3A_262, %select_n3A_259 : i32
        scf.yield %select_n3A_167, %select_n3A_255, %select_n3A_221, %select_n3A_248, %select_n3A_263 : i32, i32, i32, i32, i32
      }
      %scan3A_68 = arith.constant 104 : i32
      %sub3A = arith.constant 1 : i32
      %sub3A_69 = arith.subi %scan3A_67#4, %sub3A : i32
      %select_n3A_70 = arith.constant true
      %select_n3A_71 = arith.select %select_n3A_70, %sub3A_69, %scan3A_67#4 : i32
      %eq3A_72 = arith.constant -1 : i32
      %eq3A_73 = arith.cmpi eq, %select_n3A_71, %eq3A_72 : i32
      %select_n3A_74 = arith.constant 103 : i32
      %select_n3A_75 = arith.select %eq3A_73, %select_n3A_74, %select_n3A_71 : i32
      %add3A_76 = arith.addi %select_n3A_75, %mul3A_6 : i32
      %sub3A_77 = arith.constant 1 : i32
      %sub3A_78 = arith.subi %select_n3A_75, %sub3A_77 : i32
      %select_n3A_79 = arith.constant true
      %select_n3A_80 = arith.select %select_n3A_79, %sub3A_78, %select_n3A_75 : i32
      %eq3A_81 = arith.constant -1 : i32
      %eq3A_82 = arith.cmpi eq, %select_n3A_80, %eq3A_81 : i32
      %select_n3A_83 = arith.constant 103 : i32
      %select_n3A_84 = arith.select %eq3A_82, %select_n3A_83, %select_n3A_80 : i32
      %add3A_85 = arith.addi %select_n3A_84, %mul3A_6 : i32
      %add3A_86 = arith.constant 1 : i32
      %add3A_87 = arith.addi %select_n3A_75, %add3A_86 : i32
      %select_n3A_88 = arith.constant true
      %select_n3A_89 = arith.select %select_n3A_88, %add3A_87, %select_n3A_75 : i32
      %eq3A_90 = arith.constant 104 : i32
      %eq3A_91 = arith.cmpi eq, %select_n3A_89, %eq3A_90 : i32
      %select_n3A_92 = arith.constant 0 : i32
      %select_n3A_93 = arith.select %eq3A_91, %select_n3A_92, %select_n3A_89 : i32
      %add3A_94 = arith.addi %select_n3A_93, %mul3A_6 : i32
      %add3A_95 = arith.constant 1 : i32
      %add3A_96 = arith.addi %select_n3A_93, %add3A_95 : i32
      %select_n3A_97 = arith.constant true
      %select_n3A_98 = arith.select %select_n3A_97, %add3A_96, %select_n3A_93 : i32
      %eq3A_99 = arith.constant 104 : i32
      %eq3A_100 = arith.cmpi eq, %select_n3A_98, %eq3A_99 : i32
      %select_n3A_101 = arith.constant 0 : i32
      %select_n3A_102 = arith.select %eq3A_100, %select_n3A_101, %select_n3A_98 : i32
      %add3A_103 = arith.addi %select_n3A_102, %mul3A_6 : i32
      "tpu.trace_start"() <{level = 10 : i32, message = "ep_finalize"}> : () -> ()
      %rem3A_104 = arith.constant 2 : i32
      %rem3A_105 = arith.remui %scan3A_67#3, %rem3A_104 : i32
      %mul3A_106 = arith.constant 128 : i32
      %mul3A_107 = arith.muli %mul3A_106, %add3A_76 : i32
      %dma_wait3A = arith.constant 0 : i32
      %dma_wait3A_108 = arith.constant 0 : i32
      %dma_wait3A_109 = tpu.memref_slice %run_scoped3A_8[%rem3A_105, %dma_wait3A, %dma_wait3A_108] : memref<2x128x128xf32, #tpu.memory_space<vmem>> -> memref<1x128x128xf32, #tpu.memory_space<vmem>>
      %dma_wait3A_110 = tpu.memref_squeeze %dma_wait3A_109 : memref<1x128x128xf32, #tpu.memory_space<vmem>> -> memref<128x128xf32, #tpu.memory_space<vmem>>
      %dma_wait3A_111 = arith.constant 0 : i32
      %dma_wait3A_112 = tpu.memref_slice %arg4[%mul3A_107, %dma_wait3A_111] : memref<425984x128xf32, #tpu.memory_space<hbm>> -> memref<128x128xf32, #tpu.memory_space<hbm>>
      %dma_wait3A_113 = tpu.memref_slice %run_scoped3A_9[%rem3A_105] : memref<2x!tpu.dma_semaphore, #tpu.memory_space<semaphore_mem>> -> memref<1x!tpu.dma_semaphore, #tpu.memory_space<semaphore_mem>>
      %dma_wait3A_114 = tpu.memref_squeeze %dma_wait3A_113 : memref<1x!tpu.dma_semaphore, #tpu.memory_space<semaphore_mem>> -> memref<!tpu.dma_semaphore, #tpu.memory_space<semaphore_mem>>
      %dma_wait3A_115 = arith.constant 0 : i32
      %dma_wait3A_116 = tpu.memref_slice %arg4[%mul3A_107, %dma_wait3A_115] : memref<425984x128xf32, #tpu.memory_space<hbm>> -> memref<128x128xf32, #tpu.memory_space<hbm>>
      %dma_wait3A_117 = arith.constant 0 : i32
      %dma_wait3A_118 = arith.constant 0 : i32
      %dma_wait3A_119 = tpu.memref_slice %run_scoped3A_8[%rem3A_105, %dma_wait3A_117, %dma_wait3A_118] : memref<2x128x128xf32, #tpu.memory_space<vmem>> -> memref<1x128x128xf32, #tpu.memory_space<vmem>>
      %dma_wait3A_120 = tpu.memref_squeeze %dma_wait3A_119 : memref<1x128x128xf32, #tpu.memory_space<vmem>> -> memref<128x128xf32, #tpu.memory_space<vmem>>
      tpu.wait_dma2 semaphore(%dma_wait3A_114 : memref<!tpu.dma_semaphore, #tpu.memory_space<semaphore_mem>>) src(%dma_wait3A_120 : memref<128x128xf32, #tpu.memory_space<vmem>>) dst(%dma_wait3A_116 : memref<128x128xf32, #tpu.memory_space<hbm>>)
      "tpu.trace_stop"() : () -> ()
      tpu.yield
    }) : () -> ()
    return
  }
}

module attributes {stable_mosaic.version = 14 : i64} {
  func.func @_dense_body(%arg0: i32, %arg1: memref<13x512xf32, #tpu.memory_space<vmem>>, %arg2: memref<26x512x128xf32, #tpu.memory_space<vmem>>, %arg3: memref<26x512xi32, #tpu.memory_space<vmem>>, %arg4: memref<512x13xf32, #tpu.memory_space<vmem>>, %arg5: memref<512x1xf32, #tpu.memory_space<vmem>>, %arg6: memref<256x512xf32, #tpu.memory_space<vmem>>, %arg7: memref<256x1xf32, #tpu.memory_space<vmem>>, %arg8: memref<32x256xf32, #tpu.memory_space<vmem>>, %arg9: memref<32x1xf32, #tpu.memory_space<vmem>>, %arg10: memref<512x383xf32, #tpu.memory_space<vmem>>, %arg11: memref<512x1xf32, #tpu.memory_space<vmem>>, %arg12: memref<256x512xf32, #tpu.memory_space<vmem>>, %arg13: memref<256x1xf32, #tpu.memory_space<vmem>>, %arg14: memref<1x256xf32, #tpu.memory_space<vmem>>, %arg15: memref<1x1xf32, #tpu.memory_space<vmem>>, %arg16: memref<1x512xf32, #tpu.memory_space<vmem>>) attributes {dimension_semantics = [#tpu.dimension_semantics<parallel>], iteration_bounds = array<i64: 32>, scalar_prefetch = 0 : i64, scratch_operands = 0 : i64, tpu.core_type = #tpu.core_type<tc>, window_params = [{transform_indices = @transform_0, window_bounds = array<i64: 13, 512>}, {transform_indices = @transform_1, window_bounds = array<i64: 26, 512, 128>}, {transform_indices = @transform_2, window_bounds = array<i64: 26, 512>}, {pipeline_mode = #tpu.pipeline_mode<synchronous>, transform_indices = @transform_3, window_bounds = array<i64: 512, 13>}, {pipeline_mode = #tpu.pipeline_mode<synchronous>, transform_indices = @transform_4, window_bounds = array<i64: 512, 1>}, {pipeline_mode = #tpu.pipeline_mode<synchronous>, transform_indices = @transform_5, window_bounds = array<i64: 256, 512>}, {pipeline_mode = #tpu.pipeline_mode<synchronous>, transform_indices = @transform_6, window_bounds = array<i64: 256, 1>}, {pipeline_mode = #tpu.pipeline_mode<synchronous>, transform_indices = @transform_7, window_bounds = array<i64: 32, 256>}, {pipeline_mode = #tpu.pipeline_mode<synchronous>, transform_indices = @transform_8, window_bounds = array<i64: 32, 1>}, {pipeline_mode = #tpu.pipeline_mode<synchronous>, transform_indices = @transform_9, window_bounds = array<i64: 512, 383>}, {pipeline_mode = #tpu.pipeline_mode<synchronous>, transform_indices = @transform_10, window_bounds = array<i64: 512, 1>}, {pipeline_mode = #tpu.pipeline_mode<synchronous>, transform_indices = @transform_11, window_bounds = array<i64: 256, 512>}, {pipeline_mode = #tpu.pipeline_mode<synchronous>, transform_indices = @transform_12, window_bounds = array<i64: 256, 1>}, {pipeline_mode = #tpu.pipeline_mode<synchronous>, transform_indices = @transform_13, window_bounds = array<i64: 1, 256>}, {pipeline_mode = #tpu.pipeline_mode<synchronous>, transform_indices = @transform_14, window_bounds = array<i64: 1, 1>}, {transform_indices = @transform_15, window_bounds = array<i64: 1, 512>}]} {
    %get3A = arith.constant 0 : index
    %get3A_0 = arith.constant 0 : index
    %get3A_1 = arith.constant 0 : index
    %get3A_2 = vector.load %arg2[%get3A, %get3A_0, %get3A_1] : memref<26x512x128xf32, #tpu.memory_space<vmem>>, vector<1x512x128xf32>
    %get3A_3 = vector.shape_cast %get3A_2 : vector<1x512x128xf32> to vector<512x128xf32>
    %transpose3A = tpu.transpose %get3A_3, [1, 0] : vector<512x128xf32> -> vector<128x512xf32>
    %get3A_4 = arith.constant 0 : index
    %get3A_5 = arith.constant 0 : index
    %get3A_6 = vector.load %arg3[%get3A_4, %get3A_5] : memref<26x512xi32, #tpu.memory_space<vmem>>, vector<1x512xi32>
    %get3A_7 = vector.shape_cast %get3A_6 : vector<1x512xi32> to vector<512xi32>
    %broadcast_in_dim3A = vector.shape_cast %get3A_7 : vector<512xi32> to vector<1x512xi32>
    %broadcast_in_dim3A_8 = arith.constant 0.000000e+00 : f32
    %broadcast_in_dim3A_9 = vector.broadcast %broadcast_in_dim3A_8 : f32 to vector<32x512xf32>
    %eq3A = arith.constant 0 : i32
    %eq3A_10 = vector.broadcast %eq3A : i32 to vector<1x512xi32>
    %eq3A_11 = arith.cmpi eq, %broadcast_in_dim3A, %eq3A_10 : vector<1x512xi32>
    %slice3A = vector.extract_strided_slice %transpose3A {offsets = [0, 0], sizes = [32, 512], strides = [1, 1]} : vector<128x512xf32> to vector<32x512xf32>
    %jit3A = arith.constant 0.000000e+00 : f32
    %broadcast_in_dim3A_12 = vector.shape_cast %eq3A_11 : vector<1x512xi1> to vector<1x512xi1>
    %broadcast_in_dim3A_13 = vector.broadcast %broadcast_in_dim3A_12 : vector<1x512xi1> to vector<32x512xi1>
    %broadcast_in_dim3A_14 = vector.broadcast %jit3A : f32 to vector<32x512xf32>
    %select_n3A = arith.select %broadcast_in_dim3A_13, %slice3A, %broadcast_in_dim3A_14 : vector<32x512xi1>, vector<32x512xf32>
    %add3A = arith.addf %broadcast_in_dim3A_9, %select_n3A : vector<32x512xf32>
    %eq3A_15 = arith.constant 1 : i32
    %eq3A_16 = vector.broadcast %eq3A_15 : i32 to vector<1x512xi32>
    %eq3A_17 = arith.cmpi eq, %broadcast_in_dim3A, %eq3A_16 : vector<1x512xi32>
    %slice3A_18 = vector.extract_strided_slice %transpose3A {offsets = [32, 0], sizes = [32, 512], strides = [1, 1]} : vector<128x512xf32> to vector<32x512xf32>
    %jit3A_19 = arith.constant 0.000000e+00 : f32
    %broadcast_in_dim3A_20 = vector.shape_cast %eq3A_17 : vector<1x512xi1> to vector<1x512xi1>
    %broadcast_in_dim3A_21 = vector.broadcast %broadcast_in_dim3A_20 : vector<1x512xi1> to vector<32x512xi1>
    %broadcast_in_dim3A_22 = vector.broadcast %jit3A_19 : f32 to vector<32x512xf32>
    %select_n3A_23 = arith.select %broadcast_in_dim3A_21, %slice3A_18, %broadcast_in_dim3A_22 : vector<32x512xi1>, vector<32x512xf32>
    %add3A_24 = arith.addf %add3A, %select_n3A_23 : vector<32x512xf32>
    %eq3A_25 = arith.constant 2 : i32
    %eq3A_26 = vector.broadcast %eq3A_25 : i32 to vector<1x512xi32>
    %eq3A_27 = arith.cmpi eq, %broadcast_in_dim3A, %eq3A_26 : vector<1x512xi32>
    %slice3A_28 = vector.extract_strided_slice %transpose3A {offsets = [64, 0], sizes = [32, 512], strides = [1, 1]} : vector<128x512xf32> to vector<32x512xf32>
    %jit3A_29 = arith.constant 0.000000e+00 : f32
    %broadcast_in_dim3A_30 = vector.shape_cast %eq3A_27 : vector<1x512xi1> to vector<1x512xi1>
    %broadcast_in_dim3A_31 = vector.broadcast %broadcast_in_dim3A_30 : vector<1x512xi1> to vector<32x512xi1>
    %broadcast_in_dim3A_32 = vector.broadcast %jit3A_29 : f32 to vector<32x512xf32>
    %select_n3A_33 = arith.select %broadcast_in_dim3A_31, %slice3A_28, %broadcast_in_dim3A_32 : vector<32x512xi1>, vector<32x512xf32>
    %add3A_34 = arith.addf %add3A_24, %select_n3A_33 : vector<32x512xf32>
    %eq3A_35 = arith.constant 3 : i32
    %eq3A_36 = vector.broadcast %eq3A_35 : i32 to vector<1x512xi32>
    %eq3A_37 = arith.cmpi eq, %broadcast_in_dim3A, %eq3A_36 : vector<1x512xi32>
    %slice3A_38 = vector.extract_strided_slice %transpose3A {offsets = [96, 0], sizes = [32, 512], strides = [1, 1]} : vector<128x512xf32> to vector<32x512xf32>
    %jit3A_39 = arith.constant 0.000000e+00 : f32
    %broadcast_in_dim3A_40 = vector.shape_cast %eq3A_37 : vector<1x512xi1> to vector<1x512xi1>
    %broadcast_in_dim3A_41 = vector.broadcast %broadcast_in_dim3A_40 : vector<1x512xi1> to vector<32x512xi1>
    %broadcast_in_dim3A_42 = vector.broadcast %jit3A_39 : f32 to vector<32x512xf32>
    %select_n3A_43 = arith.select %broadcast_in_dim3A_41, %slice3A_38, %broadcast_in_dim3A_42 : vector<32x512xi1>, vector<32x512xf32>
    %add3A_44 = arith.addf %add3A_34, %select_n3A_43 : vector<32x512xf32>
    %get3A_45 = arith.constant 1 : index
    %get3A_46 = arith.constant 0 : index
    %get3A_47 = arith.constant 0 : index
    %get3A_48 = vector.load %arg2[%get3A_45, %get3A_46, %get3A_47] : memref<26x512x128xf32, #tpu.memory_space<vmem>>, vector<1x512x128xf32>
    %get3A_49 = vector.shape_cast %get3A_48 : vector<1x512x128xf32> to vector<512x128xf32>
    %transpose3A_50 = tpu.transpose %get3A_49, [1, 0] : vector<512x128xf32> -> vector<128x512xf32>
    %get3A_51 = arith.constant 1 : index
    %get3A_52 = arith.constant 0 : index
    %get3A_53 = vector.load %arg3[%get3A_51, %get3A_52] : memref<26x512xi32, #tpu.memory_space<vmem>>, vector<1x512xi32>
    %get3A_54 = vector.shape_cast %get3A_53 : vector<1x512xi32> to vector<512xi32>
    %broadcast_in_dim3A_55 = vector.shape_cast %get3A_54 : vector<512xi32> to vector<1x512xi32>
    %broadcast_in_dim3A_56 = arith.constant 0.000000e+00 : f32
    %broadcast_in_dim3A_57 = vector.broadcast %broadcast_in_dim3A_56 : f32 to vector<32x512xf32>
    %eq3A_58 = arith.constant 0 : i32
    %eq3A_59 = vector.broadcast %eq3A_58 : i32 to vector<1x512xi32>
    %eq3A_60 = arith.cmpi eq, %broadcast_in_dim3A_55, %eq3A_59 : vector<1x512xi32>
    %slice3A_61 = vector.extract_strided_slice %transpose3A_50 {offsets = [0, 0], sizes = [32, 512], strides = [1, 1]} : vector<128x512xf32> to vector<32x512xf32>
    %jit3A_62 = arith.constant 0.000000e+00 : f32
    %broadcast_in_dim3A_63 = vector.shape_cast %eq3A_60 : vector<1x512xi1> to vector<1x512xi1>
    %broadcast_in_dim3A_64 = vector.broadcast %broadcast_in_dim3A_63 : vector<1x512xi1> to vector<32x512xi1>
    %broadcast_in_dim3A_65 = vector.broadcast %jit3A_62 : f32 to vector<32x512xf32>
    %select_n3A_66 = arith.select %broadcast_in_dim3A_64, %slice3A_61, %broadcast_in_dim3A_65 : vector<32x512xi1>, vector<32x512xf32>
    %add3A_67 = arith.addf %broadcast_in_dim3A_57, %select_n3A_66 : vector<32x512xf32>
    %eq3A_68 = arith.constant 1 : i32
    %eq3A_69 = vector.broadcast %eq3A_68 : i32 to vector<1x512xi32>
    %eq3A_70 = arith.cmpi eq, %broadcast_in_dim3A_55, %eq3A_69 : vector<1x512xi32>
    %slice3A_71 = vector.extract_strided_slice %transpose3A_50 {offsets = [32, 0], sizes = [32, 512], strides = [1, 1]} : vector<128x512xf32> to vector<32x512xf32>
    %jit3A_72 = arith.constant 0.000000e+00 : f32
    %broadcast_in_dim3A_73 = vector.shape_cast %eq3A_70 : vector<1x512xi1> to vector<1x512xi1>
    %broadcast_in_dim3A_74 = vector.broadcast %broadcast_in_dim3A_73 : vector<1x512xi1> to vector<32x512xi1>
    %broadcast_in_dim3A_75 = vector.broadcast %jit3A_72 : f32 to vector<32x512xf32>
    %select_n3A_76 = arith.select %broadcast_in_dim3A_74, %slice3A_71, %broadcast_in_dim3A_75 : vector<32x512xi1>, vector<32x512xf32>
    %add3A_77 = arith.addf %add3A_67, %select_n3A_76 : vector<32x512xf32>
    %eq3A_78 = arith.constant 2 : i32
    %eq3A_79 = vector.broadcast %eq3A_78 : i32 to vector<1x512xi32>
    %eq3A_80 = arith.cmpi eq, %broadcast_in_dim3A_55, %eq3A_79 : vector<1x512xi32>
    %slice3A_81 = vector.extract_strided_slice %transpose3A_50 {offsets = [64, 0], sizes = [32, 512], strides = [1, 1]} : vector<128x512xf32> to vector<32x512xf32>
    %jit3A_82 = arith.constant 0.000000e+00 : f32
    %broadcast_in_dim3A_83 = vector.shape_cast %eq3A_80 : vector<1x512xi1> to vector<1x512xi1>
    %broadcast_in_dim3A_84 = vector.broadcast %broadcast_in_dim3A_83 : vector<1x512xi1> to vector<32x512xi1>
    %broadcast_in_dim3A_85 = vector.broadcast %jit3A_82 : f32 to vector<32x512xf32>
    %select_n3A_86 = arith.select %broadcast_in_dim3A_84, %slice3A_81, %broadcast_in_dim3A_85 : vector<32x512xi1>, vector<32x512xf32>
    %add3A_87 = arith.addf %add3A_77, %select_n3A_86 : vector<32x512xf32>
    %eq3A_88 = arith.constant 3 : i32
    %eq3A_89 = vector.broadcast %eq3A_88 : i32 to vector<1x512xi32>
    %eq3A_90 = arith.cmpi eq, %broadcast_in_dim3A_55, %eq3A_89 : vector<1x512xi32>
    %slice3A_91 = vector.extract_strided_slice %transpose3A_50 {offsets = [96, 0], sizes = [32, 512], strides = [1, 1]} : vector<128x512xf32> to vector<32x512xf32>
    %jit3A_92 = arith.constant 0.000000e+00 : f32
    %broadcast_in_dim3A_93 = vector.shape_cast %eq3A_90 : vector<1x512xi1> to vector<1x512xi1>
    %broadcast_in_dim3A_94 = vector.broadcast %broadcast_in_dim3A_93 : vector<1x512xi1> to vector<32x512xi1>
    %broadcast_in_dim3A_95 = vector.broadcast %jit3A_92 : f32 to vector<32x512xf32>
    %select_n3A_96 = arith.select %broadcast_in_dim3A_94, %slice3A_91, %broadcast_in_dim3A_95 : vector<32x512xi1>, vector<32x512xf32>
    %add3A_97 = arith.addf %add3A_87, %select_n3A_96 : vector<32x512xf32>
    %get3A_98 = arith.constant 2 : index
    %get3A_99 = arith.constant 0 : index
    %get3A_100 = arith.constant 0 : index
    %get3A_101 = vector.load %arg2[%get3A_98, %get3A_99, %get3A_100] : memref<26x512x128xf32, #tpu.memory_space<vmem>>, vector<1x512x128xf32>
    %get3A_102 = vector.shape_cast %get3A_101 : vector<1x512x128xf32> to vector<512x128xf32>
    %transpose3A_103 = tpu.transpose %get3A_102, [1, 0] : vector<512x128xf32> -> vector<128x512xf32>
    %get3A_104 = arith.constant 2 : index
    %get3A_105 = arith.constant 0 : index
    %get3A_106 = vector.load %arg3[%get3A_104, %get3A_105] : memref<26x512xi32, #tpu.memory_space<vmem>>, vector<1x512xi32>
    %get3A_107 = vector.shape_cast %get3A_106 : vector<1x512xi32> to vector<512xi32>
    %broadcast_in_dim3A_108 = vector.shape_cast %get3A_107 : vector<512xi32> to vector<1x512xi32>
    %broadcast_in_dim3A_109 = arith.constant 0.000000e+00 : f32
    %broadcast_in_dim3A_110 = vector.broadcast %broadcast_in_dim3A_109 : f32 to vector<32x512xf32>
    %eq3A_111 = arith.constant 0 : i32
    %eq3A_112 = vector.broadcast %eq3A_111 : i32 to vector<1x512xi32>
    %eq3A_113 = arith.cmpi eq, %broadcast_in_dim3A_108, %eq3A_112 : vector<1x512xi32>
    %slice3A_114 = vector.extract_strided_slice %transpose3A_103 {offsets = [0, 0], sizes = [32, 512], strides = [1, 1]} : vector<128x512xf32> to vector<32x512xf32>
    %jit3A_115 = arith.constant 0.000000e+00 : f32
    %broadcast_in_dim3A_116 = vector.shape_cast %eq3A_113 : vector<1x512xi1> to vector<1x512xi1>
    %broadcast_in_dim3A_117 = vector.broadcast %broadcast_in_dim3A_116 : vector<1x512xi1> to vector<32x512xi1>
    %broadcast_in_dim3A_118 = vector.broadcast %jit3A_115 : f32 to vector<32x512xf32>
    %select_n3A_119 = arith.select %broadcast_in_dim3A_117, %slice3A_114, %broadcast_in_dim3A_118 : vector<32x512xi1>, vector<32x512xf32>
    %add3A_120 = arith.addf %broadcast_in_dim3A_110, %select_n3A_119 : vector<32x512xf32>
    %eq3A_121 = arith.constant 1 : i32
    %eq3A_122 = vector.broadcast %eq3A_121 : i32 to vector<1x512xi32>
    %eq3A_123 = arith.cmpi eq, %broadcast_in_dim3A_108, %eq3A_122 : vector<1x512xi32>
    %slice3A_124 = vector.extract_strided_slice %transpose3A_103 {offsets = [32, 0], sizes = [32, 512], strides = [1, 1]} : vector<128x512xf32> to vector<32x512xf32>
    %jit3A_125 = arith.constant 0.000000e+00 : f32
    %broadcast_in_dim3A_126 = vector.shape_cast %eq3A_123 : vector<1x512xi1> to vector<1x512xi1>
    %broadcast_in_dim3A_127 = vector.broadcast %broadcast_in_dim3A_126 : vector<1x512xi1> to vector<32x512xi1>
    %broadcast_in_dim3A_128 = vector.broadcast %jit3A_125 : f32 to vector<32x512xf32>
    %select_n3A_129 = arith.select %broadcast_in_dim3A_127, %slice3A_124, %broadcast_in_dim3A_128 : vector<32x512xi1>, vector<32x512xf32>
    %add3A_130 = arith.addf %add3A_120, %select_n3A_129 : vector<32x512xf32>
    %eq3A_131 = arith.constant 2 : i32
    %eq3A_132 = vector.broadcast %eq3A_131 : i32 to vector<1x512xi32>
    %eq3A_133 = arith.cmpi eq, %broadcast_in_dim3A_108, %eq3A_132 : vector<1x512xi32>
    %slice3A_134 = vector.extract_strided_slice %transpose3A_103 {offsets = [64, 0], sizes = [32, 512], strides = [1, 1]} : vector<128x512xf32> to vector<32x512xf32>
    %jit3A_135 = arith.constant 0.000000e+00 : f32
    %broadcast_in_dim3A_136 = vector.shape_cast %eq3A_133 : vector<1x512xi1> to vector<1x512xi1>
    %broadcast_in_dim3A_137 = vector.broadcast %broadcast_in_dim3A_136 : vector<1x512xi1> to vector<32x512xi1>
    %broadcast_in_dim3A_138 = vector.broadcast %jit3A_135 : f32 to vector<32x512xf32>
    %select_n3A_139 = arith.select %broadcast_in_dim3A_137, %slice3A_134, %broadcast_in_dim3A_138 : vector<32x512xi1>, vector<32x512xf32>
    %add3A_140 = arith.addf %add3A_130, %select_n3A_139 : vector<32x512xf32>
    %eq3A_141 = arith.constant 3 : i32
    %eq3A_142 = vector.broadcast %eq3A_141 : i32 to vector<1x512xi32>
    %eq3A_143 = arith.cmpi eq, %broadcast_in_dim3A_108, %eq3A_142 : vector<1x512xi32>
    %slice3A_144 = vector.extract_strided_slice %transpose3A_103 {offsets = [96, 0], sizes = [32, 512], strides = [1, 1]} : vector<128x512xf32> to vector<32x512xf32>
    %jit3A_145 = arith.constant 0.000000e+00 : f32
    %broadcast_in_dim3A_146 = vector.shape_cast %eq3A_143 : vector<1x512xi1> to vector<1x512xi1>
    %broadcast_in_dim3A_147 = vector.broadcast %broadcast_in_dim3A_146 : vector<1x512xi1> to vector<32x512xi1>
    %broadcast_in_dim3A_148 = vector.broadcast %jit3A_145 : f32 to vector<32x512xf32>
    %select_n3A_149 = arith.select %broadcast_in_dim3A_147, %slice3A_144, %broadcast_in_dim3A_148 : vector<32x512xi1>, vector<32x512xf32>
    %add3A_150 = arith.addf %add3A_140, %select_n3A_149 : vector<32x512xf32>
    %get3A_151 = arith.constant 3 : index
    %get3A_152 = arith.constant 0 : index
    %get3A_153 = arith.constant 0 : index
    %get3A_154 = vector.load %arg2[%get3A_151, %get3A_152, %get3A_153] : memref<26x512x128xf32, #tpu.memory_space<vmem>>, vector<1x512x128xf32>
    %get3A_155 = vector.shape_cast %get3A_154 : vector<1x512x128xf32> to vector<512x128xf32>
    %transpose3A_156 = tpu.transpose %get3A_155, [1, 0] : vector<512x128xf32> -> vector<128x512xf32>
    %get3A_157 = arith.constant 3 : index
    %get3A_158 = arith.constant 0 : index
    %get3A_159 = vector.load %arg3[%get3A_157, %get3A_158] : memref<26x512xi32, #tpu.memory_space<vmem>>, vector<1x512xi32>
    %get3A_160 = vector.shape_cast %get3A_159 : vector<1x512xi32> to vector<512xi32>
    %broadcast_in_dim3A_161 = vector.shape_cast %get3A_160 : vector<512xi32> to vector<1x512xi32>
    %broadcast_in_dim3A_162 = arith.constant 0.000000e+00 : f32
    %broadcast_in_dim3A_163 = vector.broadcast %broadcast_in_dim3A_162 : f32 to vector<32x512xf32>
    %eq3A_164 = arith.constant 0 : i32
    %eq3A_165 = vector.broadcast %eq3A_164 : i32 to vector<1x512xi32>
    %eq3A_166 = arith.cmpi eq, %broadcast_in_dim3A_161, %eq3A_165 : vector<1x512xi32>
    %slice3A_167 = vector.extract_strided_slice %transpose3A_156 {offsets = [0, 0], sizes = [32, 512], strides = [1, 1]} : vector<128x512xf32> to vector<32x512xf32>
    %jit3A_168 = arith.constant 0.000000e+00 : f32
    %broadcast_in_dim3A_169 = vector.shape_cast %eq3A_166 : vector<1x512xi1> to vector<1x512xi1>
    %broadcast_in_dim3A_170 = vector.broadcast %broadcast_in_dim3A_169 : vector<1x512xi1> to vector<32x512xi1>
    %broadcast_in_dim3A_171 = vector.broadcast %jit3A_168 : f32 to vector<32x512xf32>
    %select_n3A_172 = arith.select %broadcast_in_dim3A_170, %slice3A_167, %broadcast_in_dim3A_171 : vector<32x512xi1>, vector<32x512xf32>
    %add3A_173 = arith.addf %broadcast_in_dim3A_163, %select_n3A_172 : vector<32x512xf32>
    %eq3A_174 = arith.constant 1 : i32
    %eq3A_175 = vector.broadcast %eq3A_174 : i32 to vector<1x512xi32>
    %eq3A_176 = arith.cmpi eq, %broadcast_in_dim3A_161, %eq3A_175 : vector<1x512xi32>
    %slice3A_177 = vector.extract_strided_slice %transpose3A_156 {offsets = [32, 0], sizes = [32, 512], strides = [1, 1]} : vector<128x512xf32> to vector<32x512xf32>
    %jit3A_178 = arith.constant 0.000000e+00 : f32
    %broadcast_in_dim3A_179 = vector.shape_cast %eq3A_176 : vector<1x512xi1> to vector<1x512xi1>
    %broadcast_in_dim3A_180 = vector.broadcast %broadcast_in_dim3A_179 : vector<1x512xi1> to vector<32x512xi1>
    %broadcast_in_dim3A_181 = vector.broadcast %jit3A_178 : f32 to vector<32x512xf32>
    %select_n3A_182 = arith.select %broadcast_in_dim3A_180, %slice3A_177, %broadcast_in_dim3A_181 : vector<32x512xi1>, vector<32x512xf32>
    %add3A_183 = arith.addf %add3A_173, %select_n3A_182 : vector<32x512xf32>
    %eq3A_184 = arith.constant 2 : i32
    %eq3A_185 = vector.broadcast %eq3A_184 : i32 to vector<1x512xi32>
    %eq3A_186 = arith.cmpi eq, %broadcast_in_dim3A_161, %eq3A_185 : vector<1x512xi32>
    %slice3A_187 = vector.extract_strided_slice %transpose3A_156 {offsets = [64, 0], sizes = [32, 512], strides = [1, 1]} : vector<128x512xf32> to vector<32x512xf32>
    %jit3A_188 = arith.constant 0.000000e+00 : f32
    %broadcast_in_dim3A_189 = vector.shape_cast %eq3A_186 : vector<1x512xi1> to vector<1x512xi1>
    %broadcast_in_dim3A_190 = vector.broadcast %broadcast_in_dim3A_189 : vector<1x512xi1> to vector<32x512xi1>
    %broadcast_in_dim3A_191 = vector.broadcast %jit3A_188 : f32 to vector<32x512xf32>
    %select_n3A_192 = arith.select %broadcast_in_dim3A_190, %slice3A_187, %broadcast_in_dim3A_191 : vector<32x512xi1>, vector<32x512xf32>
    %add3A_193 = arith.addf %add3A_183, %select_n3A_192 : vector<32x512xf32>
    %eq3A_194 = arith.constant 3 : i32
    %eq3A_195 = vector.broadcast %eq3A_194 : i32 to vector<1x512xi32>
    %eq3A_196 = arith.cmpi eq, %broadcast_in_dim3A_161, %eq3A_195 : vector<1x512xi32>
    %slice3A_197 = vector.extract_strided_slice %transpose3A_156 {offsets = [96, 0], sizes = [32, 512], strides = [1, 1]} : vector<128x512xf32> to vector<32x512xf32>
    %jit3A_198 = arith.constant 0.000000e+00 : f32
    %broadcast_in_dim3A_199 = vector.shape_cast %eq3A_196 : vector<1x512xi1> to vector<1x512xi1>
    %broadcast_in_dim3A_200 = vector.broadcast %broadcast_in_dim3A_199 : vector<1x512xi1> to vector<32x512xi1>
    %broadcast_in_dim3A_201 = vector.broadcast %jit3A_198 : f32 to vector<32x512xf32>
    %select_n3A_202 = arith.select %broadcast_in_dim3A_200, %slice3A_197, %broadcast_in_dim3A_201 : vector<32x512xi1>, vector<32x512xf32>
    %add3A_203 = arith.addf %add3A_193, %select_n3A_202 : vector<32x512xf32>
    %get3A_204 = arith.constant 4 : index
    %get3A_205 = arith.constant 0 : index
    %get3A_206 = arith.constant 0 : index
    %get3A_207 = vector.load %arg2[%get3A_204, %get3A_205, %get3A_206] : memref<26x512x128xf32, #tpu.memory_space<vmem>>, vector<1x512x128xf32>
    %get3A_208 = vector.shape_cast %get3A_207 : vector<1x512x128xf32> to vector<512x128xf32>
    %transpose3A_209 = tpu.transpose %get3A_208, [1, 0] : vector<512x128xf32> -> vector<128x512xf32>
    %get3A_210 = arith.constant 4 : index
    %get3A_211 = arith.constant 0 : index
    %get3A_212 = vector.load %arg3[%get3A_210, %get3A_211] : memref<26x512xi32, #tpu.memory_space<vmem>>, vector<1x512xi32>
    %get3A_213 = vector.shape_cast %get3A_212 : vector<1x512xi32> to vector<512xi32>
    %broadcast_in_dim3A_214 = vector.shape_cast %get3A_213 : vector<512xi32> to vector<1x512xi32>
    %broadcast_in_dim3A_215 = arith.constant 0.000000e+00 : f32
    %broadcast_in_dim3A_216 = vector.broadcast %broadcast_in_dim3A_215 : f32 to vector<32x512xf32>
    %eq3A_217 = arith.constant 0 : i32
    %eq3A_218 = vector.broadcast %eq3A_217 : i32 to vector<1x512xi32>
    %eq3A_219 = arith.cmpi eq, %broadcast_in_dim3A_214, %eq3A_218 : vector<1x512xi32>
    %slice3A_220 = vector.extract_strided_slice %transpose3A_209 {offsets = [0, 0], sizes = [32, 512], strides = [1, 1]} : vector<128x512xf32> to vector<32x512xf32>
    %jit3A_221 = arith.constant 0.000000e+00 : f32
    %broadcast_in_dim3A_222 = vector.shape_cast %eq3A_219 : vector<1x512xi1> to vector<1x512xi1>
    %broadcast_in_dim3A_223 = vector.broadcast %broadcast_in_dim3A_222 : vector<1x512xi1> to vector<32x512xi1>
    %broadcast_in_dim3A_224 = vector.broadcast %jit3A_221 : f32 to vector<32x512xf32>
    %select_n3A_225 = arith.select %broadcast_in_dim3A_223, %slice3A_220, %broadcast_in_dim3A_224 : vector<32x512xi1>, vector<32x512xf32>
    %add3A_226 = arith.addf %broadcast_in_dim3A_216, %select_n3A_225 : vector<32x512xf32>
    %eq3A_227 = arith.constant 1 : i32
    %eq3A_228 = vector.broadcast %eq3A_227 : i32 to vector<1x512xi32>
    %eq3A_229 = arith.cmpi eq, %broadcast_in_dim3A_214, %eq3A_228 : vector<1x512xi32>
    %slice3A_230 = vector.extract_strided_slice %transpose3A_209 {offsets = [32, 0], sizes = [32, 512], strides = [1, 1]} : vector<128x512xf32> to vector<32x512xf32>
    %jit3A_231 = arith.constant 0.000000e+00 : f32
    %broadcast_in_dim3A_232 = vector.shape_cast %eq3A_229 : vector<1x512xi1> to vector<1x512xi1>
    %broadcast_in_dim3A_233 = vector.broadcast %broadcast_in_dim3A_232 : vector<1x512xi1> to vector<32x512xi1>
    %broadcast_in_dim3A_234 = vector.broadcast %jit3A_231 : f32 to vector<32x512xf32>
    %select_n3A_235 = arith.select %broadcast_in_dim3A_233, %slice3A_230, %broadcast_in_dim3A_234 : vector<32x512xi1>, vector<32x512xf32>
    %add3A_236 = arith.addf %add3A_226, %select_n3A_235 : vector<32x512xf32>
    %eq3A_237 = arith.constant 2 : i32
    %eq3A_238 = vector.broadcast %eq3A_237 : i32 to vector<1x512xi32>
    %eq3A_239 = arith.cmpi eq, %broadcast_in_dim3A_214, %eq3A_238 : vector<1x512xi32>
    %slice3A_240 = vector.extract_strided_slice %transpose3A_209 {offsets = [64, 0], sizes = [32, 512], strides = [1, 1]} : vector<128x512xf32> to vector<32x512xf32>
    %jit3A_241 = arith.constant 0.000000e+00 : f32
    %broadcast_in_dim3A_242 = vector.shape_cast %eq3A_239 : vector<1x512xi1> to vector<1x512xi1>
    %broadcast_in_dim3A_243 = vector.broadcast %broadcast_in_dim3A_242 : vector<1x512xi1> to vector<32x512xi1>
    %broadcast_in_dim3A_244 = vector.broadcast %jit3A_241 : f32 to vector<32x512xf32>
    %select_n3A_245 = arith.select %broadcast_in_dim3A_243, %slice3A_240, %broadcast_in_dim3A_244 : vector<32x512xi1>, vector<32x512xf32>
    %add3A_246 = arith.addf %add3A_236, %select_n3A_245 : vector<32x512xf32>
    %eq3A_247 = arith.constant 3 : i32
    %eq3A_248 = vector.broadcast %eq3A_247 : i32 to vector<1x512xi32>
    %eq3A_249 = arith.cmpi eq, %broadcast_in_dim3A_214, %eq3A_248 : vector<1x512xi32>
    %slice3A_250 = vector.extract_strided_slice %transpose3A_209 {offsets = [96, 0], sizes = [32, 512], strides = [1, 1]} : vector<128x512xf32> to vector<32x512xf32>
    %jit3A_251 = arith.constant 0.000000e+00 : f32
    %broadcast_in_dim3A_252 = vector.shape_cast %eq3A_249 : vector<1x512xi1> to vector<1x512xi1>
    %broadcast_in_dim3A_253 = vector.broadcast %broadcast_in_dim3A_252 : vector<1x512xi1> to vector<32x512xi1>
    %broadcast_in_dim3A_254 = vector.broadcast %jit3A_251 : f32 to vector<32x512xf32>
    %select_n3A_255 = arith.select %broadcast_in_dim3A_253, %slice3A_250, %broadcast_in_dim3A_254 : vector<32x512xi1>, vector<32x512xf32>
    %add3A_256 = arith.addf %add3A_246, %select_n3A_255 : vector<32x512xf32>
    %get3A_257 = arith.constant 5 : index
    %get3A_258 = arith.constant 0 : index
    %get3A_259 = arith.constant 0 : index
    %get3A_260 = vector.load %arg2[%get3A_257, %get3A_258, %get3A_259] : memref<26x512x128xf32, #tpu.memory_space<vmem>>, vector<1x512x128xf32>
    %get3A_261 = vector.shape_cast %get3A_260 : vector<1x512x128xf32> to vector<512x128xf32>
    %transpose3A_262 = tpu.transpose %get3A_261, [1, 0] : vector<512x128xf32> -> vector<128x512xf32>
    %get3A_263 = arith.constant 5 : index
    %get3A_264 = arith.constant 0 : index
    %get3A_265 = vector.load %arg3[%get3A_263, %get3A_264] : memref<26x512xi32, #tpu.memory_space<vmem>>, vector<1x512xi32>
    %get3A_266 = vector.shape_cast %get3A_265 : vector<1x512xi32> to vector<512xi32>
    %broadcast_in_dim3A_267 = vector.shape_cast %get3A_266 : vector<512xi32> to vector<1x512xi32>
    %broadcast_in_dim3A_268 = arith.constant 0.000000e+00 : f32
    %broadcast_in_dim3A_269 = vector.broadcast %broadcast_in_dim3A_268 : f32 to vector<32x512xf32>
    %eq3A_270 = arith.constant 0 : i32
    %eq3A_271 = vector.broadcast %eq3A_270 : i32 to vector<1x512xi32>
    %eq3A_272 = arith.cmpi eq, %broadcast_in_dim3A_267, %eq3A_271 : vector<1x512xi32>
    %slice3A_273 = vector.extract_strided_slice %transpose3A_262 {offsets = [0, 0], sizes = [32, 512], strides = [1, 1]} : vector<128x512xf32> to vector<32x512xf32>
    %jit3A_274 = arith.constant 0.000000e+00 : f32
    %broadcast_in_dim3A_275 = vector.shape_cast %eq3A_272 : vector<1x512xi1> to vector<1x512xi1>
    %broadcast_in_dim3A_276 = vector.broadcast %broadcast_in_dim3A_275 : vector<1x512xi1> to vector<32x512xi1>
    %broadcast_in_dim3A_277 = vector.broadcast %jit3A_274 : f32 to vector<32x512xf32>
    %select_n3A_278 = arith.select %broadcast_in_dim3A_276, %slice3A_273, %broadcast_in_dim3A_277 : vector<32x512xi1>, vector<32x512xf32>
    %add3A_279 = arith.addf %broadcast_in_dim3A_269, %select_n3A_278 : vector<32x512xf32>
    %eq3A_280 = arith.constant 1 : i32
    %eq3A_281 = vector.broadcast %eq3A_280 : i32 to vector<1x512xi32>
    %eq3A_282 = arith.cmpi eq, %broadcast_in_dim3A_267, %eq3A_281 : vector<1x512xi32>
    %slice3A_283 = vector.extract_strided_slice %transpose3A_262 {offsets = [32, 0], sizes = [32, 512], strides = [1, 1]} : vector<128x512xf32> to vector<32x512xf32>
    %jit3A_284 = arith.constant 0.000000e+00 : f32
    %broadcast_in_dim3A_285 = vector.shape_cast %eq3A_282 : vector<1x512xi1> to vector<1x512xi1>
    %broadcast_in_dim3A_286 = vector.broadcast %broadcast_in_dim3A_285 : vector<1x512xi1> to vector<32x512xi1>
    %broadcast_in_dim3A_287 = vector.broadcast %jit3A_284 : f32 to vector<32x512xf32>
    %select_n3A_288 = arith.select %broadcast_in_dim3A_286, %slice3A_283, %broadcast_in_dim3A_287 : vector<32x512xi1>, vector<32x512xf32>
    %add3A_289 = arith.addf %add3A_279, %select_n3A_288 : vector<32x512xf32>
    %eq3A_290 = arith.constant 2 : i32
    %eq3A_291 = vector.broadcast %eq3A_290 : i32 to vector<1x512xi32>
    %eq3A_292 = arith.cmpi eq, %broadcast_in_dim3A_267, %eq3A_291 : vector<1x512xi32>
    %slice3A_293 = vector.extract_strided_slice %transpose3A_262 {offsets = [64, 0], sizes = [32, 512], strides = [1, 1]} : vector<128x512xf32> to vector<32x512xf32>
    %jit3A_294 = arith.constant 0.000000e+00 : f32
    %broadcast_in_dim3A_295 = vector.shape_cast %eq3A_292 : vector<1x512xi1> to vector<1x512xi1>
    %broadcast_in_dim3A_296 = vector.broadcast %broadcast_in_dim3A_295 : vector<1x512xi1> to vector<32x512xi1>
    %broadcast_in_dim3A_297 = vector.broadcast %jit3A_294 : f32 to vector<32x512xf32>
    %select_n3A_298 = arith.select %broadcast_in_dim3A_296, %slice3A_293, %broadcast_in_dim3A_297 : vector<32x512xi1>, vector<32x512xf32>
    %add3A_299 = arith.addf %add3A_289, %select_n3A_298 : vector<32x512xf32>
    %eq3A_300 = arith.constant 3 : i32
    %eq3A_301 = vector.broadcast %eq3A_300 : i32 to vector<1x512xi32>
    %eq3A_302 = arith.cmpi eq, %broadcast_in_dim3A_267, %eq3A_301 : vector<1x512xi32>
    %slice3A_303 = vector.extract_strided_slice %transpose3A_262 {offsets = [96, 0], sizes = [32, 512], strides = [1, 1]} : vector<128x512xf32> to vector<32x512xf32>
    %jit3A_304 = arith.constant 0.000000e+00 : f32
    %broadcast_in_dim3A_305 = vector.shape_cast %eq3A_302 : vector<1x512xi1> to vector<1x512xi1>
    %broadcast_in_dim3A_306 = vector.broadcast %broadcast_in_dim3A_305 : vector<1x512xi1> to vector<32x512xi1>
    %broadcast_in_dim3A_307 = vector.broadcast %jit3A_304 : f32 to vector<32x512xf32>
    %select_n3A_308 = arith.select %broadcast_in_dim3A_306, %slice3A_303, %broadcast_in_dim3A_307 : vector<32x512xi1>, vector<32x512xf32>
    %add3A_309 = arith.addf %add3A_299, %select_n3A_308 : vector<32x512xf32>
    %get3A_310 = arith.constant 6 : index
    %get3A_311 = arith.constant 0 : index
    %get3A_312 = arith.constant 0 : index
    %get3A_313 = vector.load %arg2[%get3A_310, %get3A_311, %get3A_312] : memref<26x512x128xf32, #tpu.memory_space<vmem>>, vector<1x512x128xf32>
    %get3A_314 = vector.shape_cast %get3A_313 : vector<1x512x128xf32> to vector<512x128xf32>
    %transpose3A_315 = tpu.transpose %get3A_314, [1, 0] : vector<512x128xf32> -> vector<128x512xf32>
    %get3A_316 = arith.constant 6 : index
    %get3A_317 = arith.constant 0 : index
    %get3A_318 = vector.load %arg3[%get3A_316, %get3A_317] : memref<26x512xi32, #tpu.memory_space<vmem>>, vector<1x512xi32>
    %get3A_319 = vector.shape_cast %get3A_318 : vector<1x512xi32> to vector<512xi32>
    %broadcast_in_dim3A_320 = vector.shape_cast %get3A_319 : vector<512xi32> to vector<1x512xi32>
    %broadcast_in_dim3A_321 = arith.constant 0.000000e+00 : f32
    %broadcast_in_dim3A_322 = vector.broadcast %broadcast_in_dim3A_321 : f32 to vector<32x512xf32>
    %eq3A_323 = arith.constant 0 : i32
    %eq3A_324 = vector.broadcast %eq3A_323 : i32 to vector<1x512xi32>
    %eq3A_325 = arith.cmpi eq, %broadcast_in_dim3A_320, %eq3A_324 : vector<1x512xi32>
    %slice3A_326 = vector.extract_strided_slice %transpose3A_315 {offsets = [0, 0], sizes = [32, 512], strides = [1, 1]} : vector<128x512xf32> to vector<32x512xf32>
    %jit3A_327 = arith.constant 0.000000e+00 : f32
    %broadcast_in_dim3A_328 = vector.shape_cast %eq3A_325 : vector<1x512xi1> to vector<1x512xi1>
    %broadcast_in_dim3A_329 = vector.broadcast %broadcast_in_dim3A_328 : vector<1x512xi1> to vector<32x512xi1>
    %broadcast_in_dim3A_330 = vector.broadcast %jit3A_327 : f32 to vector<32x512xf32>
    %select_n3A_331 = arith.select %broadcast_in_dim3A_329, %slice3A_326, %broadcast_in_dim3A_330 : vector<32x512xi1>, vector<32x512xf32>
    %add3A_332 = arith.addf %broadcast_in_dim3A_322, %select_n3A_331 : vector<32x512xf32>
    %eq3A_333 = arith.constant 1 : i32
    %eq3A_334 = vector.broadcast %eq3A_333 : i32 to vector<1x512xi32>
    %eq3A_335 = arith.cmpi eq, %broadcast_in_dim3A_320, %eq3A_334 : vector<1x512xi32>
    %slice3A_336 = vector.extract_strided_slice %transpose3A_315 {offsets = [32, 0], sizes = [32, 512], strides = [1, 1]} : vector<128x512xf32> to vector<32x512xf32>
    %jit3A_337 = arith.constant 0.000000e+00 : f32
    %broadcast_in_dim3A_338 = vector.shape_cast %eq3A_335 : vector<1x512xi1> to vector<1x512xi1>
    %broadcast_in_dim3A_339 = vector.broadcast %broadcast_in_dim3A_338 : vector<1x512xi1> to vector<32x512xi1>
    %broadcast_in_dim3A_340 = vector.broadcast %jit3A_337 : f32 to vector<32x512xf32>
    %select_n3A_341 = arith.select %broadcast_in_dim3A_339, %slice3A_336, %broadcast_in_dim3A_340 : vector<32x512xi1>, vector<32x512xf32>
    %add3A_342 = arith.addf %add3A_332, %select_n3A_341 : vector<32x512xf32>
    %eq3A_343 = arith.constant 2 : i32
    %eq3A_344 = vector.broadcast %eq3A_343 : i32 to vector<1x512xi32>
    %eq3A_345 = arith.cmpi eq, %broadcast_in_dim3A_320, %eq3A_344 : vector<1x512xi32>
    %slice3A_346 = vector.extract_strided_slice %transpose3A_315 {offsets = [64, 0], sizes = [32, 512], strides = [1, 1]} : vector<128x512xf32> to vector<32x512xf32>
    %jit3A_347 = arith.constant 0.000000e+00 : f32
    %broadcast_in_dim3A_348 = vector.shape_cast %eq3A_345 : vector<1x512xi1> to vector<1x512xi1>
    %broadcast_in_dim3A_349 = vector.broadcast %broadcast_in_dim3A_348 : vector<1x512xi1> to vector<32x512xi1>
    %broadcast_in_dim3A_350 = vector.broadcast %jit3A_347 : f32 to vector<32x512xf32>
    %select_n3A_351 = arith.select %broadcast_in_dim3A_349, %slice3A_346, %broadcast_in_dim3A_350 : vector<32x512xi1>, vector<32x512xf32>
    %add3A_352 = arith.addf %add3A_342, %select_n3A_351 : vector<32x512xf32>
    %eq3A_353 = arith.constant 3 : i32
    %eq3A_354 = vector.broadcast %eq3A_353 : i32 to vector<1x512xi32>
    %eq3A_355 = arith.cmpi eq, %broadcast_in_dim3A_320, %eq3A_354 : vector<1x512xi32>
    %slice3A_356 = vector.extract_strided_slice %transpose3A_315 {offsets = [96, 0], sizes = [32, 512], strides = [1, 1]} : vector<128x512xf32> to vector<32x512xf32>
    %jit3A_357 = arith.constant 0.000000e+00 : f32
    %broadcast_in_dim3A_358 = vector.shape_cast %eq3A_355 : vector<1x512xi1> to vector<1x512xi1>
    %broadcast_in_dim3A_359 = vector.broadcast %broadcast_in_dim3A_358 : vector<1x512xi1> to vector<32x512xi1>
    %broadcast_in_dim3A_360 = vector.broadcast %jit3A_357 : f32 to vector<32x512xf32>
    %select_n3A_361 = arith.select %broadcast_in_dim3A_359, %slice3A_356, %broadcast_in_dim3A_360 : vector<32x512xi1>, vector<32x512xf32>
    %add3A_362 = arith.addf %add3A_352, %select_n3A_361 : vector<32x512xf32>
    %get3A_363 = arith.constant 7 : index
    %get3A_364 = arith.constant 0 : index
    %get3A_365 = arith.constant 0 : index
    %get3A_366 = vector.load %arg2[%get3A_363, %get3A_364, %get3A_365] : memref<26x512x128xf32, #tpu.memory_space<vmem>>, vector<1x512x128xf32>
    %get3A_367 = vector.shape_cast %get3A_366 : vector<1x512x128xf32> to vector<512x128xf32>
    %transpose3A_368 = tpu.transpose %get3A_367, [1, 0] : vector<512x128xf32> -> vector<128x512xf32>
    %get3A_369 = arith.constant 7 : index
    %get3A_370 = arith.constant 0 : index
    %get3A_371 = vector.load %arg3[%get3A_369, %get3A_370] : memref<26x512xi32, #tpu.memory_space<vmem>>, vector<1x512xi32>
    %get3A_372 = vector.shape_cast %get3A_371 : vector<1x512xi32> to vector<512xi32>
    %broadcast_in_dim3A_373 = vector.shape_cast %get3A_372 : vector<512xi32> to vector<1x512xi32>
    %broadcast_in_dim3A_374 = arith.constant 0.000000e+00 : f32
    %broadcast_in_dim3A_375 = vector.broadcast %broadcast_in_dim3A_374 : f32 to vector<32x512xf32>
    %eq3A_376 = arith.constant 0 : i32
    %eq3A_377 = vector.broadcast %eq3A_376 : i32 to vector<1x512xi32>
    %eq3A_378 = arith.cmpi eq, %broadcast_in_dim3A_373, %eq3A_377 : vector<1x512xi32>
    %slice3A_379 = vector.extract_strided_slice %transpose3A_368 {offsets = [0, 0], sizes = [32, 512], strides = [1, 1]} : vector<128x512xf32> to vector<32x512xf32>
    %jit3A_380 = arith.constant 0.000000e+00 : f32
    %broadcast_in_dim3A_381 = vector.shape_cast %eq3A_378 : vector<1x512xi1> to vector<1x512xi1>
    %broadcast_in_dim3A_382 = vector.broadcast %broadcast_in_dim3A_381 : vector<1x512xi1> to vector<32x512xi1>
    %broadcast_in_dim3A_383 = vector.broadcast %jit3A_380 : f32 to vector<32x512xf32>
    %select_n3A_384 = arith.select %broadcast_in_dim3A_382, %slice3A_379, %broadcast_in_dim3A_383 : vector<32x512xi1>, vector<32x512xf32>
    %add3A_385 = arith.addf %broadcast_in_dim3A_375, %select_n3A_384 : vector<32x512xf32>
    %eq3A_386 = arith.constant 1 : i32
    %eq3A_387 = vector.broadcast %eq3A_386 : i32 to vector<1x512xi32>
    %eq3A_388 = arith.cmpi eq, %broadcast_in_dim3A_373, %eq3A_387 : vector<1x512xi32>
    %slice3A_389 = vector.extract_strided_slice %transpose3A_368 {offsets = [32, 0], sizes = [32, 512], strides = [1, 1]} : vector<128x512xf32> to vector<32x512xf32>
    %jit3A_390 = arith.constant 0.000000e+00 : f32
    %broadcast_in_dim3A_391 = vector.shape_cast %eq3A_388 : vector<1x512xi1> to vector<1x512xi1>
    %broadcast_in_dim3A_392 = vector.broadcast %broadcast_in_dim3A_391 : vector<1x512xi1> to vector<32x512xi1>
    %broadcast_in_dim3A_393 = vector.broadcast %jit3A_390 : f32 to vector<32x512xf32>
    %select_n3A_394 = arith.select %broadcast_in_dim3A_392, %slice3A_389, %broadcast_in_dim3A_393 : vector<32x512xi1>, vector<32x512xf32>
    %add3A_395 = arith.addf %add3A_385, %select_n3A_394 : vector<32x512xf32>
    %eq3A_396 = arith.constant 2 : i32
    %eq3A_397 = vector.broadcast %eq3A_396 : i32 to vector<1x512xi32>
    %eq3A_398 = arith.cmpi eq, %broadcast_in_dim3A_373, %eq3A_397 : vector<1x512xi32>
    %slice3A_399 = vector.extract_strided_slice %transpose3A_368 {offsets = [64, 0], sizes = [32, 512], strides = [1, 1]} : vector<128x512xf32> to vector<32x512xf32>
    %jit3A_400 = arith.constant 0.000000e+00 : f32
    %broadcast_in_dim3A_401 = vector.shape_cast %eq3A_398 : vector<1x512xi1> to vector<1x512xi1>
    %broadcast_in_dim3A_402 = vector.broadcast %broadcast_in_dim3A_401 : vector<1x512xi1> to vector<32x512xi1>
    %broadcast_in_dim3A_403 = vector.broadcast %jit3A_400 : f32 to vector<32x512xf32>
    %select_n3A_404 = arith.select %broadcast_in_dim3A_402, %slice3A_399, %broadcast_in_dim3A_403 : vector<32x512xi1>, vector<32x512xf32>
    %add3A_405 = arith.addf %add3A_395, %select_n3A_404 : vector<32x512xf32>
    %eq3A_406 = arith.constant 3 : i32
    %eq3A_407 = vector.broadcast %eq3A_406 : i32 to vector<1x512xi32>
    %eq3A_408 = arith.cmpi eq, %broadcast_in_dim3A_373, %eq3A_407 : vector<1x512xi32>
    %slice3A_409 = vector.extract_strided_slice %transpose3A_368 {offsets = [96, 0], sizes = [32, 512], strides = [1, 1]} : vector<128x512xf32> to vector<32x512xf32>
    %jit3A_410 = arith.constant 0.000000e+00 : f32
    %broadcast_in_dim3A_411 = vector.shape_cast %eq3A_408 : vector<1x512xi1> to vector<1x512xi1>
    %broadcast_in_dim3A_412 = vector.broadcast %broadcast_in_dim3A_411 : vector<1x512xi1> to vector<32x512xi1>
    %broadcast_in_dim3A_413 = vector.broadcast %jit3A_410 : f32 to vector<32x512xf32>
    %select_n3A_414 = arith.select %broadcast_in_dim3A_412, %slice3A_409, %broadcast_in_dim3A_413 : vector<32x512xi1>, vector<32x512xf32>
    %add3A_415 = arith.addf %add3A_405, %select_n3A_414 : vector<32x512xf32>
    %get3A_416 = arith.constant 8 : index
    %get3A_417 = arith.constant 0 : index
    %get3A_418 = arith.constant 0 : index
    %get3A_419 = vector.load %arg2[%get3A_416, %get3A_417, %get3A_418] : memref<26x512x128xf32, #tpu.memory_space<vmem>>, vector<1x512x128xf32>
    %get3A_420 = vector.shape_cast %get3A_419 : vector<1x512x128xf32> to vector<512x128xf32>
    %transpose3A_421 = tpu.transpose %get3A_420, [1, 0] : vector<512x128xf32> -> vector<128x512xf32>
    %get3A_422 = arith.constant 8 : index
    %get3A_423 = arith.constant 0 : index
    %get3A_424 = vector.load %arg3[%get3A_422, %get3A_423] : memref<26x512xi32, #tpu.memory_space<vmem>>, vector<1x512xi32>
    %get3A_425 = vector.shape_cast %get3A_424 : vector<1x512xi32> to vector<512xi32>
    %broadcast_in_dim3A_426 = vector.shape_cast %get3A_425 : vector<512xi32> to vector<1x512xi32>
    %broadcast_in_dim3A_427 = arith.constant 0.000000e+00 : f32
    %broadcast_in_dim3A_428 = vector.broadcast %broadcast_in_dim3A_427 : f32 to vector<32x512xf32>
    %eq3A_429 = arith.constant 0 : i32
    %eq3A_430 = vector.broadcast %eq3A_429 : i32 to vector<1x512xi32>
    %eq3A_431 = arith.cmpi eq, %broadcast_in_dim3A_426, %eq3A_430 : vector<1x512xi32>
    %slice3A_432 = vector.extract_strided_slice %transpose3A_421 {offsets = [0, 0], sizes = [32, 512], strides = [1, 1]} : vector<128x512xf32> to vector<32x512xf32>
    %jit3A_433 = arith.constant 0.000000e+00 : f32
    %broadcast_in_dim3A_434 = vector.shape_cast %eq3A_431 : vector<1x512xi1> to vector<1x512xi1>
    %broadcast_in_dim3A_435 = vector.broadcast %broadcast_in_dim3A_434 : vector<1x512xi1> to vector<32x512xi1>
    %broadcast_in_dim3A_436 = vector.broadcast %jit3A_433 : f32 to vector<32x512xf32>
    %select_n3A_437 = arith.select %broadcast_in_dim3A_435, %slice3A_432, %broadcast_in_dim3A_436 : vector<32x512xi1>, vector<32x512xf32>
    %add3A_438 = arith.addf %broadcast_in_dim3A_428, %select_n3A_437 : vector<32x512xf32>
    %eq3A_439 = arith.constant 1 : i32
    %eq3A_440 = vector.broadcast %eq3A_439 : i32 to vector<1x512xi32>
    %eq3A_441 = arith.cmpi eq, %broadcast_in_dim3A_426, %eq3A_440 : vector<1x512xi32>
    %slice3A_442 = vector.extract_strided_slice %transpose3A_421 {offsets = [32, 0], sizes = [32, 512], strides = [1, 1]} : vector<128x512xf32> to vector<32x512xf32>
    %jit3A_443 = arith.constant 0.000000e+00 : f32
    %broadcast_in_dim3A_444 = vector.shape_cast %eq3A_441 : vector<1x512xi1> to vector<1x512xi1>
    %broadcast_in_dim3A_445 = vector.broadcast %broadcast_in_dim3A_444 : vector<1x512xi1> to vector<32x512xi1>
    %broadcast_in_dim3A_446 = vector.broadcast %jit3A_443 : f32 to vector<32x512xf32>
    %select_n3A_447 = arith.select %broadcast_in_dim3A_445, %slice3A_442, %broadcast_in_dim3A_446 : vector<32x512xi1>, vector<32x512xf32>
    %add3A_448 = arith.addf %add3A_438, %select_n3A_447 : vector<32x512xf32>
    %eq3A_449 = arith.constant 2 : i32
    %eq3A_450 = vector.broadcast %eq3A_449 : i32 to vector<1x512xi32>
    %eq3A_451 = arith.cmpi eq, %broadcast_in_dim3A_426, %eq3A_450 : vector<1x512xi32>
    %slice3A_452 = vector.extract_strided_slice %transpose3A_421 {offsets = [64, 0], sizes = [32, 512], strides = [1, 1]} : vector<128x512xf32> to vector<32x512xf32>
    %jit3A_453 = arith.constant 0.000000e+00 : f32
    %broadcast_in_dim3A_454 = vector.shape_cast %eq3A_451 : vector<1x512xi1> to vector<1x512xi1>
    %broadcast_in_dim3A_455 = vector.broadcast %broadcast_in_dim3A_454 : vector<1x512xi1> to vector<32x512xi1>
    %broadcast_in_dim3A_456 = vector.broadcast %jit3A_453 : f32 to vector<32x512xf32>
    %select_n3A_457 = arith.select %broadcast_in_dim3A_455, %slice3A_452, %broadcast_in_dim3A_456 : vector<32x512xi1>, vector<32x512xf32>
    %add3A_458 = arith.addf %add3A_448, %select_n3A_457 : vector<32x512xf32>
    %eq3A_459 = arith.constant 3 : i32
    %eq3A_460 = vector.broadcast %eq3A_459 : i32 to vector<1x512xi32>
    %eq3A_461 = arith.cmpi eq, %broadcast_in_dim3A_426, %eq3A_460 : vector<1x512xi32>
    %slice3A_462 = vector.extract_strided_slice %transpose3A_421 {offsets = [96, 0], sizes = [32, 512], strides = [1, 1]} : vector<128x512xf32> to vector<32x512xf32>
    %jit3A_463 = arith.constant 0.000000e+00 : f32
    %broadcast_in_dim3A_464 = vector.shape_cast %eq3A_461 : vector<1x512xi1> to vector<1x512xi1>
    %broadcast_in_dim3A_465 = vector.broadcast %broadcast_in_dim3A_464 : vector<1x512xi1> to vector<32x512xi1>
    %broadcast_in_dim3A_466 = vector.broadcast %jit3A_463 : f32 to vector<32x512xf32>
    %select_n3A_467 = arith.select %broadcast_in_dim3A_465, %slice3A_462, %broadcast_in_dim3A_466 : vector<32x512xi1>, vector<32x512xf32>
    %add3A_468 = arith.addf %add3A_458, %select_n3A_467 : vector<32x512xf32>
    %get3A_469 = arith.constant 9 : index
    %get3A_470 = arith.constant 0 : index
    %get3A_471 = arith.constant 0 : index
    %get3A_472 = vector.load %arg2[%get3A_469, %get3A_470, %get3A_471] : memref<26x512x128xf32, #tpu.memory_space<vmem>>, vector<1x512x128xf32>
    %get3A_473 = vector.shape_cast %get3A_472 : vector<1x512x128xf32> to vector<512x128xf32>
    %transpose3A_474 = tpu.transpose %get3A_473, [1, 0] : vector<512x128xf32> -> vector<128x512xf32>
    %get3A_475 = arith.constant 9 : index
    %get3A_476 = arith.constant 0 : index
    %get3A_477 = vector.load %arg3[%get3A_475, %get3A_476] : memref<26x512xi32, #tpu.memory_space<vmem>>, vector<1x512xi32>
    %get3A_478 = vector.shape_cast %get3A_477 : vector<1x512xi32> to vector<512xi32>
    %broadcast_in_dim3A_479 = vector.shape_cast %get3A_478 : vector<512xi32> to vector<1x512xi32>
    %broadcast_in_dim3A_480 = arith.constant 0.000000e+00 : f32
    %broadcast_in_dim3A_481 = vector.broadcast %broadcast_in_dim3A_480 : f32 to vector<32x512xf32>
    %eq3A_482 = arith.constant 0 : i32
    %eq3A_483 = vector.broadcast %eq3A_482 : i32 to vector<1x512xi32>
    %eq3A_484 = arith.cmpi eq, %broadcast_in_dim3A_479, %eq3A_483 : vector<1x512xi32>
    %slice3A_485 = vector.extract_strided_slice %transpose3A_474 {offsets = [0, 0], sizes = [32, 512], strides = [1, 1]} : vector<128x512xf32> to vector<32x512xf32>
    %jit3A_486 = arith.constant 0.000000e+00 : f32
    %broadcast_in_dim3A_487 = vector.shape_cast %eq3A_484 : vector<1x512xi1> to vector<1x512xi1>
    %broadcast_in_dim3A_488 = vector.broadcast %broadcast_in_dim3A_487 : vector<1x512xi1> to vector<32x512xi1>
    %broadcast_in_dim3A_489 = vector.broadcast %jit3A_486 : f32 to vector<32x512xf32>
    %select_n3A_490 = arith.select %broadcast_in_dim3A_488, %slice3A_485, %broadcast_in_dim3A_489 : vector<32x512xi1>, vector<32x512xf32>
    %add3A_491 = arith.addf %broadcast_in_dim3A_481, %select_n3A_490 : vector<32x512xf32>
    %eq3A_492 = arith.constant 1 : i32
    %eq3A_493 = vector.broadcast %eq3A_492 : i32 to vector<1x512xi32>
    %eq3A_494 = arith.cmpi eq, %broadcast_in_dim3A_479, %eq3A_493 : vector<1x512xi32>
    %slice3A_495 = vector.extract_strided_slice %transpose3A_474 {offsets = [32, 0], sizes = [32, 512], strides = [1, 1]} : vector<128x512xf32> to vector<32x512xf32>
    %jit3A_496 = arith.constant 0.000000e+00 : f32
    %broadcast_in_dim3A_497 = vector.shape_cast %eq3A_494 : vector<1x512xi1> to vector<1x512xi1>
    %broadcast_in_dim3A_498 = vector.broadcast %broadcast_in_dim3A_497 : vector<1x512xi1> to vector<32x512xi1>
    %broadcast_in_dim3A_499 = vector.broadcast %jit3A_496 : f32 to vector<32x512xf32>
    %select_n3A_500 = arith.select %broadcast_in_dim3A_498, %slice3A_495, %broadcast_in_dim3A_499 : vector<32x512xi1>, vector<32x512xf32>
    %add3A_501 = arith.addf %add3A_491, %select_n3A_500 : vector<32x512xf32>
    %eq3A_502 = arith.constant 2 : i32
    %eq3A_503 = vector.broadcast %eq3A_502 : i32 to vector<1x512xi32>
    %eq3A_504 = arith.cmpi eq, %broadcast_in_dim3A_479, %eq3A_503 : vector<1x512xi32>
    %slice3A_505 = vector.extract_strided_slice %transpose3A_474 {offsets = [64, 0], sizes = [32, 512], strides = [1, 1]} : vector<128x512xf32> to vector<32x512xf32>
    %jit3A_506 = arith.constant 0.000000e+00 : f32
    %broadcast_in_dim3A_507 = vector.shape_cast %eq3A_504 : vector<1x512xi1> to vector<1x512xi1>
    %broadcast_in_dim3A_508 = vector.broadcast %broadcast_in_dim3A_507 : vector<1x512xi1> to vector<32x512xi1>
    %broadcast_in_dim3A_509 = vector.broadcast %jit3A_506 : f32 to vector<32x512xf32>
    %select_n3A_510 = arith.select %broadcast_in_dim3A_508, %slice3A_505, %broadcast_in_dim3A_509 : vector<32x512xi1>, vector<32x512xf32>
    %add3A_511 = arith.addf %add3A_501, %select_n3A_510 : vector<32x512xf32>
    %eq3A_512 = arith.constant 3 : i32
    %eq3A_513 = vector.broadcast %eq3A_512 : i32 to vector<1x512xi32>
    %eq3A_514 = arith.cmpi eq, %broadcast_in_dim3A_479, %eq3A_513 : vector<1x512xi32>
    %slice3A_515 = vector.extract_strided_slice %transpose3A_474 {offsets = [96, 0], sizes = [32, 512], strides = [1, 1]} : vector<128x512xf32> to vector<32x512xf32>
    %jit3A_516 = arith.constant 0.000000e+00 : f32
    %broadcast_in_dim3A_517 = vector.shape_cast %eq3A_514 : vector<1x512xi1> to vector<1x512xi1>
    %broadcast_in_dim3A_518 = vector.broadcast %broadcast_in_dim3A_517 : vector<1x512xi1> to vector<32x512xi1>
    %broadcast_in_dim3A_519 = vector.broadcast %jit3A_516 : f32 to vector<32x512xf32>
    %select_n3A_520 = arith.select %broadcast_in_dim3A_518, %slice3A_515, %broadcast_in_dim3A_519 : vector<32x512xi1>, vector<32x512xf32>
    %add3A_521 = arith.addf %add3A_511, %select_n3A_520 : vector<32x512xf32>
    %get3A_522 = arith.constant 10 : index
    %get3A_523 = arith.constant 0 : index
    %get3A_524 = arith.constant 0 : index
    %get3A_525 = vector.load %arg2[%get3A_522, %get3A_523, %get3A_524] : memref<26x512x128xf32, #tpu.memory_space<vmem>>, vector<1x512x128xf32>
    %get3A_526 = vector.shape_cast %get3A_525 : vector<1x512x128xf32> to vector<512x128xf32>
    %transpose3A_527 = tpu.transpose %get3A_526, [1, 0] : vector<512x128xf32> -> vector<128x512xf32>
    %get3A_528 = arith.constant 10 : index
    %get3A_529 = arith.constant 0 : index
    %get3A_530 = vector.load %arg3[%get3A_528, %get3A_529] : memref<26x512xi32, #tpu.memory_space<vmem>>, vector<1x512xi32>
    %get3A_531 = vector.shape_cast %get3A_530 : vector<1x512xi32> to vector<512xi32>
    %broadcast_in_dim3A_532 = vector.shape_cast %get3A_531 : vector<512xi32> to vector<1x512xi32>
    %broadcast_in_dim3A_533 = arith.constant 0.000000e+00 : f32
    %broadcast_in_dim3A_534 = vector.broadcast %broadcast_in_dim3A_533 : f32 to vector<32x512xf32>
    %eq3A_535 = arith.constant 0 : i32
    %eq3A_536 = vector.broadcast %eq3A_535 : i32 to vector<1x512xi32>
    %eq3A_537 = arith.cmpi eq, %broadcast_in_dim3A_532, %eq3A_536 : vector<1x512xi32>
    %slice3A_538 = vector.extract_strided_slice %transpose3A_527 {offsets = [0, 0], sizes = [32, 512], strides = [1, 1]} : vector<128x512xf32> to vector<32x512xf32>
    %jit3A_539 = arith.constant 0.000000e+00 : f32
    %broadcast_in_dim3A_540 = vector.shape_cast %eq3A_537 : vector<1x512xi1> to vector<1x512xi1>
    %broadcast_in_dim3A_541 = vector.broadcast %broadcast_in_dim3A_540 : vector<1x512xi1> to vector<32x512xi1>
    %broadcast_in_dim3A_542 = vector.broadcast %jit3A_539 : f32 to vector<32x512xf32>
    %select_n3A_543 = arith.select %broadcast_in_dim3A_541, %slice3A_538, %broadcast_in_dim3A_542 : vector<32x512xi1>, vector<32x512xf32>
    %add3A_544 = arith.addf %broadcast_in_dim3A_534, %select_n3A_543 : vector<32x512xf32>
    %eq3A_545 = arith.constant 1 : i32
    %eq3A_546 = vector.broadcast %eq3A_545 : i32 to vector<1x512xi32>
    %eq3A_547 = arith.cmpi eq, %broadcast_in_dim3A_532, %eq3A_546 : vector<1x512xi32>
    %slice3A_548 = vector.extract_strided_slice %transpose3A_527 {offsets = [32, 0], sizes = [32, 512], strides = [1, 1]} : vector<128x512xf32> to vector<32x512xf32>
    %jit3A_549 = arith.constant 0.000000e+00 : f32
    %broadcast_in_dim3A_550 = vector.shape_cast %eq3A_547 : vector<1x512xi1> to vector<1x512xi1>
    %broadcast_in_dim3A_551 = vector.broadcast %broadcast_in_dim3A_550 : vector<1x512xi1> to vector<32x512xi1>
    %broadcast_in_dim3A_552 = vector.broadcast %jit3A_549 : f32 to vector<32x512xf32>
    %select_n3A_553 = arith.select %broadcast_in_dim3A_551, %slice3A_548, %broadcast_in_dim3A_552 : vector<32x512xi1>, vector<32x512xf32>
    %add3A_554 = arith.addf %add3A_544, %select_n3A_553 : vector<32x512xf32>
    %eq3A_555 = arith.constant 2 : i32
    %eq3A_556 = vector.broadcast %eq3A_555 : i32 to vector<1x512xi32>
    %eq3A_557 = arith.cmpi eq, %broadcast_in_dim3A_532, %eq3A_556 : vector<1x512xi32>
    %slice3A_558 = vector.extract_strided_slice %transpose3A_527 {offsets = [64, 0], sizes = [32, 512], strides = [1, 1]} : vector<128x512xf32> to vector<32x512xf32>
    %jit3A_559 = arith.constant 0.000000e+00 : f32
    %broadcast_in_dim3A_560 = vector.shape_cast %eq3A_557 : vector<1x512xi1> to vector<1x512xi1>
    %broadcast_in_dim3A_561 = vector.broadcast %broadcast_in_dim3A_560 : vector<1x512xi1> to vector<32x512xi1>
    %broadcast_in_dim3A_562 = vector.broadcast %jit3A_559 : f32 to vector<32x512xf32>
    %select_n3A_563 = arith.select %broadcast_in_dim3A_561, %slice3A_558, %broadcast_in_dim3A_562 : vector<32x512xi1>, vector<32x512xf32>
    %add3A_564 = arith.addf %add3A_554, %select_n3A_563 : vector<32x512xf32>
    %eq3A_565 = arith.constant 3 : i32
    %eq3A_566 = vector.broadcast %eq3A_565 : i32 to vector<1x512xi32>
    %eq3A_567 = arith.cmpi eq, %broadcast_in_dim3A_532, %eq3A_566 : vector<1x512xi32>
    %slice3A_568 = vector.extract_strided_slice %transpose3A_527 {offsets = [96, 0], sizes = [32, 512], strides = [1, 1]} : vector<128x512xf32> to vector<32x512xf32>
    %jit3A_569 = arith.constant 0.000000e+00 : f32
    %broadcast_in_dim3A_570 = vector.shape_cast %eq3A_567 : vector<1x512xi1> to vector<1x512xi1>
    %broadcast_in_dim3A_571 = vector.broadcast %broadcast_in_dim3A_570 : vector<1x512xi1> to vector<32x512xi1>
    %broadcast_in_dim3A_572 = vector.broadcast %jit3A_569 : f32 to vector<32x512xf32>
    %select_n3A_573 = arith.select %broadcast_in_dim3A_571, %slice3A_568, %broadcast_in_dim3A_572 : vector<32x512xi1>, vector<32x512xf32>
    %add3A_574 = arith.addf %add3A_564, %select_n3A_573 : vector<32x512xf32>
    %get3A_575 = arith.constant 11 : index
    %get3A_576 = arith.constant 0 : index
    %get3A_577 = arith.constant 0 : index
    %get3A_578 = vector.load %arg2[%get3A_575, %get3A_576, %get3A_577] : memref<26x512x128xf32, #tpu.memory_space<vmem>>, vector<1x512x128xf32>
    %get3A_579 = vector.shape_cast %get3A_578 : vector<1x512x128xf32> to vector<512x128xf32>
    %transpose3A_580 = tpu.transpose %get3A_579, [1, 0] : vector<512x128xf32> -> vector<128x512xf32>
    %get3A_581 = arith.constant 11 : index
    %get3A_582 = arith.constant 0 : index
    %get3A_583 = vector.load %arg3[%get3A_581, %get3A_582] : memref<26x512xi32, #tpu.memory_space<vmem>>, vector<1x512xi32>
    %get3A_584 = vector.shape_cast %get3A_583 : vector<1x512xi32> to vector<512xi32>
    %broadcast_in_dim3A_585 = vector.shape_cast %get3A_584 : vector<512xi32> to vector<1x512xi32>
    %broadcast_in_dim3A_586 = arith.constant 0.000000e+00 : f32
    %broadcast_in_dim3A_587 = vector.broadcast %broadcast_in_dim3A_586 : f32 to vector<32x512xf32>
    %eq3A_588 = arith.constant 0 : i32
    %eq3A_589 = vector.broadcast %eq3A_588 : i32 to vector<1x512xi32>
    %eq3A_590 = arith.cmpi eq, %broadcast_in_dim3A_585, %eq3A_589 : vector<1x512xi32>
    %slice3A_591 = vector.extract_strided_slice %transpose3A_580 {offsets = [0, 0], sizes = [32, 512], strides = [1, 1]} : vector<128x512xf32> to vector<32x512xf32>
    %jit3A_592 = arith.constant 0.000000e+00 : f32
    %broadcast_in_dim3A_593 = vector.shape_cast %eq3A_590 : vector<1x512xi1> to vector<1x512xi1>
    %broadcast_in_dim3A_594 = vector.broadcast %broadcast_in_dim3A_593 : vector<1x512xi1> to vector<32x512xi1>
    %broadcast_in_dim3A_595 = vector.broadcast %jit3A_592 : f32 to vector<32x512xf32>
    %select_n3A_596 = arith.select %broadcast_in_dim3A_594, %slice3A_591, %broadcast_in_dim3A_595 : vector<32x512xi1>, vector<32x512xf32>
    %add3A_597 = arith.addf %broadcast_in_dim3A_587, %select_n3A_596 : vector<32x512xf32>
    %eq3A_598 = arith.constant 1 : i32
    %eq3A_599 = vector.broadcast %eq3A_598 : i32 to vector<1x512xi32>
    %eq3A_600 = arith.cmpi eq, %broadcast_in_dim3A_585, %eq3A_599 : vector<1x512xi32>
    %slice3A_601 = vector.extract_strided_slice %transpose3A_580 {offsets = [32, 0], sizes = [32, 512], strides = [1, 1]} : vector<128x512xf32> to vector<32x512xf32>
    %jit3A_602 = arith.constant 0.000000e+00 : f32
    %broadcast_in_dim3A_603 = vector.shape_cast %eq3A_600 : vector<1x512xi1> to vector<1x512xi1>
    %broadcast_in_dim3A_604 = vector.broadcast %broadcast_in_dim3A_603 : vector<1x512xi1> to vector<32x512xi1>
    %broadcast_in_dim3A_605 = vector.broadcast %jit3A_602 : f32 to vector<32x512xf32>
    %select_n3A_606 = arith.select %broadcast_in_dim3A_604, %slice3A_601, %broadcast_in_dim3A_605 : vector<32x512xi1>, vector<32x512xf32>
    %add3A_607 = arith.addf %add3A_597, %select_n3A_606 : vector<32x512xf32>
    %eq3A_608 = arith.constant 2 : i32
    %eq3A_609 = vector.broadcast %eq3A_608 : i32 to vector<1x512xi32>
    %eq3A_610 = arith.cmpi eq, %broadcast_in_dim3A_585, %eq3A_609 : vector<1x512xi32>
    %slice3A_611 = vector.extract_strided_slice %transpose3A_580 {offsets = [64, 0], sizes = [32, 512], strides = [1, 1]} : vector<128x512xf32> to vector<32x512xf32>
    %jit3A_612 = arith.constant 0.000000e+00 : f32
    %broadcast_in_dim3A_613 = vector.shape_cast %eq3A_610 : vector<1x512xi1> to vector<1x512xi1>
    %broadcast_in_dim3A_614 = vector.broadcast %broadcast_in_dim3A_613 : vector<1x512xi1> to vector<32x512xi1>
    %broadcast_in_dim3A_615 = vector.broadcast %jit3A_612 : f32 to vector<32x512xf32>
    %select_n3A_616 = arith.select %broadcast_in_dim3A_614, %slice3A_611, %broadcast_in_dim3A_615 : vector<32x512xi1>, vector<32x512xf32>
    %add3A_617 = arith.addf %add3A_607, %select_n3A_616 : vector<32x512xf32>
    %eq3A_618 = arith.constant 3 : i32
    %eq3A_619 = vector.broadcast %eq3A_618 : i32 to vector<1x512xi32>
    %eq3A_620 = arith.cmpi eq, %broadcast_in_dim3A_585, %eq3A_619 : vector<1x512xi32>
    %slice3A_621 = vector.extract_strided_slice %transpose3A_580 {offsets = [96, 0], sizes = [32, 512], strides = [1, 1]} : vector<128x512xf32> to vector<32x512xf32>
    %jit3A_622 = arith.constant 0.000000e+00 : f32
    %broadcast_in_dim3A_623 = vector.shape_cast %eq3A_620 : vector<1x512xi1> to vector<1x512xi1>
    %broadcast_in_dim3A_624 = vector.broadcast %broadcast_in_dim3A_623 : vector<1x512xi1> to vector<32x512xi1>
    %broadcast_in_dim3A_625 = vector.broadcast %jit3A_622 : f32 to vector<32x512xf32>
    %select_n3A_626 = arith.select %broadcast_in_dim3A_624, %slice3A_621, %broadcast_in_dim3A_625 : vector<32x512xi1>, vector<32x512xf32>
    %add3A_627 = arith.addf %add3A_617, %select_n3A_626 : vector<32x512xf32>
    %get3A_628 = arith.constant 12 : index
    %get3A_629 = arith.constant 0 : index
    %get3A_630 = arith.constant 0 : index
    %get3A_631 = vector.load %arg2[%get3A_628, %get3A_629, %get3A_630] : memref<26x512x128xf32, #tpu.memory_space<vmem>>, vector<1x512x128xf32>
    %get3A_632 = vector.shape_cast %get3A_631 : vector<1x512x128xf32> to vector<512x128xf32>
    %transpose3A_633 = tpu.transpose %get3A_632, [1, 0] : vector<512x128xf32> -> vector<128x512xf32>
    %get3A_634 = arith.constant 12 : index
    %get3A_635 = arith.constant 0 : index
    %get3A_636 = vector.load %arg3[%get3A_634, %get3A_635] : memref<26x512xi32, #tpu.memory_space<vmem>>, vector<1x512xi32>
    %get3A_637 = vector.shape_cast %get3A_636 : vector<1x512xi32> to vector<512xi32>
    %broadcast_in_dim3A_638 = vector.shape_cast %get3A_637 : vector<512xi32> to vector<1x512xi32>
    %broadcast_in_dim3A_639 = arith.constant 0.000000e+00 : f32
    %broadcast_in_dim3A_640 = vector.broadcast %broadcast_in_dim3A_639 : f32 to vector<32x512xf32>
    %eq3A_641 = arith.constant 0 : i32
    %eq3A_642 = vector.broadcast %eq3A_641 : i32 to vector<1x512xi32>
    %eq3A_643 = arith.cmpi eq, %broadcast_in_dim3A_638, %eq3A_642 : vector<1x512xi32>
    %slice3A_644 = vector.extract_strided_slice %transpose3A_633 {offsets = [0, 0], sizes = [32, 512], strides = [1, 1]} : vector<128x512xf32> to vector<32x512xf32>
    %jit3A_645 = arith.constant 0.000000e+00 : f32
    %broadcast_in_dim3A_646 = vector.shape_cast %eq3A_643 : vector<1x512xi1> to vector<1x512xi1>
    %broadcast_in_dim3A_647 = vector.broadcast %broadcast_in_dim3A_646 : vector<1x512xi1> to vector<32x512xi1>
    %broadcast_in_dim3A_648 = vector.broadcast %jit3A_645 : f32 to vector<32x512xf32>
    %select_n3A_649 = arith.select %broadcast_in_dim3A_647, %slice3A_644, %broadcast_in_dim3A_648 : vector<32x512xi1>, vector<32x512xf32>
    %add3A_650 = arith.addf %broadcast_in_dim3A_640, %select_n3A_649 : vector<32x512xf32>
    %eq3A_651 = arith.constant 1 : i32
    %eq3A_652 = vector.broadcast %eq3A_651 : i32 to vector<1x512xi32>
    %eq3A_653 = arith.cmpi eq, %broadcast_in_dim3A_638, %eq3A_652 : vector<1x512xi32>
    %slice3A_654 = vector.extract_strided_slice %transpose3A_633 {offsets = [32, 0], sizes = [32, 512], strides = [1, 1]} : vector<128x512xf32> to vector<32x512xf32>
    %jit3A_655 = arith.constant 0.000000e+00 : f32
    %broadcast_in_dim3A_656 = vector.shape_cast %eq3A_653 : vector<1x512xi1> to vector<1x512xi1>
    %broadcast_in_dim3A_657 = vector.broadcast %broadcast_in_dim3A_656 : vector<1x512xi1> to vector<32x512xi1>
    %broadcast_in_dim3A_658 = vector.broadcast %jit3A_655 : f32 to vector<32x512xf32>
    %select_n3A_659 = arith.select %broadcast_in_dim3A_657, %slice3A_654, %broadcast_in_dim3A_658 : vector<32x512xi1>, vector<32x512xf32>
    %add3A_660 = arith.addf %add3A_650, %select_n3A_659 : vector<32x512xf32>
    %eq3A_661 = arith.constant 2 : i32
    %eq3A_662 = vector.broadcast %eq3A_661 : i32 to vector<1x512xi32>
    %eq3A_663 = arith.cmpi eq, %broadcast_in_dim3A_638, %eq3A_662 : vector<1x512xi32>
    %slice3A_664 = vector.extract_strided_slice %transpose3A_633 {offsets = [64, 0], sizes = [32, 512], strides = [1, 1]} : vector<128x512xf32> to vector<32x512xf32>
    %jit3A_665 = arith.constant 0.000000e+00 : f32
    %broadcast_in_dim3A_666 = vector.shape_cast %eq3A_663 : vector<1x512xi1> to vector<1x512xi1>
    %broadcast_in_dim3A_667 = vector.broadcast %broadcast_in_dim3A_666 : vector<1x512xi1> to vector<32x512xi1>
    %broadcast_in_dim3A_668 = vector.broadcast %jit3A_665 : f32 to vector<32x512xf32>
    %select_n3A_669 = arith.select %broadcast_in_dim3A_667, %slice3A_664, %broadcast_in_dim3A_668 : vector<32x512xi1>, vector<32x512xf32>
    %add3A_670 = arith.addf %add3A_660, %select_n3A_669 : vector<32x512xf32>
    %eq3A_671 = arith.constant 3 : i32
    %eq3A_672 = vector.broadcast %eq3A_671 : i32 to vector<1x512xi32>
    %eq3A_673 = arith.cmpi eq, %broadcast_in_dim3A_638, %eq3A_672 : vector<1x512xi32>
    %slice3A_674 = vector.extract_strided_slice %transpose3A_633 {offsets = [96, 0], sizes = [32, 512], strides = [1, 1]} : vector<128x512xf32> to vector<32x512xf32>
    %jit3A_675 = arith.constant 0.000000e+00 : f32
    %broadcast_in_dim3A_676 = vector.shape_cast %eq3A_673 : vector<1x512xi1> to vector<1x512xi1>
    %broadcast_in_dim3A_677 = vector.broadcast %broadcast_in_dim3A_676 : vector<1x512xi1> to vector<32x512xi1>
    %broadcast_in_dim3A_678 = vector.broadcast %jit3A_675 : f32 to vector<32x512xf32>
    %select_n3A_679 = arith.select %broadcast_in_dim3A_677, %slice3A_674, %broadcast_in_dim3A_678 : vector<32x512xi1>, vector<32x512xf32>
    %add3A_680 = arith.addf %add3A_670, %select_n3A_679 : vector<32x512xf32>
    %get3A_681 = arith.constant 13 : index
    %get3A_682 = arith.constant 0 : index
    %get3A_683 = arith.constant 0 : index
    %get3A_684 = vector.load %arg2[%get3A_681, %get3A_682, %get3A_683] : memref<26x512x128xf32, #tpu.memory_space<vmem>>, vector<1x512x128xf32>
    %get3A_685 = vector.shape_cast %get3A_684 : vector<1x512x128xf32> to vector<512x128xf32>
    %transpose3A_686 = tpu.transpose %get3A_685, [1, 0] : vector<512x128xf32> -> vector<128x512xf32>
    %get3A_687 = arith.constant 13 : index
    %get3A_688 = arith.constant 0 : index
    %get3A_689 = vector.load %arg3[%get3A_687, %get3A_688] : memref<26x512xi32, #tpu.memory_space<vmem>>, vector<1x512xi32>
    %get3A_690 = vector.shape_cast %get3A_689 : vector<1x512xi32> to vector<512xi32>
    %broadcast_in_dim3A_691 = vector.shape_cast %get3A_690 : vector<512xi32> to vector<1x512xi32>
    %broadcast_in_dim3A_692 = arith.constant 0.000000e+00 : f32
    %broadcast_in_dim3A_693 = vector.broadcast %broadcast_in_dim3A_692 : f32 to vector<32x512xf32>
    %eq3A_694 = arith.constant 0 : i32
    %eq3A_695 = vector.broadcast %eq3A_694 : i32 to vector<1x512xi32>
    %eq3A_696 = arith.cmpi eq, %broadcast_in_dim3A_691, %eq3A_695 : vector<1x512xi32>
    %slice3A_697 = vector.extract_strided_slice %transpose3A_686 {offsets = [0, 0], sizes = [32, 512], strides = [1, 1]} : vector<128x512xf32> to vector<32x512xf32>
    %jit3A_698 = arith.constant 0.000000e+00 : f32
    %broadcast_in_dim3A_699 = vector.shape_cast %eq3A_696 : vector<1x512xi1> to vector<1x512xi1>
    %broadcast_in_dim3A_700 = vector.broadcast %broadcast_in_dim3A_699 : vector<1x512xi1> to vector<32x512xi1>
    %broadcast_in_dim3A_701 = vector.broadcast %jit3A_698 : f32 to vector<32x512xf32>
    %select_n3A_702 = arith.select %broadcast_in_dim3A_700, %slice3A_697, %broadcast_in_dim3A_701 : vector<32x512xi1>, vector<32x512xf32>
    %add3A_703 = arith.addf %broadcast_in_dim3A_693, %select_n3A_702 : vector<32x512xf32>
    %eq3A_704 = arith.constant 1 : i32
    %eq3A_705 = vector.broadcast %eq3A_704 : i32 to vector<1x512xi32>
    %eq3A_706 = arith.cmpi eq, %broadcast_in_dim3A_691, %eq3A_705 : vector<1x512xi32>
    %slice3A_707 = vector.extract_strided_slice %transpose3A_686 {offsets = [32, 0], sizes = [32, 512], strides = [1, 1]} : vector<128x512xf32> to vector<32x512xf32>
    %jit3A_708 = arith.constant 0.000000e+00 : f32
    %broadcast_in_dim3A_709 = vector.shape_cast %eq3A_706 : vector<1x512xi1> to vector<1x512xi1>
    %broadcast_in_dim3A_710 = vector.broadcast %broadcast_in_dim3A_709 : vector<1x512xi1> to vector<32x512xi1>
    %broadcast_in_dim3A_711 = vector.broadcast %jit3A_708 : f32 to vector<32x512xf32>
    %select_n3A_712 = arith.select %broadcast_in_dim3A_710, %slice3A_707, %broadcast_in_dim3A_711 : vector<32x512xi1>, vector<32x512xf32>
    %add3A_713 = arith.addf %add3A_703, %select_n3A_712 : vector<32x512xf32>
    %eq3A_714 = arith.constant 2 : i32
    %eq3A_715 = vector.broadcast %eq3A_714 : i32 to vector<1x512xi32>
    %eq3A_716 = arith.cmpi eq, %broadcast_in_dim3A_691, %eq3A_715 : vector<1x512xi32>
    %slice3A_717 = vector.extract_strided_slice %transpose3A_686 {offsets = [64, 0], sizes = [32, 512], strides = [1, 1]} : vector<128x512xf32> to vector<32x512xf32>
    %jit3A_718 = arith.constant 0.000000e+00 : f32
    %broadcast_in_dim3A_719 = vector.shape_cast %eq3A_716 : vector<1x512xi1> to vector<1x512xi1>
    %broadcast_in_dim3A_720 = vector.broadcast %broadcast_in_dim3A_719 : vector<1x512xi1> to vector<32x512xi1>
    %broadcast_in_dim3A_721 = vector.broadcast %jit3A_718 : f32 to vector<32x512xf32>
    %select_n3A_722 = arith.select %broadcast_in_dim3A_720, %slice3A_717, %broadcast_in_dim3A_721 : vector<32x512xi1>, vector<32x512xf32>
    %add3A_723 = arith.addf %add3A_713, %select_n3A_722 : vector<32x512xf32>
    %eq3A_724 = arith.constant 3 : i32
    %eq3A_725 = vector.broadcast %eq3A_724 : i32 to vector<1x512xi32>
    %eq3A_726 = arith.cmpi eq, %broadcast_in_dim3A_691, %eq3A_725 : vector<1x512xi32>
    %slice3A_727 = vector.extract_strided_slice %transpose3A_686 {offsets = [96, 0], sizes = [32, 512], strides = [1, 1]} : vector<128x512xf32> to vector<32x512xf32>
    %jit3A_728 = arith.constant 0.000000e+00 : f32
    %broadcast_in_dim3A_729 = vector.shape_cast %eq3A_726 : vector<1x512xi1> to vector<1x512xi1>
    %broadcast_in_dim3A_730 = vector.broadcast %broadcast_in_dim3A_729 : vector<1x512xi1> to vector<32x512xi1>
    %broadcast_in_dim3A_731 = vector.broadcast %jit3A_728 : f32 to vector<32x512xf32>
    %select_n3A_732 = arith.select %broadcast_in_dim3A_730, %slice3A_727, %broadcast_in_dim3A_731 : vector<32x512xi1>, vector<32x512xf32>
    %add3A_733 = arith.addf %add3A_723, %select_n3A_732 : vector<32x512xf32>
    %get3A_734 = arith.constant 14 : index
    %get3A_735 = arith.constant 0 : index
    %get3A_736 = arith.constant 0 : index
    %get3A_737 = vector.load %arg2[%get3A_734, %get3A_735, %get3A_736] : memref<26x512x128xf32, #tpu.memory_space<vmem>>, vector<1x512x128xf32>
    %get3A_738 = vector.shape_cast %get3A_737 : vector<1x512x128xf32> to vector<512x128xf32>
    %transpose3A_739 = tpu.transpose %get3A_738, [1, 0] : vector<512x128xf32> -> vector<128x512xf32>
    %get3A_740 = arith.constant 14 : index
    %get3A_741 = arith.constant 0 : index
    %get3A_742 = vector.load %arg3[%get3A_740, %get3A_741] : memref<26x512xi32, #tpu.memory_space<vmem>>, vector<1x512xi32>
    %get3A_743 = vector.shape_cast %get3A_742 : vector<1x512xi32> to vector<512xi32>
    %broadcast_in_dim3A_744 = vector.shape_cast %get3A_743 : vector<512xi32> to vector<1x512xi32>
    %broadcast_in_dim3A_745 = arith.constant 0.000000e+00 : f32
    %broadcast_in_dim3A_746 = vector.broadcast %broadcast_in_dim3A_745 : f32 to vector<32x512xf32>
    %eq3A_747 = arith.constant 0 : i32
    %eq3A_748 = vector.broadcast %eq3A_747 : i32 to vector<1x512xi32>
    %eq3A_749 = arith.cmpi eq, %broadcast_in_dim3A_744, %eq3A_748 : vector<1x512xi32>
    %slice3A_750 = vector.extract_strided_slice %transpose3A_739 {offsets = [0, 0], sizes = [32, 512], strides = [1, 1]} : vector<128x512xf32> to vector<32x512xf32>
    %jit3A_751 = arith.constant 0.000000e+00 : f32
    %broadcast_in_dim3A_752 = vector.shape_cast %eq3A_749 : vector<1x512xi1> to vector<1x512xi1>
    %broadcast_in_dim3A_753 = vector.broadcast %broadcast_in_dim3A_752 : vector<1x512xi1> to vector<32x512xi1>
    %broadcast_in_dim3A_754 = vector.broadcast %jit3A_751 : f32 to vector<32x512xf32>
    %select_n3A_755 = arith.select %broadcast_in_dim3A_753, %slice3A_750, %broadcast_in_dim3A_754 : vector<32x512xi1>, vector<32x512xf32>
    %add3A_756 = arith.addf %broadcast_in_dim3A_746, %select_n3A_755 : vector<32x512xf32>
    %eq3A_757 = arith.constant 1 : i32
    %eq3A_758 = vector.broadcast %eq3A_757 : i32 to vector<1x512xi32>
    %eq3A_759 = arith.cmpi eq, %broadcast_in_dim3A_744, %eq3A_758 : vector<1x512xi32>
    %slice3A_760 = vector.extract_strided_slice %transpose3A_739 {offsets = [32, 0], sizes = [32, 512], strides = [1, 1]} : vector<128x512xf32> to vector<32x512xf32>
    %jit3A_761 = arith.constant 0.000000e+00 : f32
    %broadcast_in_dim3A_762 = vector.shape_cast %eq3A_759 : vector<1x512xi1> to vector<1x512xi1>
    %broadcast_in_dim3A_763 = vector.broadcast %broadcast_in_dim3A_762 : vector<1x512xi1> to vector<32x512xi1>
    %broadcast_in_dim3A_764 = vector.broadcast %jit3A_761 : f32 to vector<32x512xf32>
    %select_n3A_765 = arith.select %broadcast_in_dim3A_763, %slice3A_760, %broadcast_in_dim3A_764 : vector<32x512xi1>, vector<32x512xf32>
    %add3A_766 = arith.addf %add3A_756, %select_n3A_765 : vector<32x512xf32>
    %eq3A_767 = arith.constant 2 : i32
    %eq3A_768 = vector.broadcast %eq3A_767 : i32 to vector<1x512xi32>
    %eq3A_769 = arith.cmpi eq, %broadcast_in_dim3A_744, %eq3A_768 : vector<1x512xi32>
    %slice3A_770 = vector.extract_strided_slice %transpose3A_739 {offsets = [64, 0], sizes = [32, 512], strides = [1, 1]} : vector<128x512xf32> to vector<32x512xf32>
    %jit3A_771 = arith.constant 0.000000e+00 : f32
    %broadcast_in_dim3A_772 = vector.shape_cast %eq3A_769 : vector<1x512xi1> to vector<1x512xi1>
    %broadcast_in_dim3A_773 = vector.broadcast %broadcast_in_dim3A_772 : vector<1x512xi1> to vector<32x512xi1>
    %broadcast_in_dim3A_774 = vector.broadcast %jit3A_771 : f32 to vector<32x512xf32>
    %select_n3A_775 = arith.select %broadcast_in_dim3A_773, %slice3A_770, %broadcast_in_dim3A_774 : vector<32x512xi1>, vector<32x512xf32>
    %add3A_776 = arith.addf %add3A_766, %select_n3A_775 : vector<32x512xf32>
    %eq3A_777 = arith.constant 3 : i32
    %eq3A_778 = vector.broadcast %eq3A_777 : i32 to vector<1x512xi32>
    %eq3A_779 = arith.cmpi eq, %broadcast_in_dim3A_744, %eq3A_778 : vector<1x512xi32>
    %slice3A_780 = vector.extract_strided_slice %transpose3A_739 {offsets = [96, 0], sizes = [32, 512], strides = [1, 1]} : vector<128x512xf32> to vector<32x512xf32>
    %jit3A_781 = arith.constant 0.000000e+00 : f32
    %broadcast_in_dim3A_782 = vector.shape_cast %eq3A_779 : vector<1x512xi1> to vector<1x512xi1>
    %broadcast_in_dim3A_783 = vector.broadcast %broadcast_in_dim3A_782 : vector<1x512xi1> to vector<32x512xi1>
    %broadcast_in_dim3A_784 = vector.broadcast %jit3A_781 : f32 to vector<32x512xf32>
    %select_n3A_785 = arith.select %broadcast_in_dim3A_783, %slice3A_780, %broadcast_in_dim3A_784 : vector<32x512xi1>, vector<32x512xf32>
    %add3A_786 = arith.addf %add3A_776, %select_n3A_785 : vector<32x512xf32>
    %get3A_787 = arith.constant 15 : index
    %get3A_788 = arith.constant 0 : index
    %get3A_789 = arith.constant 0 : index
    %get3A_790 = vector.load %arg2[%get3A_787, %get3A_788, %get3A_789] : memref<26x512x128xf32, #tpu.memory_space<vmem>>, vector<1x512x128xf32>
    %get3A_791 = vector.shape_cast %get3A_790 : vector<1x512x128xf32> to vector<512x128xf32>
    %transpose3A_792 = tpu.transpose %get3A_791, [1, 0] : vector<512x128xf32> -> vector<128x512xf32>
    %get3A_793 = arith.constant 15 : index
    %get3A_794 = arith.constant 0 : index
    %get3A_795 = vector.load %arg3[%get3A_793, %get3A_794] : memref<26x512xi32, #tpu.memory_space<vmem>>, vector<1x512xi32>
    %get3A_796 = vector.shape_cast %get3A_795 : vector<1x512xi32> to vector<512xi32>
    %broadcast_in_dim3A_797 = vector.shape_cast %get3A_796 : vector<512xi32> to vector<1x512xi32>
    %broadcast_in_dim3A_798 = arith.constant 0.000000e+00 : f32
    %broadcast_in_dim3A_799 = vector.broadcast %broadcast_in_dim3A_798 : f32 to vector<32x512xf32>
    %eq3A_800 = arith.constant 0 : i32
    %eq3A_801 = vector.broadcast %eq3A_800 : i32 to vector<1x512xi32>
    %eq3A_802 = arith.cmpi eq, %broadcast_in_dim3A_797, %eq3A_801 : vector<1x512xi32>
    %slice3A_803 = vector.extract_strided_slice %transpose3A_792 {offsets = [0, 0], sizes = [32, 512], strides = [1, 1]} : vector<128x512xf32> to vector<32x512xf32>
    %jit3A_804 = arith.constant 0.000000e+00 : f32
    %broadcast_in_dim3A_805 = vector.shape_cast %eq3A_802 : vector<1x512xi1> to vector<1x512xi1>
    %broadcast_in_dim3A_806 = vector.broadcast %broadcast_in_dim3A_805 : vector<1x512xi1> to vector<32x512xi1>
    %broadcast_in_dim3A_807 = vector.broadcast %jit3A_804 : f32 to vector<32x512xf32>
    %select_n3A_808 = arith.select %broadcast_in_dim3A_806, %slice3A_803, %broadcast_in_dim3A_807 : vector<32x512xi1>, vector<32x512xf32>
    %add3A_809 = arith.addf %broadcast_in_dim3A_799, %select_n3A_808 : vector<32x512xf32>
    %eq3A_810 = arith.constant 1 : i32
    %eq3A_811 = vector.broadcast %eq3A_810 : i32 to vector<1x512xi32>
    %eq3A_812 = arith.cmpi eq, %broadcast_in_dim3A_797, %eq3A_811 : vector<1x512xi32>
    %slice3A_813 = vector.extract_strided_slice %transpose3A_792 {offsets = [32, 0], sizes = [32, 512], strides = [1, 1]} : vector<128x512xf32> to vector<32x512xf32>
    %jit3A_814 = arith.constant 0.000000e+00 : f32
    %broadcast_in_dim3A_815 = vector.shape_cast %eq3A_812 : vector<1x512xi1> to vector<1x512xi1>
    %broadcast_in_dim3A_816 = vector.broadcast %broadcast_in_dim3A_815 : vector<1x512xi1> to vector<32x512xi1>
    %broadcast_in_dim3A_817 = vector.broadcast %jit3A_814 : f32 to vector<32x512xf32>
    %select_n3A_818 = arith.select %broadcast_in_dim3A_816, %slice3A_813, %broadcast_in_dim3A_817 : vector<32x512xi1>, vector<32x512xf32>
    %add3A_819 = arith.addf %add3A_809, %select_n3A_818 : vector<32x512xf32>
    %eq3A_820 = arith.constant 2 : i32
    %eq3A_821 = vector.broadcast %eq3A_820 : i32 to vector<1x512xi32>
    %eq3A_822 = arith.cmpi eq, %broadcast_in_dim3A_797, %eq3A_821 : vector<1x512xi32>
    %slice3A_823 = vector.extract_strided_slice %transpose3A_792 {offsets = [64, 0], sizes = [32, 512], strides = [1, 1]} : vector<128x512xf32> to vector<32x512xf32>
    %jit3A_824 = arith.constant 0.000000e+00 : f32
    %broadcast_in_dim3A_825 = vector.shape_cast %eq3A_822 : vector<1x512xi1> to vector<1x512xi1>
    %broadcast_in_dim3A_826 = vector.broadcast %broadcast_in_dim3A_825 : vector<1x512xi1> to vector<32x512xi1>
    %broadcast_in_dim3A_827 = vector.broadcast %jit3A_824 : f32 to vector<32x512xf32>
    %select_n3A_828 = arith.select %broadcast_in_dim3A_826, %slice3A_823, %broadcast_in_dim3A_827 : vector<32x512xi1>, vector<32x512xf32>
    %add3A_829 = arith.addf %add3A_819, %select_n3A_828 : vector<32x512xf32>
    %eq3A_830 = arith.constant 3 : i32
    %eq3A_831 = vector.broadcast %eq3A_830 : i32 to vector<1x512xi32>
    %eq3A_832 = arith.cmpi eq, %broadcast_in_dim3A_797, %eq3A_831 : vector<1x512xi32>
    %slice3A_833 = vector.extract_strided_slice %transpose3A_792 {offsets = [96, 0], sizes = [32, 512], strides = [1, 1]} : vector<128x512xf32> to vector<32x512xf32>
    %jit3A_834 = arith.constant 0.000000e+00 : f32
    %broadcast_in_dim3A_835 = vector.shape_cast %eq3A_832 : vector<1x512xi1> to vector<1x512xi1>
    %broadcast_in_dim3A_836 = vector.broadcast %broadcast_in_dim3A_835 : vector<1x512xi1> to vector<32x512xi1>
    %broadcast_in_dim3A_837 = vector.broadcast %jit3A_834 : f32 to vector<32x512xf32>
    %select_n3A_838 = arith.select %broadcast_in_dim3A_836, %slice3A_833, %broadcast_in_dim3A_837 : vector<32x512xi1>, vector<32x512xf32>
    %add3A_839 = arith.addf %add3A_829, %select_n3A_838 : vector<32x512xf32>
    %get3A_840 = arith.constant 16 : index
    %get3A_841 = arith.constant 0 : index
    %get3A_842 = arith.constant 0 : index
    %get3A_843 = vector.load %arg2[%get3A_840, %get3A_841, %get3A_842] : memref<26x512x128xf32, #tpu.memory_space<vmem>>, vector<1x512x128xf32>
    %get3A_844 = vector.shape_cast %get3A_843 : vector<1x512x128xf32> to vector<512x128xf32>
    %transpose3A_845 = tpu.transpose %get3A_844, [1, 0] : vector<512x128xf32> -> vector<128x512xf32>
    %get3A_846 = arith.constant 16 : index
    %get3A_847 = arith.constant 0 : index
    %get3A_848 = vector.load %arg3[%get3A_846, %get3A_847] : memref<26x512xi32, #tpu.memory_space<vmem>>, vector<1x512xi32>
    %get3A_849 = vector.shape_cast %get3A_848 : vector<1x512xi32> to vector<512xi32>
    %broadcast_in_dim3A_850 = vector.shape_cast %get3A_849 : vector<512xi32> to vector<1x512xi32>
    %broadcast_in_dim3A_851 = arith.constant 0.000000e+00 : f32
    %broadcast_in_dim3A_852 = vector.broadcast %broadcast_in_dim3A_851 : f32 to vector<32x512xf32>
    %eq3A_853 = arith.constant 0 : i32
    %eq3A_854 = vector.broadcast %eq3A_853 : i32 to vector<1x512xi32>
    %eq3A_855 = arith.cmpi eq, %broadcast_in_dim3A_850, %eq3A_854 : vector<1x512xi32>
    %slice3A_856 = vector.extract_strided_slice %transpose3A_845 {offsets = [0, 0], sizes = [32, 512], strides = [1, 1]} : vector<128x512xf32> to vector<32x512xf32>
    %jit3A_857 = arith.constant 0.000000e+00 : f32
    %broadcast_in_dim3A_858 = vector.shape_cast %eq3A_855 : vector<1x512xi1> to vector<1x512xi1>
    %broadcast_in_dim3A_859 = vector.broadcast %broadcast_in_dim3A_858 : vector<1x512xi1> to vector<32x512xi1>
    %broadcast_in_dim3A_860 = vector.broadcast %jit3A_857 : f32 to vector<32x512xf32>
    %select_n3A_861 = arith.select %broadcast_in_dim3A_859, %slice3A_856, %broadcast_in_dim3A_860 : vector<32x512xi1>, vector<32x512xf32>
    %add3A_862 = arith.addf %broadcast_in_dim3A_852, %select_n3A_861 : vector<32x512xf32>
    %eq3A_863 = arith.constant 1 : i32
    %eq3A_864 = vector.broadcast %eq3A_863 : i32 to vector<1x512xi32>
    %eq3A_865 = arith.cmpi eq, %broadcast_in_dim3A_850, %eq3A_864 : vector<1x512xi32>
    %slice3A_866 = vector.extract_strided_slice %transpose3A_845 {offsets = [32, 0], sizes = [32, 512], strides = [1, 1]} : vector<128x512xf32> to vector<32x512xf32>
    %jit3A_867 = arith.constant 0.000000e+00 : f32
    %broadcast_in_dim3A_868 = vector.shape_cast %eq3A_865 : vector<1x512xi1> to vector<1x512xi1>
    %broadcast_in_dim3A_869 = vector.broadcast %broadcast_in_dim3A_868 : vector<1x512xi1> to vector<32x512xi1>
    %broadcast_in_dim3A_870 = vector.broadcast %jit3A_867 : f32 to vector<32x512xf32>
    %select_n3A_871 = arith.select %broadcast_in_dim3A_869, %slice3A_866, %broadcast_in_dim3A_870 : vector<32x512xi1>, vector<32x512xf32>
    %add3A_872 = arith.addf %add3A_862, %select_n3A_871 : vector<32x512xf32>
    %eq3A_873 = arith.constant 2 : i32
    %eq3A_874 = vector.broadcast %eq3A_873 : i32 to vector<1x512xi32>
    %eq3A_875 = arith.cmpi eq, %broadcast_in_dim3A_850, %eq3A_874 : vector<1x512xi32>
    %slice3A_876 = vector.extract_strided_slice %transpose3A_845 {offsets = [64, 0], sizes = [32, 512], strides = [1, 1]} : vector<128x512xf32> to vector<32x512xf32>
    %jit3A_877 = arith.constant 0.000000e+00 : f32
    %broadcast_in_dim3A_878 = vector.shape_cast %eq3A_875 : vector<1x512xi1> to vector<1x512xi1>
    %broadcast_in_dim3A_879 = vector.broadcast %broadcast_in_dim3A_878 : vector<1x512xi1> to vector<32x512xi1>
    %broadcast_in_dim3A_880 = vector.broadcast %jit3A_877 : f32 to vector<32x512xf32>
    %select_n3A_881 = arith.select %broadcast_in_dim3A_879, %slice3A_876, %broadcast_in_dim3A_880 : vector<32x512xi1>, vector<32x512xf32>
    %add3A_882 = arith.addf %add3A_872, %select_n3A_881 : vector<32x512xf32>
    %eq3A_883 = arith.constant 3 : i32
    %eq3A_884 = vector.broadcast %eq3A_883 : i32 to vector<1x512xi32>
    %eq3A_885 = arith.cmpi eq, %broadcast_in_dim3A_850, %eq3A_884 : vector<1x512xi32>
    %slice3A_886 = vector.extract_strided_slice %transpose3A_845 {offsets = [96, 0], sizes = [32, 512], strides = [1, 1]} : vector<128x512xf32> to vector<32x512xf32>
    %jit3A_887 = arith.constant 0.000000e+00 : f32
    %broadcast_in_dim3A_888 = vector.shape_cast %eq3A_885 : vector<1x512xi1> to vector<1x512xi1>
    %broadcast_in_dim3A_889 = vector.broadcast %broadcast_in_dim3A_888 : vector<1x512xi1> to vector<32x512xi1>
    %broadcast_in_dim3A_890 = vector.broadcast %jit3A_887 : f32 to vector<32x512xf32>
    %select_n3A_891 = arith.select %broadcast_in_dim3A_889, %slice3A_886, %broadcast_in_dim3A_890 : vector<32x512xi1>, vector<32x512xf32>
    %add3A_892 = arith.addf %add3A_882, %select_n3A_891 : vector<32x512xf32>
    %get3A_893 = arith.constant 17 : index
    %get3A_894 = arith.constant 0 : index
    %get3A_895 = arith.constant 0 : index
    %get3A_896 = vector.load %arg2[%get3A_893, %get3A_894, %get3A_895] : memref<26x512x128xf32, #tpu.memory_space<vmem>>, vector<1x512x128xf32>
    %get3A_897 = vector.shape_cast %get3A_896 : vector<1x512x128xf32> to vector<512x128xf32>
    %transpose3A_898 = tpu.transpose %get3A_897, [1, 0] : vector<512x128xf32> -> vector<128x512xf32>
    %get3A_899 = arith.constant 17 : index
    %get3A_900 = arith.constant 0 : index
    %get3A_901 = vector.load %arg3[%get3A_899, %get3A_900] : memref<26x512xi32, #tpu.memory_space<vmem>>, vector<1x512xi32>
    %get3A_902 = vector.shape_cast %get3A_901 : vector<1x512xi32> to vector<512xi32>
    %broadcast_in_dim3A_903 = vector.shape_cast %get3A_902 : vector<512xi32> to vector<1x512xi32>
    %broadcast_in_dim3A_904 = arith.constant 0.000000e+00 : f32
    %broadcast_in_dim3A_905 = vector.broadcast %broadcast_in_dim3A_904 : f32 to vector<32x512xf32>
    %eq3A_906 = arith.constant 0 : i32
    %eq3A_907 = vector.broadcast %eq3A_906 : i32 to vector<1x512xi32>
    %eq3A_908 = arith.cmpi eq, %broadcast_in_dim3A_903, %eq3A_907 : vector<1x512xi32>
    %slice3A_909 = vector.extract_strided_slice %transpose3A_898 {offsets = [0, 0], sizes = [32, 512], strides = [1, 1]} : vector<128x512xf32> to vector<32x512xf32>
    %jit3A_910 = arith.constant 0.000000e+00 : f32
    %broadcast_in_dim3A_911 = vector.shape_cast %eq3A_908 : vector<1x512xi1> to vector<1x512xi1>
    %broadcast_in_dim3A_912 = vector.broadcast %broadcast_in_dim3A_911 : vector<1x512xi1> to vector<32x512xi1>
    %broadcast_in_dim3A_913 = vector.broadcast %jit3A_910 : f32 to vector<32x512xf32>
    %select_n3A_914 = arith.select %broadcast_in_dim3A_912, %slice3A_909, %broadcast_in_dim3A_913 : vector<32x512xi1>, vector<32x512xf32>
    %add3A_915 = arith.addf %broadcast_in_dim3A_905, %select_n3A_914 : vector<32x512xf32>
    %eq3A_916 = arith.constant 1 : i32
    %eq3A_917 = vector.broadcast %eq3A_916 : i32 to vector<1x512xi32>
    %eq3A_918 = arith.cmpi eq, %broadcast_in_dim3A_903, %eq3A_917 : vector<1x512xi32>
    %slice3A_919 = vector.extract_strided_slice %transpose3A_898 {offsets = [32, 0], sizes = [32, 512], strides = [1, 1]} : vector<128x512xf32> to vector<32x512xf32>
    %jit3A_920 = arith.constant 0.000000e+00 : f32
    %broadcast_in_dim3A_921 = vector.shape_cast %eq3A_918 : vector<1x512xi1> to vector<1x512xi1>
    %broadcast_in_dim3A_922 = vector.broadcast %broadcast_in_dim3A_921 : vector<1x512xi1> to vector<32x512xi1>
    %broadcast_in_dim3A_923 = vector.broadcast %jit3A_920 : f32 to vector<32x512xf32>
    %select_n3A_924 = arith.select %broadcast_in_dim3A_922, %slice3A_919, %broadcast_in_dim3A_923 : vector<32x512xi1>, vector<32x512xf32>
    %add3A_925 = arith.addf %add3A_915, %select_n3A_924 : vector<32x512xf32>
    %eq3A_926 = arith.constant 2 : i32
    %eq3A_927 = vector.broadcast %eq3A_926 : i32 to vector<1x512xi32>
    %eq3A_928 = arith.cmpi eq, %broadcast_in_dim3A_903, %eq3A_927 : vector<1x512xi32>
    %slice3A_929 = vector.extract_strided_slice %transpose3A_898 {offsets = [64, 0], sizes = [32, 512], strides = [1, 1]} : vector<128x512xf32> to vector<32x512xf32>
    %jit3A_930 = arith.constant 0.000000e+00 : f32
    %broadcast_in_dim3A_931 = vector.shape_cast %eq3A_928 : vector<1x512xi1> to vector<1x512xi1>
    %broadcast_in_dim3A_932 = vector.broadcast %broadcast_in_dim3A_931 : vector<1x512xi1> to vector<32x512xi1>
    %broadcast_in_dim3A_933 = vector.broadcast %jit3A_930 : f32 to vector<32x512xf32>
    %select_n3A_934 = arith.select %broadcast_in_dim3A_932, %slice3A_929, %broadcast_in_dim3A_933 : vector<32x512xi1>, vector<32x512xf32>
    %add3A_935 = arith.addf %add3A_925, %select_n3A_934 : vector<32x512xf32>
    %eq3A_936 = arith.constant 3 : i32
    %eq3A_937 = vector.broadcast %eq3A_936 : i32 to vector<1x512xi32>
    %eq3A_938 = arith.cmpi eq, %broadcast_in_dim3A_903, %eq3A_937 : vector<1x512xi32>
    %slice3A_939 = vector.extract_strided_slice %transpose3A_898 {offsets = [96, 0], sizes = [32, 512], strides = [1, 1]} : vector<128x512xf32> to vector<32x512xf32>
    %jit3A_940 = arith.constant 0.000000e+00 : f32
    %broadcast_in_dim3A_941 = vector.shape_cast %eq3A_938 : vector<1x512xi1> to vector<1x512xi1>
    %broadcast_in_dim3A_942 = vector.broadcast %broadcast_in_dim3A_941 : vector<1x512xi1> to vector<32x512xi1>
    %broadcast_in_dim3A_943 = vector.broadcast %jit3A_940 : f32 to vector<32x512xf32>
    %select_n3A_944 = arith.select %broadcast_in_dim3A_942, %slice3A_939, %broadcast_in_dim3A_943 : vector<32x512xi1>, vector<32x512xf32>
    %add3A_945 = arith.addf %add3A_935, %select_n3A_944 : vector<32x512xf32>
    %get3A_946 = arith.constant 18 : index
    %get3A_947 = arith.constant 0 : index
    %get3A_948 = arith.constant 0 : index
    %get3A_949 = vector.load %arg2[%get3A_946, %get3A_947, %get3A_948] : memref<26x512x128xf32, #tpu.memory_space<vmem>>, vector<1x512x128xf32>
    %get3A_950 = vector.shape_cast %get3A_949 : vector<1x512x128xf32> to vector<512x128xf32>
    %transpose3A_951 = tpu.transpose %get3A_950, [1, 0] : vector<512x128xf32> -> vector<128x512xf32>
    %get3A_952 = arith.constant 18 : index
    %get3A_953 = arith.constant 0 : index
    %get3A_954 = vector.load %arg3[%get3A_952, %get3A_953] : memref<26x512xi32, #tpu.memory_space<vmem>>, vector<1x512xi32>
    %get3A_955 = vector.shape_cast %get3A_954 : vector<1x512xi32> to vector<512xi32>
    %broadcast_in_dim3A_956 = vector.shape_cast %get3A_955 : vector<512xi32> to vector<1x512xi32>
    %broadcast_in_dim3A_957 = arith.constant 0.000000e+00 : f32
    %broadcast_in_dim3A_958 = vector.broadcast %broadcast_in_dim3A_957 : f32 to vector<32x512xf32>
    %eq3A_959 = arith.constant 0 : i32
    %eq3A_960 = vector.broadcast %eq3A_959 : i32 to vector<1x512xi32>
    %eq3A_961 = arith.cmpi eq, %broadcast_in_dim3A_956, %eq3A_960 : vector<1x512xi32>
    %slice3A_962 = vector.extract_strided_slice %transpose3A_951 {offsets = [0, 0], sizes = [32, 512], strides = [1, 1]} : vector<128x512xf32> to vector<32x512xf32>
    %jit3A_963 = arith.constant 0.000000e+00 : f32
    %broadcast_in_dim3A_964 = vector.shape_cast %eq3A_961 : vector<1x512xi1> to vector<1x512xi1>
    %broadcast_in_dim3A_965 = vector.broadcast %broadcast_in_dim3A_964 : vector<1x512xi1> to vector<32x512xi1>
    %broadcast_in_dim3A_966 = vector.broadcast %jit3A_963 : f32 to vector<32x512xf32>
    %select_n3A_967 = arith.select %broadcast_in_dim3A_965, %slice3A_962, %broadcast_in_dim3A_966 : vector<32x512xi1>, vector<32x512xf32>
    %add3A_968 = arith.addf %broadcast_in_dim3A_958, %select_n3A_967 : vector<32x512xf32>
    %eq3A_969 = arith.constant 1 : i32
    %eq3A_970 = vector.broadcast %eq3A_969 : i32 to vector<1x512xi32>
    %eq3A_971 = arith.cmpi eq, %broadcast_in_dim3A_956, %eq3A_970 : vector<1x512xi32>
    %slice3A_972 = vector.extract_strided_slice %transpose3A_951 {offsets = [32, 0], sizes = [32, 512], strides = [1, 1]} : vector<128x512xf32> to vector<32x512xf32>
    %jit3A_973 = arith.constant 0.000000e+00 : f32
    %broadcast_in_dim3A_974 = vector.shape_cast %eq3A_971 : vector<1x512xi1> to vector<1x512xi1>
    %broadcast_in_dim3A_975 = vector.broadcast %broadcast_in_dim3A_974 : vector<1x512xi1> to vector<32x512xi1>
    %broadcast_in_dim3A_976 = vector.broadcast %jit3A_973 : f32 to vector<32x512xf32>
    %select_n3A_977 = arith.select %broadcast_in_dim3A_975, %slice3A_972, %broadcast_in_dim3A_976 : vector<32x512xi1>, vector<32x512xf32>
    %add3A_978 = arith.addf %add3A_968, %select_n3A_977 : vector<32x512xf32>
    %eq3A_979 = arith.constant 2 : i32
    %eq3A_980 = vector.broadcast %eq3A_979 : i32 to vector<1x512xi32>
    %eq3A_981 = arith.cmpi eq, %broadcast_in_dim3A_956, %eq3A_980 : vector<1x512xi32>
    %slice3A_982 = vector.extract_strided_slice %transpose3A_951 {offsets = [64, 0], sizes = [32, 512], strides = [1, 1]} : vector<128x512xf32> to vector<32x512xf32>
    %jit3A_983 = arith.constant 0.000000e+00 : f32
    %broadcast_in_dim3A_984 = vector.shape_cast %eq3A_981 : vector<1x512xi1> to vector<1x512xi1>
    %broadcast_in_dim3A_985 = vector.broadcast %broadcast_in_dim3A_984 : vector<1x512xi1> to vector<32x512xi1>
    %broadcast_in_dim3A_986 = vector.broadcast %jit3A_983 : f32 to vector<32x512xf32>
    %select_n3A_987 = arith.select %broadcast_in_dim3A_985, %slice3A_982, %broadcast_in_dim3A_986 : vector<32x512xi1>, vector<32x512xf32>
    %add3A_988 = arith.addf %add3A_978, %select_n3A_987 : vector<32x512xf32>
    %eq3A_989 = arith.constant 3 : i32
    %eq3A_990 = vector.broadcast %eq3A_989 : i32 to vector<1x512xi32>
    %eq3A_991 = arith.cmpi eq, %broadcast_in_dim3A_956, %eq3A_990 : vector<1x512xi32>
    %slice3A_992 = vector.extract_strided_slice %transpose3A_951 {offsets = [96, 0], sizes = [32, 512], strides = [1, 1]} : vector<128x512xf32> to vector<32x512xf32>
    %jit3A_993 = arith.constant 0.000000e+00 : f32
    %broadcast_in_dim3A_994 = vector.shape_cast %eq3A_991 : vector<1x512xi1> to vector<1x512xi1>
    %broadcast_in_dim3A_995 = vector.broadcast %broadcast_in_dim3A_994 : vector<1x512xi1> to vector<32x512xi1>
    %broadcast_in_dim3A_996 = vector.broadcast %jit3A_993 : f32 to vector<32x512xf32>
    %select_n3A_997 = arith.select %broadcast_in_dim3A_995, %slice3A_992, %broadcast_in_dim3A_996 : vector<32x512xi1>, vector<32x512xf32>
    %add3A_998 = arith.addf %add3A_988, %select_n3A_997 : vector<32x512xf32>
    %get3A_999 = arith.constant 19 : index
    %get3A_1000 = arith.constant 0 : index
    %get3A_1001 = arith.constant 0 : index
    %get3A_1002 = vector.load %arg2[%get3A_999, %get3A_1000, %get3A_1001] : memref<26x512x128xf32, #tpu.memory_space<vmem>>, vector<1x512x128xf32>
    %get3A_1003 = vector.shape_cast %get3A_1002 : vector<1x512x128xf32> to vector<512x128xf32>
    %transpose3A_1004 = tpu.transpose %get3A_1003, [1, 0] : vector<512x128xf32> -> vector<128x512xf32>
    %get3A_1005 = arith.constant 19 : index
    %get3A_1006 = arith.constant 0 : index
    %get3A_1007 = vector.load %arg3[%get3A_1005, %get3A_1006] : memref<26x512xi32, #tpu.memory_space<vmem>>, vector<1x512xi32>
    %get3A_1008 = vector.shape_cast %get3A_1007 : vector<1x512xi32> to vector<512xi32>
    %broadcast_in_dim3A_1009 = vector.shape_cast %get3A_1008 : vector<512xi32> to vector<1x512xi32>
    %broadcast_in_dim3A_1010 = arith.constant 0.000000e+00 : f32
    %broadcast_in_dim3A_1011 = vector.broadcast %broadcast_in_dim3A_1010 : f32 to vector<32x512xf32>
    %eq3A_1012 = arith.constant 0 : i32
    %eq3A_1013 = vector.broadcast %eq3A_1012 : i32 to vector<1x512xi32>
    %eq3A_1014 = arith.cmpi eq, %broadcast_in_dim3A_1009, %eq3A_1013 : vector<1x512xi32>
    %slice3A_1015 = vector.extract_strided_slice %transpose3A_1004 {offsets = [0, 0], sizes = [32, 512], strides = [1, 1]} : vector<128x512xf32> to vector<32x512xf32>
    %jit3A_1016 = arith.constant 0.000000e+00 : f32
    %broadcast_in_dim3A_1017 = vector.shape_cast %eq3A_1014 : vector<1x512xi1> to vector<1x512xi1>
    %broadcast_in_dim3A_1018 = vector.broadcast %broadcast_in_dim3A_1017 : vector<1x512xi1> to vector<32x512xi1>
    %broadcast_in_dim3A_1019 = vector.broadcast %jit3A_1016 : f32 to vector<32x512xf32>
    %select_n3A_1020 = arith.select %broadcast_in_dim3A_1018, %slice3A_1015, %broadcast_in_dim3A_1019 : vector<32x512xi1>, vector<32x512xf32>
    %add3A_1021 = arith.addf %broadcast_in_dim3A_1011, %select_n3A_1020 : vector<32x512xf32>
    %eq3A_1022 = arith.constant 1 : i32
    %eq3A_1023 = vector.broadcast %eq3A_1022 : i32 to vector<1x512xi32>
    %eq3A_1024 = arith.cmpi eq, %broadcast_in_dim3A_1009, %eq3A_1023 : vector<1x512xi32>
    %slice3A_1025 = vector.extract_strided_slice %transpose3A_1004 {offsets = [32, 0], sizes = [32, 512], strides = [1, 1]} : vector<128x512xf32> to vector<32x512xf32>
    %jit3A_1026 = arith.constant 0.000000e+00 : f32
    %broadcast_in_dim3A_1027 = vector.shape_cast %eq3A_1024 : vector<1x512xi1> to vector<1x512xi1>
    %broadcast_in_dim3A_1028 = vector.broadcast %broadcast_in_dim3A_1027 : vector<1x512xi1> to vector<32x512xi1>
    %broadcast_in_dim3A_1029 = vector.broadcast %jit3A_1026 : f32 to vector<32x512xf32>
    %select_n3A_1030 = arith.select %broadcast_in_dim3A_1028, %slice3A_1025, %broadcast_in_dim3A_1029 : vector<32x512xi1>, vector<32x512xf32>
    %add3A_1031 = arith.addf %add3A_1021, %select_n3A_1030 : vector<32x512xf32>
    %eq3A_1032 = arith.constant 2 : i32
    %eq3A_1033 = vector.broadcast %eq3A_1032 : i32 to vector<1x512xi32>
    %eq3A_1034 = arith.cmpi eq, %broadcast_in_dim3A_1009, %eq3A_1033 : vector<1x512xi32>
    %slice3A_1035 = vector.extract_strided_slice %transpose3A_1004 {offsets = [64, 0], sizes = [32, 512], strides = [1, 1]} : vector<128x512xf32> to vector<32x512xf32>
    %jit3A_1036 = arith.constant 0.000000e+00 : f32
    %broadcast_in_dim3A_1037 = vector.shape_cast %eq3A_1034 : vector<1x512xi1> to vector<1x512xi1>
    %broadcast_in_dim3A_1038 = vector.broadcast %broadcast_in_dim3A_1037 : vector<1x512xi1> to vector<32x512xi1>
    %broadcast_in_dim3A_1039 = vector.broadcast %jit3A_1036 : f32 to vector<32x512xf32>
    %select_n3A_1040 = arith.select %broadcast_in_dim3A_1038, %slice3A_1035, %broadcast_in_dim3A_1039 : vector<32x512xi1>, vector<32x512xf32>
    %add3A_1041 = arith.addf %add3A_1031, %select_n3A_1040 : vector<32x512xf32>
    %eq3A_1042 = arith.constant 3 : i32
    %eq3A_1043 = vector.broadcast %eq3A_1042 : i32 to vector<1x512xi32>
    %eq3A_1044 = arith.cmpi eq, %broadcast_in_dim3A_1009, %eq3A_1043 : vector<1x512xi32>
    %slice3A_1045 = vector.extract_strided_slice %transpose3A_1004 {offsets = [96, 0], sizes = [32, 512], strides = [1, 1]} : vector<128x512xf32> to vector<32x512xf32>
    %jit3A_1046 = arith.constant 0.000000e+00 : f32
    %broadcast_in_dim3A_1047 = vector.shape_cast %eq3A_1044 : vector<1x512xi1> to vector<1x512xi1>
    %broadcast_in_dim3A_1048 = vector.broadcast %broadcast_in_dim3A_1047 : vector<1x512xi1> to vector<32x512xi1>
    %broadcast_in_dim3A_1049 = vector.broadcast %jit3A_1046 : f32 to vector<32x512xf32>
    %select_n3A_1050 = arith.select %broadcast_in_dim3A_1048, %slice3A_1045, %broadcast_in_dim3A_1049 : vector<32x512xi1>, vector<32x512xf32>
    %add3A_1051 = arith.addf %add3A_1041, %select_n3A_1050 : vector<32x512xf32>
    %get3A_1052 = arith.constant 20 : index
    %get3A_1053 = arith.constant 0 : index
    %get3A_1054 = arith.constant 0 : index
    %get3A_1055 = vector.load %arg2[%get3A_1052, %get3A_1053, %get3A_1054] : memref<26x512x128xf32, #tpu.memory_space<vmem>>, vector<1x512x128xf32>
    %get3A_1056 = vector.shape_cast %get3A_1055 : vector<1x512x128xf32> to vector<512x128xf32>
    %transpose3A_1057 = tpu.transpose %get3A_1056, [1, 0] : vector<512x128xf32> -> vector<128x512xf32>
    %get3A_1058 = arith.constant 20 : index
    %get3A_1059 = arith.constant 0 : index
    %get3A_1060 = vector.load %arg3[%get3A_1058, %get3A_1059] : memref<26x512xi32, #tpu.memory_space<vmem>>, vector<1x512xi32>
    %get3A_1061 = vector.shape_cast %get3A_1060 : vector<1x512xi32> to vector<512xi32>
    %broadcast_in_dim3A_1062 = vector.shape_cast %get3A_1061 : vector<512xi32> to vector<1x512xi32>
    %broadcast_in_dim3A_1063 = arith.constant 0.000000e+00 : f32
    %broadcast_in_dim3A_1064 = vector.broadcast %broadcast_in_dim3A_1063 : f32 to vector<32x512xf32>
    %eq3A_1065 = arith.constant 0 : i32
    %eq3A_1066 = vector.broadcast %eq3A_1065 : i32 to vector<1x512xi32>
    %eq3A_1067 = arith.cmpi eq, %broadcast_in_dim3A_1062, %eq3A_1066 : vector<1x512xi32>
    %slice3A_1068 = vector.extract_strided_slice %transpose3A_1057 {offsets = [0, 0], sizes = [32, 512], strides = [1, 1]} : vector<128x512xf32> to vector<32x512xf32>
    %jit3A_1069 = arith.constant 0.000000e+00 : f32
    %broadcast_in_dim3A_1070 = vector.shape_cast %eq3A_1067 : vector<1x512xi1> to vector<1x512xi1>
    %broadcast_in_dim3A_1071 = vector.broadcast %broadcast_in_dim3A_1070 : vector<1x512xi1> to vector<32x512xi1>
    %broadcast_in_dim3A_1072 = vector.broadcast %jit3A_1069 : f32 to vector<32x512xf32>
    %select_n3A_1073 = arith.select %broadcast_in_dim3A_1071, %slice3A_1068, %broadcast_in_dim3A_1072 : vector<32x512xi1>, vector<32x512xf32>
    %add3A_1074 = arith.addf %broadcast_in_dim3A_1064, %select_n3A_1073 : vector<32x512xf32>
    %eq3A_1075 = arith.constant 1 : i32
    %eq3A_1076 = vector.broadcast %eq3A_1075 : i32 to vector<1x512xi32>
    %eq3A_1077 = arith.cmpi eq, %broadcast_in_dim3A_1062, %eq3A_1076 : vector<1x512xi32>
    %slice3A_1078 = vector.extract_strided_slice %transpose3A_1057 {offsets = [32, 0], sizes = [32, 512], strides = [1, 1]} : vector<128x512xf32> to vector<32x512xf32>
    %jit3A_1079 = arith.constant 0.000000e+00 : f32
    %broadcast_in_dim3A_1080 = vector.shape_cast %eq3A_1077 : vector<1x512xi1> to vector<1x512xi1>
    %broadcast_in_dim3A_1081 = vector.broadcast %broadcast_in_dim3A_1080 : vector<1x512xi1> to vector<32x512xi1>
    %broadcast_in_dim3A_1082 = vector.broadcast %jit3A_1079 : f32 to vector<32x512xf32>
    %select_n3A_1083 = arith.select %broadcast_in_dim3A_1081, %slice3A_1078, %broadcast_in_dim3A_1082 : vector<32x512xi1>, vector<32x512xf32>
    %add3A_1084 = arith.addf %add3A_1074, %select_n3A_1083 : vector<32x512xf32>
    %eq3A_1085 = arith.constant 2 : i32
    %eq3A_1086 = vector.broadcast %eq3A_1085 : i32 to vector<1x512xi32>
    %eq3A_1087 = arith.cmpi eq, %broadcast_in_dim3A_1062, %eq3A_1086 : vector<1x512xi32>
    %slice3A_1088 = vector.extract_strided_slice %transpose3A_1057 {offsets = [64, 0], sizes = [32, 512], strides = [1, 1]} : vector<128x512xf32> to vector<32x512xf32>
    %jit3A_1089 = arith.constant 0.000000e+00 : f32
    %broadcast_in_dim3A_1090 = vector.shape_cast %eq3A_1087 : vector<1x512xi1> to vector<1x512xi1>
    %broadcast_in_dim3A_1091 = vector.broadcast %broadcast_in_dim3A_1090 : vector<1x512xi1> to vector<32x512xi1>
    %broadcast_in_dim3A_1092 = vector.broadcast %jit3A_1089 : f32 to vector<32x512xf32>
    %select_n3A_1093 = arith.select %broadcast_in_dim3A_1091, %slice3A_1088, %broadcast_in_dim3A_1092 : vector<32x512xi1>, vector<32x512xf32>
    %add3A_1094 = arith.addf %add3A_1084, %select_n3A_1093 : vector<32x512xf32>
    %eq3A_1095 = arith.constant 3 : i32
    %eq3A_1096 = vector.broadcast %eq3A_1095 : i32 to vector<1x512xi32>
    %eq3A_1097 = arith.cmpi eq, %broadcast_in_dim3A_1062, %eq3A_1096 : vector<1x512xi32>
    %slice3A_1098 = vector.extract_strided_slice %transpose3A_1057 {offsets = [96, 0], sizes = [32, 512], strides = [1, 1]} : vector<128x512xf32> to vector<32x512xf32>
    %jit3A_1099 = arith.constant 0.000000e+00 : f32
    %broadcast_in_dim3A_1100 = vector.shape_cast %eq3A_1097 : vector<1x512xi1> to vector<1x512xi1>
    %broadcast_in_dim3A_1101 = vector.broadcast %broadcast_in_dim3A_1100 : vector<1x512xi1> to vector<32x512xi1>
    %broadcast_in_dim3A_1102 = vector.broadcast %jit3A_1099 : f32 to vector<32x512xf32>
    %select_n3A_1103 = arith.select %broadcast_in_dim3A_1101, %slice3A_1098, %broadcast_in_dim3A_1102 : vector<32x512xi1>, vector<32x512xf32>
    %add3A_1104 = arith.addf %add3A_1094, %select_n3A_1103 : vector<32x512xf32>
    %get3A_1105 = arith.constant 21 : index
    %get3A_1106 = arith.constant 0 : index
    %get3A_1107 = arith.constant 0 : index
    %get3A_1108 = vector.load %arg2[%get3A_1105, %get3A_1106, %get3A_1107] : memref<26x512x128xf32, #tpu.memory_space<vmem>>, vector<1x512x128xf32>
    %get3A_1109 = vector.shape_cast %get3A_1108 : vector<1x512x128xf32> to vector<512x128xf32>
    %transpose3A_1110 = tpu.transpose %get3A_1109, [1, 0] : vector<512x128xf32> -> vector<128x512xf32>
    %get3A_1111 = arith.constant 21 : index
    %get3A_1112 = arith.constant 0 : index
    %get3A_1113 = vector.load %arg3[%get3A_1111, %get3A_1112] : memref<26x512xi32, #tpu.memory_space<vmem>>, vector<1x512xi32>
    %get3A_1114 = vector.shape_cast %get3A_1113 : vector<1x512xi32> to vector<512xi32>
    %broadcast_in_dim3A_1115 = vector.shape_cast %get3A_1114 : vector<512xi32> to vector<1x512xi32>
    %broadcast_in_dim3A_1116 = arith.constant 0.000000e+00 : f32
    %broadcast_in_dim3A_1117 = vector.broadcast %broadcast_in_dim3A_1116 : f32 to vector<32x512xf32>
    %eq3A_1118 = arith.constant 0 : i32
    %eq3A_1119 = vector.broadcast %eq3A_1118 : i32 to vector<1x512xi32>
    %eq3A_1120 = arith.cmpi eq, %broadcast_in_dim3A_1115, %eq3A_1119 : vector<1x512xi32>
    %slice3A_1121 = vector.extract_strided_slice %transpose3A_1110 {offsets = [0, 0], sizes = [32, 512], strides = [1, 1]} : vector<128x512xf32> to vector<32x512xf32>
    %jit3A_1122 = arith.constant 0.000000e+00 : f32
    %broadcast_in_dim3A_1123 = vector.shape_cast %eq3A_1120 : vector<1x512xi1> to vector<1x512xi1>
    %broadcast_in_dim3A_1124 = vector.broadcast %broadcast_in_dim3A_1123 : vector<1x512xi1> to vector<32x512xi1>
    %broadcast_in_dim3A_1125 = vector.broadcast %jit3A_1122 : f32 to vector<32x512xf32>
    %select_n3A_1126 = arith.select %broadcast_in_dim3A_1124, %slice3A_1121, %broadcast_in_dim3A_1125 : vector<32x512xi1>, vector<32x512xf32>
    %add3A_1127 = arith.addf %broadcast_in_dim3A_1117, %select_n3A_1126 : vector<32x512xf32>
    %eq3A_1128 = arith.constant 1 : i32
    %eq3A_1129 = vector.broadcast %eq3A_1128 : i32 to vector<1x512xi32>
    %eq3A_1130 = arith.cmpi eq, %broadcast_in_dim3A_1115, %eq3A_1129 : vector<1x512xi32>
    %slice3A_1131 = vector.extract_strided_slice %transpose3A_1110 {offsets = [32, 0], sizes = [32, 512], strides = [1, 1]} : vector<128x512xf32> to vector<32x512xf32>
    %jit3A_1132 = arith.constant 0.000000e+00 : f32
    %broadcast_in_dim3A_1133 = vector.shape_cast %eq3A_1130 : vector<1x512xi1> to vector<1x512xi1>
    %broadcast_in_dim3A_1134 = vector.broadcast %broadcast_in_dim3A_1133 : vector<1x512xi1> to vector<32x512xi1>
    %broadcast_in_dim3A_1135 = vector.broadcast %jit3A_1132 : f32 to vector<32x512xf32>
    %select_n3A_1136 = arith.select %broadcast_in_dim3A_1134, %slice3A_1131, %broadcast_in_dim3A_1135 : vector<32x512xi1>, vector<32x512xf32>
    %add3A_1137 = arith.addf %add3A_1127, %select_n3A_1136 : vector<32x512xf32>
    %eq3A_1138 = arith.constant 2 : i32
    %eq3A_1139 = vector.broadcast %eq3A_1138 : i32 to vector<1x512xi32>
    %eq3A_1140 = arith.cmpi eq, %broadcast_in_dim3A_1115, %eq3A_1139 : vector<1x512xi32>
    %slice3A_1141 = vector.extract_strided_slice %transpose3A_1110 {offsets = [64, 0], sizes = [32, 512], strides = [1, 1]} : vector<128x512xf32> to vector<32x512xf32>
    %jit3A_1142 = arith.constant 0.000000e+00 : f32
    %broadcast_in_dim3A_1143 = vector.shape_cast %eq3A_1140 : vector<1x512xi1> to vector<1x512xi1>
    %broadcast_in_dim3A_1144 = vector.broadcast %broadcast_in_dim3A_1143 : vector<1x512xi1> to vector<32x512xi1>
    %broadcast_in_dim3A_1145 = vector.broadcast %jit3A_1142 : f32 to vector<32x512xf32>
    %select_n3A_1146 = arith.select %broadcast_in_dim3A_1144, %slice3A_1141, %broadcast_in_dim3A_1145 : vector<32x512xi1>, vector<32x512xf32>
    %add3A_1147 = arith.addf %add3A_1137, %select_n3A_1146 : vector<32x512xf32>
    %eq3A_1148 = arith.constant 3 : i32
    %eq3A_1149 = vector.broadcast %eq3A_1148 : i32 to vector<1x512xi32>
    %eq3A_1150 = arith.cmpi eq, %broadcast_in_dim3A_1115, %eq3A_1149 : vector<1x512xi32>
    %slice3A_1151 = vector.extract_strided_slice %transpose3A_1110 {offsets = [96, 0], sizes = [32, 512], strides = [1, 1]} : vector<128x512xf32> to vector<32x512xf32>
    %jit3A_1152 = arith.constant 0.000000e+00 : f32
    %broadcast_in_dim3A_1153 = vector.shape_cast %eq3A_1150 : vector<1x512xi1> to vector<1x512xi1>
    %broadcast_in_dim3A_1154 = vector.broadcast %broadcast_in_dim3A_1153 : vector<1x512xi1> to vector<32x512xi1>
    %broadcast_in_dim3A_1155 = vector.broadcast %jit3A_1152 : f32 to vector<32x512xf32>
    %select_n3A_1156 = arith.select %broadcast_in_dim3A_1154, %slice3A_1151, %broadcast_in_dim3A_1155 : vector<32x512xi1>, vector<32x512xf32>
    %add3A_1157 = arith.addf %add3A_1147, %select_n3A_1156 : vector<32x512xf32>
    %get3A_1158 = arith.constant 22 : index
    %get3A_1159 = arith.constant 0 : index
    %get3A_1160 = arith.constant 0 : index
    %get3A_1161 = vector.load %arg2[%get3A_1158, %get3A_1159, %get3A_1160] : memref<26x512x128xf32, #tpu.memory_space<vmem>>, vector<1x512x128xf32>
    %get3A_1162 = vector.shape_cast %get3A_1161 : vector<1x512x128xf32> to vector<512x128xf32>
    %transpose3A_1163 = tpu.transpose %get3A_1162, [1, 0] : vector<512x128xf32> -> vector<128x512xf32>
    %get3A_1164 = arith.constant 22 : index
    %get3A_1165 = arith.constant 0 : index
    %get3A_1166 = vector.load %arg3[%get3A_1164, %get3A_1165] : memref<26x512xi32, #tpu.memory_space<vmem>>, vector<1x512xi32>
    %get3A_1167 = vector.shape_cast %get3A_1166 : vector<1x512xi32> to vector<512xi32>
    %broadcast_in_dim3A_1168 = vector.shape_cast %get3A_1167 : vector<512xi32> to vector<1x512xi32>
    %broadcast_in_dim3A_1169 = arith.constant 0.000000e+00 : f32
    %broadcast_in_dim3A_1170 = vector.broadcast %broadcast_in_dim3A_1169 : f32 to vector<32x512xf32>
    %eq3A_1171 = arith.constant 0 : i32
    %eq3A_1172 = vector.broadcast %eq3A_1171 : i32 to vector<1x512xi32>
    %eq3A_1173 = arith.cmpi eq, %broadcast_in_dim3A_1168, %eq3A_1172 : vector<1x512xi32>
    %slice3A_1174 = vector.extract_strided_slice %transpose3A_1163 {offsets = [0, 0], sizes = [32, 512], strides = [1, 1]} : vector<128x512xf32> to vector<32x512xf32>
    %jit3A_1175 = arith.constant 0.000000e+00 : f32
    %broadcast_in_dim3A_1176 = vector.shape_cast %eq3A_1173 : vector<1x512xi1> to vector<1x512xi1>
    %broadcast_in_dim3A_1177 = vector.broadcast %broadcast_in_dim3A_1176 : vector<1x512xi1> to vector<32x512xi1>
    %broadcast_in_dim3A_1178 = vector.broadcast %jit3A_1175 : f32 to vector<32x512xf32>
    %select_n3A_1179 = arith.select %broadcast_in_dim3A_1177, %slice3A_1174, %broadcast_in_dim3A_1178 : vector<32x512xi1>, vector<32x512xf32>
    %add3A_1180 = arith.addf %broadcast_in_dim3A_1170, %select_n3A_1179 : vector<32x512xf32>
    %eq3A_1181 = arith.constant 1 : i32
    %eq3A_1182 = vector.broadcast %eq3A_1181 : i32 to vector<1x512xi32>
    %eq3A_1183 = arith.cmpi eq, %broadcast_in_dim3A_1168, %eq3A_1182 : vector<1x512xi32>
    %slice3A_1184 = vector.extract_strided_slice %transpose3A_1163 {offsets = [32, 0], sizes = [32, 512], strides = [1, 1]} : vector<128x512xf32> to vector<32x512xf32>
    %jit3A_1185 = arith.constant 0.000000e+00 : f32
    %broadcast_in_dim3A_1186 = vector.shape_cast %eq3A_1183 : vector<1x512xi1> to vector<1x512xi1>
    %broadcast_in_dim3A_1187 = vector.broadcast %broadcast_in_dim3A_1186 : vector<1x512xi1> to vector<32x512xi1>
    %broadcast_in_dim3A_1188 = vector.broadcast %jit3A_1185 : f32 to vector<32x512xf32>
    %select_n3A_1189 = arith.select %broadcast_in_dim3A_1187, %slice3A_1184, %broadcast_in_dim3A_1188 : vector<32x512xi1>, vector<32x512xf32>
    %add3A_1190 = arith.addf %add3A_1180, %select_n3A_1189 : vector<32x512xf32>
    %eq3A_1191 = arith.constant 2 : i32
    %eq3A_1192 = vector.broadcast %eq3A_1191 : i32 to vector<1x512xi32>
    %eq3A_1193 = arith.cmpi eq, %broadcast_in_dim3A_1168, %eq3A_1192 : vector<1x512xi32>
    %slice3A_1194 = vector.extract_strided_slice %transpose3A_1163 {offsets = [64, 0], sizes = [32, 512], strides = [1, 1]} : vector<128x512xf32> to vector<32x512xf32>
    %jit3A_1195 = arith.constant 0.000000e+00 : f32
    %broadcast_in_dim3A_1196 = vector.shape_cast %eq3A_1193 : vector<1x512xi1> to vector<1x512xi1>
    %broadcast_in_dim3A_1197 = vector.broadcast %broadcast_in_dim3A_1196 : vector<1x512xi1> to vector<32x512xi1>
    %broadcast_in_dim3A_1198 = vector.broadcast %jit3A_1195 : f32 to vector<32x512xf32>
    %select_n3A_1199 = arith.select %broadcast_in_dim3A_1197, %slice3A_1194, %broadcast_in_dim3A_1198 : vector<32x512xi1>, vector<32x512xf32>
    %add3A_1200 = arith.addf %add3A_1190, %select_n3A_1199 : vector<32x512xf32>
    %eq3A_1201 = arith.constant 3 : i32
    %eq3A_1202 = vector.broadcast %eq3A_1201 : i32 to vector<1x512xi32>
    %eq3A_1203 = arith.cmpi eq, %broadcast_in_dim3A_1168, %eq3A_1202 : vector<1x512xi32>
    %slice3A_1204 = vector.extract_strided_slice %transpose3A_1163 {offsets = [96, 0], sizes = [32, 512], strides = [1, 1]} : vector<128x512xf32> to vector<32x512xf32>
    %jit3A_1205 = arith.constant 0.000000e+00 : f32
    %broadcast_in_dim3A_1206 = vector.shape_cast %eq3A_1203 : vector<1x512xi1> to vector<1x512xi1>
    %broadcast_in_dim3A_1207 = vector.broadcast %broadcast_in_dim3A_1206 : vector<1x512xi1> to vector<32x512xi1>
    %broadcast_in_dim3A_1208 = vector.broadcast %jit3A_1205 : f32 to vector<32x512xf32>
    %select_n3A_1209 = arith.select %broadcast_in_dim3A_1207, %slice3A_1204, %broadcast_in_dim3A_1208 : vector<32x512xi1>, vector<32x512xf32>
    %add3A_1210 = arith.addf %add3A_1200, %select_n3A_1209 : vector<32x512xf32>
    %get3A_1211 = arith.constant 23 : index
    %get3A_1212 = arith.constant 0 : index
    %get3A_1213 = arith.constant 0 : index
    %get3A_1214 = vector.load %arg2[%get3A_1211, %get3A_1212, %get3A_1213] : memref<26x512x128xf32, #tpu.memory_space<vmem>>, vector<1x512x128xf32>
    %get3A_1215 = vector.shape_cast %get3A_1214 : vector<1x512x128xf32> to vector<512x128xf32>
    %transpose3A_1216 = tpu.transpose %get3A_1215, [1, 0] : vector<512x128xf32> -> vector<128x512xf32>
    %get3A_1217 = arith.constant 23 : index
    %get3A_1218 = arith.constant 0 : index
    %get3A_1219 = vector.load %arg3[%get3A_1217, %get3A_1218] : memref<26x512xi32, #tpu.memory_space<vmem>>, vector<1x512xi32>
    %get3A_1220 = vector.shape_cast %get3A_1219 : vector<1x512xi32> to vector<512xi32>
    %broadcast_in_dim3A_1221 = vector.shape_cast %get3A_1220 : vector<512xi32> to vector<1x512xi32>
    %broadcast_in_dim3A_1222 = arith.constant 0.000000e+00 : f32
    %broadcast_in_dim3A_1223 = vector.broadcast %broadcast_in_dim3A_1222 : f32 to vector<32x512xf32>
    %eq3A_1224 = arith.constant 0 : i32
    %eq3A_1225 = vector.broadcast %eq3A_1224 : i32 to vector<1x512xi32>
    %eq3A_1226 = arith.cmpi eq, %broadcast_in_dim3A_1221, %eq3A_1225 : vector<1x512xi32>
    %slice3A_1227 = vector.extract_strided_slice %transpose3A_1216 {offsets = [0, 0], sizes = [32, 512], strides = [1, 1]} : vector<128x512xf32> to vector<32x512xf32>
    %jit3A_1228 = arith.constant 0.000000e+00 : f32
    %broadcast_in_dim3A_1229 = vector.shape_cast %eq3A_1226 : vector<1x512xi1> to vector<1x512xi1>
    %broadcast_in_dim3A_1230 = vector.broadcast %broadcast_in_dim3A_1229 : vector<1x512xi1> to vector<32x512xi1>
    %broadcast_in_dim3A_1231 = vector.broadcast %jit3A_1228 : f32 to vector<32x512xf32>
    %select_n3A_1232 = arith.select %broadcast_in_dim3A_1230, %slice3A_1227, %broadcast_in_dim3A_1231 : vector<32x512xi1>, vector<32x512xf32>
    %add3A_1233 = arith.addf %broadcast_in_dim3A_1223, %select_n3A_1232 : vector<32x512xf32>
    %eq3A_1234 = arith.constant 1 : i32
    %eq3A_1235 = vector.broadcast %eq3A_1234 : i32 to vector<1x512xi32>
    %eq3A_1236 = arith.cmpi eq, %broadcast_in_dim3A_1221, %eq3A_1235 : vector<1x512xi32>
    %slice3A_1237 = vector.extract_strided_slice %transpose3A_1216 {offsets = [32, 0], sizes = [32, 512], strides = [1, 1]} : vector<128x512xf32> to vector<32x512xf32>
    %jit3A_1238 = arith.constant 0.000000e+00 : f32
    %broadcast_in_dim3A_1239 = vector.shape_cast %eq3A_1236 : vector<1x512xi1> to vector<1x512xi1>
    %broadcast_in_dim3A_1240 = vector.broadcast %broadcast_in_dim3A_1239 : vector<1x512xi1> to vector<32x512xi1>
    %broadcast_in_dim3A_1241 = vector.broadcast %jit3A_1238 : f32 to vector<32x512xf32>
    %select_n3A_1242 = arith.select %broadcast_in_dim3A_1240, %slice3A_1237, %broadcast_in_dim3A_1241 : vector<32x512xi1>, vector<32x512xf32>
    %add3A_1243 = arith.addf %add3A_1233, %select_n3A_1242 : vector<32x512xf32>
    %eq3A_1244 = arith.constant 2 : i32
    %eq3A_1245 = vector.broadcast %eq3A_1244 : i32 to vector<1x512xi32>
    %eq3A_1246 = arith.cmpi eq, %broadcast_in_dim3A_1221, %eq3A_1245 : vector<1x512xi32>
    %slice3A_1247 = vector.extract_strided_slice %transpose3A_1216 {offsets = [64, 0], sizes = [32, 512], strides = [1, 1]} : vector<128x512xf32> to vector<32x512xf32>
    %jit3A_1248 = arith.constant 0.000000e+00 : f32
    %broadcast_in_dim3A_1249 = vector.shape_cast %eq3A_1246 : vector<1x512xi1> to vector<1x512xi1>
    %broadcast_in_dim3A_1250 = vector.broadcast %broadcast_in_dim3A_1249 : vector<1x512xi1> to vector<32x512xi1>
    %broadcast_in_dim3A_1251 = vector.broadcast %jit3A_1248 : f32 to vector<32x512xf32>
    %select_n3A_1252 = arith.select %broadcast_in_dim3A_1250, %slice3A_1247, %broadcast_in_dim3A_1251 : vector<32x512xi1>, vector<32x512xf32>
    %add3A_1253 = arith.addf %add3A_1243, %select_n3A_1252 : vector<32x512xf32>
    %eq3A_1254 = arith.constant 3 : i32
    %eq3A_1255 = vector.broadcast %eq3A_1254 : i32 to vector<1x512xi32>
    %eq3A_1256 = arith.cmpi eq, %broadcast_in_dim3A_1221, %eq3A_1255 : vector<1x512xi32>
    %slice3A_1257 = vector.extract_strided_slice %transpose3A_1216 {offsets = [96, 0], sizes = [32, 512], strides = [1, 1]} : vector<128x512xf32> to vector<32x512xf32>
    %jit3A_1258 = arith.constant 0.000000e+00 : f32
    %broadcast_in_dim3A_1259 = vector.shape_cast %eq3A_1256 : vector<1x512xi1> to vector<1x512xi1>
    %broadcast_in_dim3A_1260 = vector.broadcast %broadcast_in_dim3A_1259 : vector<1x512xi1> to vector<32x512xi1>
    %broadcast_in_dim3A_1261 = vector.broadcast %jit3A_1258 : f32 to vector<32x512xf32>
    %select_n3A_1262 = arith.select %broadcast_in_dim3A_1260, %slice3A_1257, %broadcast_in_dim3A_1261 : vector<32x512xi1>, vector<32x512xf32>
    %add3A_1263 = arith.addf %add3A_1253, %select_n3A_1262 : vector<32x512xf32>
    %get3A_1264 = arith.constant 24 : index
    %get3A_1265 = arith.constant 0 : index
    %get3A_1266 = arith.constant 0 : index
    %get3A_1267 = vector.load %arg2[%get3A_1264, %get3A_1265, %get3A_1266] : memref<26x512x128xf32, #tpu.memory_space<vmem>>, vector<1x512x128xf32>
    %get3A_1268 = vector.shape_cast %get3A_1267 : vector<1x512x128xf32> to vector<512x128xf32>
    %transpose3A_1269 = tpu.transpose %get3A_1268, [1, 0] : vector<512x128xf32> -> vector<128x512xf32>
    %get3A_1270 = arith.constant 24 : index
    %get3A_1271 = arith.constant 0 : index
    %get3A_1272 = vector.load %arg3[%get3A_1270, %get3A_1271] : memref<26x512xi32, #tpu.memory_space<vmem>>, vector<1x512xi32>
    %get3A_1273 = vector.shape_cast %get3A_1272 : vector<1x512xi32> to vector<512xi32>
    %broadcast_in_dim3A_1274 = vector.shape_cast %get3A_1273 : vector<512xi32> to vector<1x512xi32>
    %broadcast_in_dim3A_1275 = arith.constant 0.000000e+00 : f32
    %broadcast_in_dim3A_1276 = vector.broadcast %broadcast_in_dim3A_1275 : f32 to vector<32x512xf32>
    %eq3A_1277 = arith.constant 0 : i32
    %eq3A_1278 = vector.broadcast %eq3A_1277 : i32 to vector<1x512xi32>
    %eq3A_1279 = arith.cmpi eq, %broadcast_in_dim3A_1274, %eq3A_1278 : vector<1x512xi32>
    %slice3A_1280 = vector.extract_strided_slice %transpose3A_1269 {offsets = [0, 0], sizes = [32, 512], strides = [1, 1]} : vector<128x512xf32> to vector<32x512xf32>
    %jit3A_1281 = arith.constant 0.000000e+00 : f32
    %broadcast_in_dim3A_1282 = vector.shape_cast %eq3A_1279 : vector<1x512xi1> to vector<1x512xi1>
    %broadcast_in_dim3A_1283 = vector.broadcast %broadcast_in_dim3A_1282 : vector<1x512xi1> to vector<32x512xi1>
    %broadcast_in_dim3A_1284 = vector.broadcast %jit3A_1281 : f32 to vector<32x512xf32>
    %select_n3A_1285 = arith.select %broadcast_in_dim3A_1283, %slice3A_1280, %broadcast_in_dim3A_1284 : vector<32x512xi1>, vector<32x512xf32>
    %add3A_1286 = arith.addf %broadcast_in_dim3A_1276, %select_n3A_1285 : vector<32x512xf32>
    %eq3A_1287 = arith.constant 1 : i32
    %eq3A_1288 = vector.broadcast %eq3A_1287 : i32 to vector<1x512xi32>
    %eq3A_1289 = arith.cmpi eq, %broadcast_in_dim3A_1274, %eq3A_1288 : vector<1x512xi32>
    %slice3A_1290 = vector.extract_strided_slice %transpose3A_1269 {offsets = [32, 0], sizes = [32, 512], strides = [1, 1]} : vector<128x512xf32> to vector<32x512xf32>
    %jit3A_1291 = arith.constant 0.000000e+00 : f32
    %broadcast_in_dim3A_1292 = vector.shape_cast %eq3A_1289 : vector<1x512xi1> to vector<1x512xi1>
    %broadcast_in_dim3A_1293 = vector.broadcast %broadcast_in_dim3A_1292 : vector<1x512xi1> to vector<32x512xi1>
    %broadcast_in_dim3A_1294 = vector.broadcast %jit3A_1291 : f32 to vector<32x512xf32>
    %select_n3A_1295 = arith.select %broadcast_in_dim3A_1293, %slice3A_1290, %broadcast_in_dim3A_1294 : vector<32x512xi1>, vector<32x512xf32>
    %add3A_1296 = arith.addf %add3A_1286, %select_n3A_1295 : vector<32x512xf32>
    %eq3A_1297 = arith.constant 2 : i32
    %eq3A_1298 = vector.broadcast %eq3A_1297 : i32 to vector<1x512xi32>
    %eq3A_1299 = arith.cmpi eq, %broadcast_in_dim3A_1274, %eq3A_1298 : vector<1x512xi32>
    %slice3A_1300 = vector.extract_strided_slice %transpose3A_1269 {offsets = [64, 0], sizes = [32, 512], strides = [1, 1]} : vector<128x512xf32> to vector<32x512xf32>
    %jit3A_1301 = arith.constant 0.000000e+00 : f32
    %broadcast_in_dim3A_1302 = vector.shape_cast %eq3A_1299 : vector<1x512xi1> to vector<1x512xi1>
    %broadcast_in_dim3A_1303 = vector.broadcast %broadcast_in_dim3A_1302 : vector<1x512xi1> to vector<32x512xi1>
    %broadcast_in_dim3A_1304 = vector.broadcast %jit3A_1301 : f32 to vector<32x512xf32>
    %select_n3A_1305 = arith.select %broadcast_in_dim3A_1303, %slice3A_1300, %broadcast_in_dim3A_1304 : vector<32x512xi1>, vector<32x512xf32>
    %add3A_1306 = arith.addf %add3A_1296, %select_n3A_1305 : vector<32x512xf32>
    %eq3A_1307 = arith.constant 3 : i32
    %eq3A_1308 = vector.broadcast %eq3A_1307 : i32 to vector<1x512xi32>
    %eq3A_1309 = arith.cmpi eq, %broadcast_in_dim3A_1274, %eq3A_1308 : vector<1x512xi32>
    %slice3A_1310 = vector.extract_strided_slice %transpose3A_1269 {offsets = [96, 0], sizes = [32, 512], strides = [1, 1]} : vector<128x512xf32> to vector<32x512xf32>
    %jit3A_1311 = arith.constant 0.000000e+00 : f32
    %broadcast_in_dim3A_1312 = vector.shape_cast %eq3A_1309 : vector<1x512xi1> to vector<1x512xi1>
    %broadcast_in_dim3A_1313 = vector.broadcast %broadcast_in_dim3A_1312 : vector<1x512xi1> to vector<32x512xi1>
    %broadcast_in_dim3A_1314 = vector.broadcast %jit3A_1311 : f32 to vector<32x512xf32>
    %select_n3A_1315 = arith.select %broadcast_in_dim3A_1313, %slice3A_1310, %broadcast_in_dim3A_1314 : vector<32x512xi1>, vector<32x512xf32>
    %add3A_1316 = arith.addf %add3A_1306, %select_n3A_1315 : vector<32x512xf32>
    %get3A_1317 = arith.constant 25 : index
    %get3A_1318 = arith.constant 0 : index
    %get3A_1319 = arith.constant 0 : index
    %get3A_1320 = vector.load %arg2[%get3A_1317, %get3A_1318, %get3A_1319] : memref<26x512x128xf32, #tpu.memory_space<vmem>>, vector<1x512x128xf32>
    %get3A_1321 = vector.shape_cast %get3A_1320 : vector<1x512x128xf32> to vector<512x128xf32>
    %transpose3A_1322 = tpu.transpose %get3A_1321, [1, 0] : vector<512x128xf32> -> vector<128x512xf32>
    %get3A_1323 = arith.constant 25 : index
    %get3A_1324 = arith.constant 0 : index
    %get3A_1325 = vector.load %arg3[%get3A_1323, %get3A_1324] : memref<26x512xi32, #tpu.memory_space<vmem>>, vector<1x512xi32>
    %get3A_1326 = vector.shape_cast %get3A_1325 : vector<1x512xi32> to vector<512xi32>
    %broadcast_in_dim3A_1327 = vector.shape_cast %get3A_1326 : vector<512xi32> to vector<1x512xi32>
    %broadcast_in_dim3A_1328 = arith.constant 0.000000e+00 : f32
    %broadcast_in_dim3A_1329 = vector.broadcast %broadcast_in_dim3A_1328 : f32 to vector<32x512xf32>
    %eq3A_1330 = arith.constant 0 : i32
    %eq3A_1331 = vector.broadcast %eq3A_1330 : i32 to vector<1x512xi32>
    %eq3A_1332 = arith.cmpi eq, %broadcast_in_dim3A_1327, %eq3A_1331 : vector<1x512xi32>
    %slice3A_1333 = vector.extract_strided_slice %transpose3A_1322 {offsets = [0, 0], sizes = [32, 512], strides = [1, 1]} : vector<128x512xf32> to vector<32x512xf32>
    %jit3A_1334 = arith.constant 0.000000e+00 : f32
    %broadcast_in_dim3A_1335 = vector.shape_cast %eq3A_1332 : vector<1x512xi1> to vector<1x512xi1>
    %broadcast_in_dim3A_1336 = vector.broadcast %broadcast_in_dim3A_1335 : vector<1x512xi1> to vector<32x512xi1>
    %broadcast_in_dim3A_1337 = vector.broadcast %jit3A_1334 : f32 to vector<32x512xf32>
    %select_n3A_1338 = arith.select %broadcast_in_dim3A_1336, %slice3A_1333, %broadcast_in_dim3A_1337 : vector<32x512xi1>, vector<32x512xf32>
    %add3A_1339 = arith.addf %broadcast_in_dim3A_1329, %select_n3A_1338 : vector<32x512xf32>
    %eq3A_1340 = arith.constant 1 : i32
    %eq3A_1341 = vector.broadcast %eq3A_1340 : i32 to vector<1x512xi32>
    %eq3A_1342 = arith.cmpi eq, %broadcast_in_dim3A_1327, %eq3A_1341 : vector<1x512xi32>
    %slice3A_1343 = vector.extract_strided_slice %transpose3A_1322 {offsets = [32, 0], sizes = [32, 512], strides = [1, 1]} : vector<128x512xf32> to vector<32x512xf32>
    %jit3A_1344 = arith.constant 0.000000e+00 : f32
    %broadcast_in_dim3A_1345 = vector.shape_cast %eq3A_1342 : vector<1x512xi1> to vector<1x512xi1>
    %broadcast_in_dim3A_1346 = vector.broadcast %broadcast_in_dim3A_1345 : vector<1x512xi1> to vector<32x512xi1>
    %broadcast_in_dim3A_1347 = vector.broadcast %jit3A_1344 : f32 to vector<32x512xf32>
    %select_n3A_1348 = arith.select %broadcast_in_dim3A_1346, %slice3A_1343, %broadcast_in_dim3A_1347 : vector<32x512xi1>, vector<32x512xf32>
    %add3A_1349 = arith.addf %add3A_1339, %select_n3A_1348 : vector<32x512xf32>
    %eq3A_1350 = arith.constant 2 : i32
    %eq3A_1351 = vector.broadcast %eq3A_1350 : i32 to vector<1x512xi32>
    %eq3A_1352 = arith.cmpi eq, %broadcast_in_dim3A_1327, %eq3A_1351 : vector<1x512xi32>
    %slice3A_1353 = vector.extract_strided_slice %transpose3A_1322 {offsets = [64, 0], sizes = [32, 512], strides = [1, 1]} : vector<128x512xf32> to vector<32x512xf32>
    %jit3A_1354 = arith.constant 0.000000e+00 : f32
    %broadcast_in_dim3A_1355 = vector.shape_cast %eq3A_1352 : vector<1x512xi1> to vector<1x512xi1>
    %broadcast_in_dim3A_1356 = vector.broadcast %broadcast_in_dim3A_1355 : vector<1x512xi1> to vector<32x512xi1>
    %broadcast_in_dim3A_1357 = vector.broadcast %jit3A_1354 : f32 to vector<32x512xf32>
    %select_n3A_1358 = arith.select %broadcast_in_dim3A_1356, %slice3A_1353, %broadcast_in_dim3A_1357 : vector<32x512xi1>, vector<32x512xf32>
    %add3A_1359 = arith.addf %add3A_1349, %select_n3A_1358 : vector<32x512xf32>
    %eq3A_1360 = arith.constant 3 : i32
    %eq3A_1361 = vector.broadcast %eq3A_1360 : i32 to vector<1x512xi32>
    %eq3A_1362 = arith.cmpi eq, %broadcast_in_dim3A_1327, %eq3A_1361 : vector<1x512xi32>
    %slice3A_1363 = vector.extract_strided_slice %transpose3A_1322 {offsets = [96, 0], sizes = [32, 512], strides = [1, 1]} : vector<128x512xf32> to vector<32x512xf32>
    %jit3A_1364 = arith.constant 0.000000e+00 : f32
    %broadcast_in_dim3A_1365 = vector.shape_cast %eq3A_1362 : vector<1x512xi1> to vector<1x512xi1>
    %broadcast_in_dim3A_1366 = vector.broadcast %broadcast_in_dim3A_1365 : vector<1x512xi1> to vector<32x512xi1>
    %broadcast_in_dim3A_1367 = vector.broadcast %jit3A_1364 : f32 to vector<32x512xf32>
    %select_n3A_1368 = arith.select %broadcast_in_dim3A_1366, %slice3A_1363, %broadcast_in_dim3A_1367 : vector<32x512xi1>, vector<32x512xf32>
    %add3A_1369 = arith.addf %add3A_1359, %select_n3A_1368 : vector<32x512xf32>
    %get3A_1370 = arith.constant 0 : index
    %get3A_1371 = arith.constant 0 : index
    %get3A_1372 = vector.load %arg1[%get3A_1370, %get3A_1371] : memref<13x512xf32, #tpu.memory_space<vmem>>, vector<13x512xf32>
    %get3A_1373 = arith.constant 0 : index
    %get3A_1374 = arith.constant 0 : index
    %get3A_1375 = vector.load %arg4[%get3A_1373, %get3A_1374] : memref<512x13xf32, #tpu.memory_space<vmem>>, vector<512x13xf32>
    %dot_general3A = arith.constant dense<0.000000e+00> : vector<512x512xf32>
    %dot_general3A_1376 = tpu.matmul %get3A_1375, %get3A_1372, %dot_general3A {dimension_numbers = #tpu.dot_dimension_numbers<[1], [0], [0], [1], [0, 0, 1, 1], [], []>, precision = #tpu.contract_precision<fp32>, transpose_lhs_hint = false} : vector<512x13xf32>, vector<13x512xf32>, vector<512x512xf32> -> vector<512x512xf32>
    %get3A_1377 = arith.constant 0 : index
    %get3A_1378 = arith.constant 0 : index
    %get3A_1379 = vector.load %arg5[%get3A_1377, %get3A_1378] : memref<512x1xf32, #tpu.memory_space<vmem>>, vector<512x1xf32>
    %add3A_1380 = vector.broadcast %get3A_1379 : vector<512x1xf32> to vector<512x512xf32>
    %add3A_1381 = arith.addf %dot_general3A_1376, %add3A_1380 : vector<512x512xf32>
    %max3A = arith.constant 0.000000e+00 : f32
    %max3A_1382 = vector.broadcast %max3A : f32 to vector<512x512xf32>
    %max3A_1383 = arith.maximumf %add3A_1381, %max3A_1382 : vector<512x512xf32>
    %get3A_1384 = arith.constant 0 : index
    %get3A_1385 = arith.constant 0 : index
    %get3A_1386 = vector.load %arg6[%get3A_1384, %get3A_1385] : memref<256x512xf32, #tpu.memory_space<vmem>>, vector<256x512xf32>
    %dot_general3A_1387 = arith.constant dense<0.000000e+00> : vector<256x512xf32>
    %dot_general3A_1388 = tpu.matmul %get3A_1386, %max3A_1383, %dot_general3A_1387 {dimension_numbers = #tpu.dot_dimension_numbers<[1], [0], [0], [1], [0, 0, 1, 1], [], []>, precision = #tpu.contract_precision<fp32>, transpose_lhs_hint = false} : vector<256x512xf32>, vector<512x512xf32>, vector<256x512xf32> -> vector<256x512xf32>
    %get3A_1389 = arith.constant 0 : index
    %get3A_1390 = arith.constant 0 : index
    %get3A_1391 = vector.load %arg7[%get3A_1389, %get3A_1390] : memref<256x1xf32, #tpu.memory_space<vmem>>, vector<256x1xf32>
    %add3A_1392 = vector.broadcast %get3A_1391 : vector<256x1xf32> to vector<256x512xf32>
    %add3A_1393 = arith.addf %dot_general3A_1388, %add3A_1392 : vector<256x512xf32>
    %max3A_1394 = arith.constant 0.000000e+00 : f32
    %max3A_1395 = vector.broadcast %max3A_1394 : f32 to vector<256x512xf32>
    %max3A_1396 = arith.maximumf %add3A_1393, %max3A_1395 : vector<256x512xf32>
    %get3A_1397 = arith.constant 0 : index
    %get3A_1398 = arith.constant 0 : index
    %get3A_1399 = vector.load %arg8[%get3A_1397, %get3A_1398] : memref<32x256xf32, #tpu.memory_space<vmem>>, vector<32x256xf32>
    %dot_general3A_1400 = arith.constant dense<0.000000e+00> : vector<32x512xf32>
    %dot_general3A_1401 = tpu.matmul %get3A_1399, %max3A_1396, %dot_general3A_1400 {dimension_numbers = #tpu.dot_dimension_numbers<[1], [0], [0], [1], [0, 0, 1, 1], [], []>, precision = #tpu.contract_precision<fp32>, transpose_lhs_hint = false} : vector<32x256xf32>, vector<256x512xf32>, vector<32x512xf32> -> vector<32x512xf32>
    %get3A_1402 = arith.constant 0 : index
    %get3A_1403 = arith.constant 0 : index
    %get3A_1404 = vector.load %arg9[%get3A_1402, %get3A_1403] : memref<32x1xf32, #tpu.memory_space<vmem>>, vector<32x1xf32>
    %add3A_1405 = vector.broadcast %get3A_1404 : vector<32x1xf32> to vector<32x512xf32>
    %add3A_1406 = arith.addf %dot_general3A_1401, %add3A_1405 : vector<32x512xf32>
    %max3A_1407 = arith.constant 0.000000e+00 : f32
    %max3A_1408 = vector.broadcast %max3A_1407 : f32 to vector<32x512xf32>
    %max3A_1409 = arith.maximumf %add3A_1406, %max3A_1408 : vector<32x512xf32>
    %stack3A = vector.shape_cast %max3A_1409 : vector<32x512xf32> to vector<1x32x512xf32>
    %stack3A_1410 = vector.shape_cast %add3A_44 : vector<32x512xf32> to vector<1x32x512xf32>
    %stack3A_1411 = vector.shape_cast %add3A_97 : vector<32x512xf32> to vector<1x32x512xf32>
    %stack3A_1412 = vector.shape_cast %add3A_150 : vector<32x512xf32> to vector<1x32x512xf32>
    %stack3A_1413 = vector.shape_cast %add3A_203 : vector<32x512xf32> to vector<1x32x512xf32>
    %stack3A_1414 = vector.shape_cast %add3A_256 : vector<32x512xf32> to vector<1x32x512xf32>
    %stack3A_1415 = vector.shape_cast %add3A_309 : vector<32x512xf32> to vector<1x32x512xf32>
    %stack3A_1416 = vector.shape_cast %add3A_362 : vector<32x512xf32> to vector<1x32x512xf32>
    %stack3A_1417 = vector.shape_cast %add3A_415 : vector<32x512xf32> to vector<1x32x512xf32>
    %stack3A_1418 = vector.shape_cast %add3A_468 : vector<32x512xf32> to vector<1x32x512xf32>
    %stack3A_1419 = vector.shape_cast %add3A_521 : vector<32x512xf32> to vector<1x32x512xf32>
    %stack3A_1420 = vector.shape_cast %add3A_574 : vector<32x512xf32> to vector<1x32x512xf32>
    %stack3A_1421 = vector.shape_cast %add3A_627 : vector<32x512xf32> to vector<1x32x512xf32>
    %stack3A_1422 = vector.shape_cast %add3A_680 : vector<32x512xf32> to vector<1x32x512xf32>
    %stack3A_1423 = vector.shape_cast %add3A_733 : vector<32x512xf32> to vector<1x32x512xf32>
    %stack3A_1424 = vector.shape_cast %add3A_786 : vector<32x512xf32> to vector<1x32x512xf32>
    %stack3A_1425 = vector.shape_cast %add3A_839 : vector<32x512xf32> to vector<1x32x512xf32>
    %stack3A_1426 = vector.shape_cast %add3A_892 : vector<32x512xf32> to vector<1x32x512xf32>
    %stack3A_1427 = vector.shape_cast %add3A_945 : vector<32x512xf32> to vector<1x32x512xf32>
    %stack3A_1428 = vector.shape_cast %add3A_998 : vector<32x512xf32> to vector<1x32x512xf32>
    %stack3A_1429 = vector.shape_cast %add3A_1051 : vector<32x512xf32> to vector<1x32x512xf32>
    %stack3A_1430 = vector.shape_cast %add3A_1104 : vector<32x512xf32> to vector<1x32x512xf32>
    %stack3A_1431 = vector.shape_cast %add3A_1157 : vector<32x512xf32> to vector<1x32x512xf32>
    %stack3A_1432 = vector.shape_cast %add3A_1210 : vector<32x512xf32> to vector<1x32x512xf32>
    %stack3A_1433 = vector.shape_cast %add3A_1263 : vector<32x512xf32> to vector<1x32x512xf32>
    %stack3A_1434 = vector.shape_cast %add3A_1316 : vector<32x512xf32> to vector<1x32x512xf32>
    %stack3A_1435 = vector.shape_cast %add3A_1369 : vector<32x512xf32> to vector<1x32x512xf32>
    %stack3A_1436 = tpu.concatenate %stack3A, %stack3A_1410, %stack3A_1411, %stack3A_1412, %stack3A_1413, %stack3A_1414, %stack3A_1415, %stack3A_1416, %stack3A_1417, %stack3A_1418, %stack3A_1419, %stack3A_1420, %stack3A_1421, %stack3A_1422, %stack3A_1423, %stack3A_1424, %stack3A_1425, %stack3A_1426, %stack3A_1427, %stack3A_1428, %stack3A_1429, %stack3A_1430, %stack3A_1431, %stack3A_1432, %stack3A_1433, %stack3A_1434, %stack3A_1435 in 0 : vector<1x32x512xf32>, vector<1x32x512xf32>, vector<1x32x512xf32>, vector<1x32x512xf32>, vector<1x32x512xf32>, vector<1x32x512xf32>, vector<1x32x512xf32>, vector<1x32x512xf32>, vector<1x32x512xf32>, vector<1x32x512xf32>, vector<1x32x512xf32>, vector<1x32x512xf32>, vector<1x32x512xf32>, vector<1x32x512xf32>, vector<1x32x512xf32>, vector<1x32x512xf32>, vector<1x32x512xf32>, vector<1x32x512xf32>, vector<1x32x512xf32>, vector<1x32x512xf32>, vector<1x32x512xf32>, vector<1x32x512xf32>, vector<1x32x512xf32>, vector<1x32x512xf32>, vector<1x32x512xf32>, vector<1x32x512xf32>, vector<1x32x512xf32> -> vector<27x32x512xf32>
    %slice3A_1437 = vector.extract_strided_slice %stack3A_1436 {offsets = [0, 0, 0], sizes = [1, 32, 512], strides = [1, 1, 1]} : vector<27x32x512xf32> to vector<1x32x512xf32>
    %squeeze3A = vector.shape_cast %slice3A_1437 : vector<1x32x512xf32> to vector<32x512xf32>
    %broadcast_in_dim3A_1438 = vector.shape_cast %squeeze3A : vector<32x512xf32> to vector<1x32x512xf32>
    %slice3A_1439 = vector.extract_strided_slice %stack3A_1436 {offsets = [1, 0, 0], sizes = [26, 32, 512], strides = [1, 1, 1]} : vector<27x32x512xf32> to vector<26x32x512xf32>
    %mul3A = vector.broadcast %broadcast_in_dim3A_1438 : vector<1x32x512xf32> to vector<26x32x512xf32>
    %mul3A_1440 = arith.mulf %mul3A, %slice3A_1439 : vector<26x32x512xf32>
    %reduce_sum3A = arith.constant dense<0.000000e+00> : vector<26x512xf32>
    %reduce_sum3A_1441 = vector.multi_reduction <add>, %mul3A_1440, %reduce_sum3A [1] : vector<26x32x512xf32> to vector<26x512xf32>
    %slice3A_1442 = vector.extract_strided_slice %stack3A_1436 {offsets = [1, 0, 0], sizes = [1, 32, 512], strides = [1, 1, 1]} : vector<27x32x512xf32> to vector<1x32x512xf32>
    %squeeze3A_1443 = vector.shape_cast %slice3A_1442 : vector<1x32x512xf32> to vector<32x512xf32>
    %broadcast_in_dim3A_1444 = vector.shape_cast %squeeze3A_1443 : vector<32x512xf32> to vector<1x32x512xf32>
    %slice3A_1445 = vector.extract_strided_slice %stack3A_1436 {offsets = [2, 0, 0], sizes = [25, 32, 512], strides = [1, 1, 1]} : vector<27x32x512xf32> to vector<25x32x512xf32>
    %mul3A_1446 = vector.broadcast %broadcast_in_dim3A_1444 : vector<1x32x512xf32> to vector<25x32x512xf32>
    %mul3A_1447 = arith.mulf %mul3A_1446, %slice3A_1445 : vector<25x32x512xf32>
    %reduce_sum3A_1448 = arith.constant dense<0.000000e+00> : vector<25x512xf32>
    %reduce_sum3A_1449 = vector.multi_reduction <add>, %mul3A_1447, %reduce_sum3A_1448 [1] : vector<25x32x512xf32> to vector<25x512xf32>
    %slice3A_1450 = vector.extract_strided_slice %stack3A_1436 {offsets = [2, 0, 0], sizes = [1, 32, 512], strides = [1, 1, 1]} : vector<27x32x512xf32> to vector<1x32x512xf32>
    %squeeze3A_1451 = vector.shape_cast %slice3A_1450 : vector<1x32x512xf32> to vector<32x512xf32>
    %broadcast_in_dim3A_1452 = vector.shape_cast %squeeze3A_1451 : vector<32x512xf32> to vector<1x32x512xf32>
    %slice3A_1453 = vector.extract_strided_slice %stack3A_1436 {offsets = [3, 0, 0], sizes = [24, 32, 512], strides = [1, 1, 1]} : vector<27x32x512xf32> to vector<24x32x512xf32>
    %mul3A_1454 = vector.broadcast %broadcast_in_dim3A_1452 : vector<1x32x512xf32> to vector<24x32x512xf32>
    %mul3A_1455 = arith.mulf %mul3A_1454, %slice3A_1453 : vector<24x32x512xf32>
    %reduce_sum3A_1456 = arith.constant dense<0.000000e+00> : vector<24x512xf32>
    %reduce_sum3A_1457 = vector.multi_reduction <add>, %mul3A_1455, %reduce_sum3A_1456 [1] : vector<24x32x512xf32> to vector<24x512xf32>
    %slice3A_1458 = vector.extract_strided_slice %stack3A_1436 {offsets = [3, 0, 0], sizes = [1, 32, 512], strides = [1, 1, 1]} : vector<27x32x512xf32> to vector<1x32x512xf32>
    %squeeze3A_1459 = vector.shape_cast %slice3A_1458 : vector<1x32x512xf32> to vector<32x512xf32>
    %broadcast_in_dim3A_1460 = vector.shape_cast %squeeze3A_1459 : vector<32x512xf32> to vector<1x32x512xf32>
    %slice3A_1461 = vector.extract_strided_slice %stack3A_1436 {offsets = [4, 0, 0], sizes = [23, 32, 512], strides = [1, 1, 1]} : vector<27x32x512xf32> to vector<23x32x512xf32>
    %mul3A_1462 = vector.broadcast %broadcast_in_dim3A_1460 : vector<1x32x512xf32> to vector<23x32x512xf32>
    %mul3A_1463 = arith.mulf %mul3A_1462, %slice3A_1461 : vector<23x32x512xf32>
    %reduce_sum3A_1464 = arith.constant dense<0.000000e+00> : vector<23x512xf32>
    %reduce_sum3A_1465 = vector.multi_reduction <add>, %mul3A_1463, %reduce_sum3A_1464 [1] : vector<23x32x512xf32> to vector<23x512xf32>
    %slice3A_1466 = vector.extract_strided_slice %stack3A_1436 {offsets = [4, 0, 0], sizes = [1, 32, 512], strides = [1, 1, 1]} : vector<27x32x512xf32> to vector<1x32x512xf32>
    %squeeze3A_1467 = vector.shape_cast %slice3A_1466 : vector<1x32x512xf32> to vector<32x512xf32>
    %broadcast_in_dim3A_1468 = vector.shape_cast %squeeze3A_1467 : vector<32x512xf32> to vector<1x32x512xf32>
    %slice3A_1469 = vector.extract_strided_slice %stack3A_1436 {offsets = [5, 0, 0], sizes = [22, 32, 512], strides = [1, 1, 1]} : vector<27x32x512xf32> to vector<22x32x512xf32>
    %mul3A_1470 = vector.broadcast %broadcast_in_dim3A_1468 : vector<1x32x512xf32> to vector<22x32x512xf32>
    %mul3A_1471 = arith.mulf %mul3A_1470, %slice3A_1469 : vector<22x32x512xf32>
    %reduce_sum3A_1472 = arith.constant dense<0.000000e+00> : vector<22x512xf32>
    %reduce_sum3A_1473 = vector.multi_reduction <add>, %mul3A_1471, %reduce_sum3A_1472 [1] : vector<22x32x512xf32> to vector<22x512xf32>
    %slice3A_1474 = vector.extract_strided_slice %stack3A_1436 {offsets = [5, 0, 0], sizes = [1, 32, 512], strides = [1, 1, 1]} : vector<27x32x512xf32> to vector<1x32x512xf32>
    %squeeze3A_1475 = vector.shape_cast %slice3A_1474 : vector<1x32x512xf32> to vector<32x512xf32>
    %broadcast_in_dim3A_1476 = vector.shape_cast %squeeze3A_1475 : vector<32x512xf32> to vector<1x32x512xf32>
    %slice3A_1477 = vector.extract_strided_slice %stack3A_1436 {offsets = [6, 0, 0], sizes = [21, 32, 512], strides = [1, 1, 1]} : vector<27x32x512xf32> to vector<21x32x512xf32>
    %mul3A_1478 = vector.broadcast %broadcast_in_dim3A_1476 : vector<1x32x512xf32> to vector<21x32x512xf32>
    %mul3A_1479 = arith.mulf %mul3A_1478, %slice3A_1477 : vector<21x32x512xf32>
    %reduce_sum3A_1480 = arith.constant dense<0.000000e+00> : vector<21x512xf32>
    %reduce_sum3A_1481 = vector.multi_reduction <add>, %mul3A_1479, %reduce_sum3A_1480 [1] : vector<21x32x512xf32> to vector<21x512xf32>
    %slice3A_1482 = vector.extract_strided_slice %stack3A_1436 {offsets = [6, 0, 0], sizes = [1, 32, 512], strides = [1, 1, 1]} : vector<27x32x512xf32> to vector<1x32x512xf32>
    %squeeze3A_1483 = vector.shape_cast %slice3A_1482 : vector<1x32x512xf32> to vector<32x512xf32>
    %broadcast_in_dim3A_1484 = vector.shape_cast %squeeze3A_1483 : vector<32x512xf32> to vector<1x32x512xf32>
    %slice3A_1485 = vector.extract_strided_slice %stack3A_1436 {offsets = [7, 0, 0], sizes = [20, 32, 512], strides = [1, 1, 1]} : vector<27x32x512xf32> to vector<20x32x512xf32>
    %mul3A_1486 = vector.broadcast %broadcast_in_dim3A_1484 : vector<1x32x512xf32> to vector<20x32x512xf32>
    %mul3A_1487 = arith.mulf %mul3A_1486, %slice3A_1485 : vector<20x32x512xf32>
    %reduce_sum3A_1488 = arith.constant dense<0.000000e+00> : vector<20x512xf32>
    %reduce_sum3A_1489 = vector.multi_reduction <add>, %mul3A_1487, %reduce_sum3A_1488 [1] : vector<20x32x512xf32> to vector<20x512xf32>
    %slice3A_1490 = vector.extract_strided_slice %stack3A_1436 {offsets = [7, 0, 0], sizes = [1, 32, 512], strides = [1, 1, 1]} : vector<27x32x512xf32> to vector<1x32x512xf32>
    %squeeze3A_1491 = vector.shape_cast %slice3A_1490 : vector<1x32x512xf32> to vector<32x512xf32>
    %broadcast_in_dim3A_1492 = vector.shape_cast %squeeze3A_1491 : vector<32x512xf32> to vector<1x32x512xf32>
    %slice3A_1493 = vector.extract_strided_slice %stack3A_1436 {offsets = [8, 0, 0], sizes = [19, 32, 512], strides = [1, 1, 1]} : vector<27x32x512xf32> to vector<19x32x512xf32>
    %mul3A_1494 = vector.broadcast %broadcast_in_dim3A_1492 : vector<1x32x512xf32> to vector<19x32x512xf32>
    %mul3A_1495 = arith.mulf %mul3A_1494, %slice3A_1493 : vector<19x32x512xf32>
    %reduce_sum3A_1496 = arith.constant dense<0.000000e+00> : vector<19x512xf32>
    %reduce_sum3A_1497 = vector.multi_reduction <add>, %mul3A_1495, %reduce_sum3A_1496 [1] : vector<19x32x512xf32> to vector<19x512xf32>
    %slice3A_1498 = vector.extract_strided_slice %stack3A_1436 {offsets = [8, 0, 0], sizes = [1, 32, 512], strides = [1, 1, 1]} : vector<27x32x512xf32> to vector<1x32x512xf32>
    %squeeze3A_1499 = vector.shape_cast %slice3A_1498 : vector<1x32x512xf32> to vector<32x512xf32>
    %broadcast_in_dim3A_1500 = vector.shape_cast %squeeze3A_1499 : vector<32x512xf32> to vector<1x32x512xf32>
    %slice3A_1501 = vector.extract_strided_slice %stack3A_1436 {offsets = [9, 0, 0], sizes = [18, 32, 512], strides = [1, 1, 1]} : vector<27x32x512xf32> to vector<18x32x512xf32>
    %mul3A_1502 = vector.broadcast %broadcast_in_dim3A_1500 : vector<1x32x512xf32> to vector<18x32x512xf32>
    %mul3A_1503 = arith.mulf %mul3A_1502, %slice3A_1501 : vector<18x32x512xf32>
    %reduce_sum3A_1504 = arith.constant dense<0.000000e+00> : vector<18x512xf32>
    %reduce_sum3A_1505 = vector.multi_reduction <add>, %mul3A_1503, %reduce_sum3A_1504 [1] : vector<18x32x512xf32> to vector<18x512xf32>
    %slice3A_1506 = vector.extract_strided_slice %stack3A_1436 {offsets = [9, 0, 0], sizes = [1, 32, 512], strides = [1, 1, 1]} : vector<27x32x512xf32> to vector<1x32x512xf32>
    %squeeze3A_1507 = vector.shape_cast %slice3A_1506 : vector<1x32x512xf32> to vector<32x512xf32>
    %broadcast_in_dim3A_1508 = vector.shape_cast %squeeze3A_1507 : vector<32x512xf32> to vector<1x32x512xf32>
    %slice3A_1509 = vector.extract_strided_slice %stack3A_1436 {offsets = [10, 0, 0], sizes = [17, 32, 512], strides = [1, 1, 1]} : vector<27x32x512xf32> to vector<17x32x512xf32>
    %mul3A_1510 = vector.broadcast %broadcast_in_dim3A_1508 : vector<1x32x512xf32> to vector<17x32x512xf32>
    %mul3A_1511 = arith.mulf %mul3A_1510, %slice3A_1509 : vector<17x32x512xf32>
    %reduce_sum3A_1512 = arith.constant dense<0.000000e+00> : vector<17x512xf32>
    %reduce_sum3A_1513 = vector.multi_reduction <add>, %mul3A_1511, %reduce_sum3A_1512 [1] : vector<17x32x512xf32> to vector<17x512xf32>
    %slice3A_1514 = vector.extract_strided_slice %stack3A_1436 {offsets = [10, 0, 0], sizes = [1, 32, 512], strides = [1, 1, 1]} : vector<27x32x512xf32> to vector<1x32x512xf32>
    %squeeze3A_1515 = vector.shape_cast %slice3A_1514 : vector<1x32x512xf32> to vector<32x512xf32>
    %broadcast_in_dim3A_1516 = vector.shape_cast %squeeze3A_1515 : vector<32x512xf32> to vector<1x32x512xf32>
    %slice3A_1517 = vector.extract_strided_slice %stack3A_1436 {offsets = [11, 0, 0], sizes = [16, 32, 512], strides = [1, 1, 1]} : vector<27x32x512xf32> to vector<16x32x512xf32>
    %mul3A_1518 = vector.broadcast %broadcast_in_dim3A_1516 : vector<1x32x512xf32> to vector<16x32x512xf32>
    %mul3A_1519 = arith.mulf %mul3A_1518, %slice3A_1517 : vector<16x32x512xf32>
    %reduce_sum3A_1520 = arith.constant dense<0.000000e+00> : vector<16x512xf32>
    %reduce_sum3A_1521 = vector.multi_reduction <add>, %mul3A_1519, %reduce_sum3A_1520 [1] : vector<16x32x512xf32> to vector<16x512xf32>
    %slice3A_1522 = vector.extract_strided_slice %stack3A_1436 {offsets = [11, 0, 0], sizes = [1, 32, 512], strides = [1, 1, 1]} : vector<27x32x512xf32> to vector<1x32x512xf32>
    %squeeze3A_1523 = vector.shape_cast %slice3A_1522 : vector<1x32x512xf32> to vector<32x512xf32>
    %broadcast_in_dim3A_1524 = vector.shape_cast %squeeze3A_1523 : vector<32x512xf32> to vector<1x32x512xf32>
    %slice3A_1525 = vector.extract_strided_slice %stack3A_1436 {offsets = [12, 0, 0], sizes = [15, 32, 512], strides = [1, 1, 1]} : vector<27x32x512xf32> to vector<15x32x512xf32>
    %mul3A_1526 = vector.broadcast %broadcast_in_dim3A_1524 : vector<1x32x512xf32> to vector<15x32x512xf32>
    %mul3A_1527 = arith.mulf %mul3A_1526, %slice3A_1525 : vector<15x32x512xf32>
    %reduce_sum3A_1528 = arith.constant dense<0.000000e+00> : vector<15x512xf32>
    %reduce_sum3A_1529 = vector.multi_reduction <add>, %mul3A_1527, %reduce_sum3A_1528 [1] : vector<15x32x512xf32> to vector<15x512xf32>
    %slice3A_1530 = vector.extract_strided_slice %stack3A_1436 {offsets = [12, 0, 0], sizes = [1, 32, 512], strides = [1, 1, 1]} : vector<27x32x512xf32> to vector<1x32x512xf32>
    %squeeze3A_1531 = vector.shape_cast %slice3A_1530 : vector<1x32x512xf32> to vector<32x512xf32>
    %broadcast_in_dim3A_1532 = vector.shape_cast %squeeze3A_1531 : vector<32x512xf32> to vector<1x32x512xf32>
    %slice3A_1533 = vector.extract_strided_slice %stack3A_1436 {offsets = [13, 0, 0], sizes = [14, 32, 512], strides = [1, 1, 1]} : vector<27x32x512xf32> to vector<14x32x512xf32>
    %mul3A_1534 = vector.broadcast %broadcast_in_dim3A_1532 : vector<1x32x512xf32> to vector<14x32x512xf32>
    %mul3A_1535 = arith.mulf %mul3A_1534, %slice3A_1533 : vector<14x32x512xf32>
    %reduce_sum3A_1536 = arith.constant dense<0.000000e+00> : vector<14x512xf32>
    %reduce_sum3A_1537 = vector.multi_reduction <add>, %mul3A_1535, %reduce_sum3A_1536 [1] : vector<14x32x512xf32> to vector<14x512xf32>
    %slice3A_1538 = vector.extract_strided_slice %stack3A_1436 {offsets = [13, 0, 0], sizes = [1, 32, 512], strides = [1, 1, 1]} : vector<27x32x512xf32> to vector<1x32x512xf32>
    %squeeze3A_1539 = vector.shape_cast %slice3A_1538 : vector<1x32x512xf32> to vector<32x512xf32>
    %broadcast_in_dim3A_1540 = vector.shape_cast %squeeze3A_1539 : vector<32x512xf32> to vector<1x32x512xf32>
    %slice3A_1541 = vector.extract_strided_slice %stack3A_1436 {offsets = [14, 0, 0], sizes = [13, 32, 512], strides = [1, 1, 1]} : vector<27x32x512xf32> to vector<13x32x512xf32>
    %mul3A_1542 = vector.broadcast %broadcast_in_dim3A_1540 : vector<1x32x512xf32> to vector<13x32x512xf32>
    %mul3A_1543 = arith.mulf %mul3A_1542, %slice3A_1541 : vector<13x32x512xf32>
    %reduce_sum3A_1544 = arith.constant dense<0.000000e+00> : vector<13x512xf32>
    %reduce_sum3A_1545 = vector.multi_reduction <add>, %mul3A_1543, %reduce_sum3A_1544 [1] : vector<13x32x512xf32> to vector<13x512xf32>
    %slice3A_1546 = vector.extract_strided_slice %stack3A_1436 {offsets = [14, 0, 0], sizes = [1, 32, 512], strides = [1, 1, 1]} : vector<27x32x512xf32> to vector<1x32x512xf32>
    %squeeze3A_1547 = vector.shape_cast %slice3A_1546 : vector<1x32x512xf32> to vector<32x512xf32>
    %broadcast_in_dim3A_1548 = vector.shape_cast %squeeze3A_1547 : vector<32x512xf32> to vector<1x32x512xf32>
    %slice3A_1549 = vector.extract_strided_slice %stack3A_1436 {offsets = [15, 0, 0], sizes = [12, 32, 512], strides = [1, 1, 1]} : vector<27x32x512xf32> to vector<12x32x512xf32>
    %mul3A_1550 = vector.broadcast %broadcast_in_dim3A_1548 : vector<1x32x512xf32> to vector<12x32x512xf32>
    %mul3A_1551 = arith.mulf %mul3A_1550, %slice3A_1549 : vector<12x32x512xf32>
    %reduce_sum3A_1552 = arith.constant dense<0.000000e+00> : vector<12x512xf32>
    %reduce_sum3A_1553 = vector.multi_reduction <add>, %mul3A_1551, %reduce_sum3A_1552 [1] : vector<12x32x512xf32> to vector<12x512xf32>
    %slice3A_1554 = vector.extract_strided_slice %stack3A_1436 {offsets = [15, 0, 0], sizes = [1, 32, 512], strides = [1, 1, 1]} : vector<27x32x512xf32> to vector<1x32x512xf32>
    %squeeze3A_1555 = vector.shape_cast %slice3A_1554 : vector<1x32x512xf32> to vector<32x512xf32>
    %broadcast_in_dim3A_1556 = vector.shape_cast %squeeze3A_1555 : vector<32x512xf32> to vector<1x32x512xf32>
    %slice3A_1557 = vector.extract_strided_slice %stack3A_1436 {offsets = [16, 0, 0], sizes = [11, 32, 512], strides = [1, 1, 1]} : vector<27x32x512xf32> to vector<11x32x512xf32>
    %mul3A_1558 = vector.broadcast %broadcast_in_dim3A_1556 : vector<1x32x512xf32> to vector<11x32x512xf32>
    %mul3A_1559 = arith.mulf %mul3A_1558, %slice3A_1557 : vector<11x32x512xf32>
    %reduce_sum3A_1560 = arith.constant dense<0.000000e+00> : vector<11x512xf32>
    %reduce_sum3A_1561 = vector.multi_reduction <add>, %mul3A_1559, %reduce_sum3A_1560 [1] : vector<11x32x512xf32> to vector<11x512xf32>
    %slice3A_1562 = vector.extract_strided_slice %stack3A_1436 {offsets = [16, 0, 0], sizes = [1, 32, 512], strides = [1, 1, 1]} : vector<27x32x512xf32> to vector<1x32x512xf32>
    %squeeze3A_1563 = vector.shape_cast %slice3A_1562 : vector<1x32x512xf32> to vector<32x512xf32>
    %broadcast_in_dim3A_1564 = vector.shape_cast %squeeze3A_1563 : vector<32x512xf32> to vector<1x32x512xf32>
    %slice3A_1565 = vector.extract_strided_slice %stack3A_1436 {offsets = [17, 0, 0], sizes = [10, 32, 512], strides = [1, 1, 1]} : vector<27x32x512xf32> to vector<10x32x512xf32>
    %mul3A_1566 = vector.broadcast %broadcast_in_dim3A_1564 : vector<1x32x512xf32> to vector<10x32x512xf32>
    %mul3A_1567 = arith.mulf %mul3A_1566, %slice3A_1565 : vector<10x32x512xf32>
    %reduce_sum3A_1568 = arith.constant dense<0.000000e+00> : vector<10x512xf32>
    %reduce_sum3A_1569 = vector.multi_reduction <add>, %mul3A_1567, %reduce_sum3A_1568 [1] : vector<10x32x512xf32> to vector<10x512xf32>
    %slice3A_1570 = vector.extract_strided_slice %stack3A_1436 {offsets = [17, 0, 0], sizes = [1, 32, 512], strides = [1, 1, 1]} : vector<27x32x512xf32> to vector<1x32x512xf32>
    %squeeze3A_1571 = vector.shape_cast %slice3A_1570 : vector<1x32x512xf32> to vector<32x512xf32>
    %broadcast_in_dim3A_1572 = vector.shape_cast %squeeze3A_1571 : vector<32x512xf32> to vector<1x32x512xf32>
    %slice3A_1573 = vector.extract_strided_slice %stack3A_1436 {offsets = [18, 0, 0], sizes = [9, 32, 512], strides = [1, 1, 1]} : vector<27x32x512xf32> to vector<9x32x512xf32>
    %mul3A_1574 = vector.broadcast %broadcast_in_dim3A_1572 : vector<1x32x512xf32> to vector<9x32x512xf32>
    %mul3A_1575 = arith.mulf %mul3A_1574, %slice3A_1573 : vector<9x32x512xf32>
    %reduce_sum3A_1576 = arith.constant dense<0.000000e+00> : vector<9x512xf32>
    %reduce_sum3A_1577 = vector.multi_reduction <add>, %mul3A_1575, %reduce_sum3A_1576 [1] : vector<9x32x512xf32> to vector<9x512xf32>
    %slice3A_1578 = vector.extract_strided_slice %stack3A_1436 {offsets = [18, 0, 0], sizes = [1, 32, 512], strides = [1, 1, 1]} : vector<27x32x512xf32> to vector<1x32x512xf32>
    %squeeze3A_1579 = vector.shape_cast %slice3A_1578 : vector<1x32x512xf32> to vector<32x512xf32>
    %broadcast_in_dim3A_1580 = vector.shape_cast %squeeze3A_1579 : vector<32x512xf32> to vector<1x32x512xf32>
    %slice3A_1581 = vector.extract_strided_slice %stack3A_1436 {offsets = [19, 0, 0], sizes = [8, 32, 512], strides = [1, 1, 1]} : vector<27x32x512xf32> to vector<8x32x512xf32>
    %mul3A_1582 = vector.broadcast %broadcast_in_dim3A_1580 : vector<1x32x512xf32> to vector<8x32x512xf32>
    %mul3A_1583 = arith.mulf %mul3A_1582, %slice3A_1581 : vector<8x32x512xf32>
    %reduce_sum3A_1584 = arith.constant dense<0.000000e+00> : vector<8x512xf32>
    %reduce_sum3A_1585 = vector.multi_reduction <add>, %mul3A_1583, %reduce_sum3A_1584 [1] : vector<8x32x512xf32> to vector<8x512xf32>
    %slice3A_1586 = vector.extract_strided_slice %stack3A_1436 {offsets = [19, 0, 0], sizes = [1, 32, 512], strides = [1, 1, 1]} : vector<27x32x512xf32> to vector<1x32x512xf32>
    %squeeze3A_1587 = vector.shape_cast %slice3A_1586 : vector<1x32x512xf32> to vector<32x512xf32>
    %broadcast_in_dim3A_1588 = vector.shape_cast %squeeze3A_1587 : vector<32x512xf32> to vector<1x32x512xf32>
    %slice3A_1589 = vector.extract_strided_slice %stack3A_1436 {offsets = [20, 0, 0], sizes = [7, 32, 512], strides = [1, 1, 1]} : vector<27x32x512xf32> to vector<7x32x512xf32>
    %mul3A_1590 = vector.broadcast %broadcast_in_dim3A_1588 : vector<1x32x512xf32> to vector<7x32x512xf32>
    %mul3A_1591 = arith.mulf %mul3A_1590, %slice3A_1589 : vector<7x32x512xf32>
    %reduce_sum3A_1592 = arith.constant dense<0.000000e+00> : vector<7x512xf32>
    %reduce_sum3A_1593 = vector.multi_reduction <add>, %mul3A_1591, %reduce_sum3A_1592 [1] : vector<7x32x512xf32> to vector<7x512xf32>
    %slice3A_1594 = vector.extract_strided_slice %stack3A_1436 {offsets = [20, 0, 0], sizes = [1, 32, 512], strides = [1, 1, 1]} : vector<27x32x512xf32> to vector<1x32x512xf32>
    %squeeze3A_1595 = vector.shape_cast %slice3A_1594 : vector<1x32x512xf32> to vector<32x512xf32>
    %broadcast_in_dim3A_1596 = vector.shape_cast %squeeze3A_1595 : vector<32x512xf32> to vector<1x32x512xf32>
    %slice3A_1597 = vector.extract_strided_slice %stack3A_1436 {offsets = [21, 0, 0], sizes = [6, 32, 512], strides = [1, 1, 1]} : vector<27x32x512xf32> to vector<6x32x512xf32>
    %mul3A_1598 = vector.broadcast %broadcast_in_dim3A_1596 : vector<1x32x512xf32> to vector<6x32x512xf32>
    %mul3A_1599 = arith.mulf %mul3A_1598, %slice3A_1597 : vector<6x32x512xf32>
    %reduce_sum3A_1600 = arith.constant dense<0.000000e+00> : vector<6x512xf32>
    %reduce_sum3A_1601 = vector.multi_reduction <add>, %mul3A_1599, %reduce_sum3A_1600 [1] : vector<6x32x512xf32> to vector<6x512xf32>
    %slice3A_1602 = vector.extract_strided_slice %stack3A_1436 {offsets = [21, 0, 0], sizes = [1, 32, 512], strides = [1, 1, 1]} : vector<27x32x512xf32> to vector<1x32x512xf32>
    %squeeze3A_1603 = vector.shape_cast %slice3A_1602 : vector<1x32x512xf32> to vector<32x512xf32>
    %broadcast_in_dim3A_1604 = vector.shape_cast %squeeze3A_1603 : vector<32x512xf32> to vector<1x32x512xf32>
    %slice3A_1605 = vector.extract_strided_slice %stack3A_1436 {offsets = [22, 0, 0], sizes = [5, 32, 512], strides = [1, 1, 1]} : vector<27x32x512xf32> to vector<5x32x512xf32>
    %mul3A_1606 = vector.broadcast %broadcast_in_dim3A_1604 : vector<1x32x512xf32> to vector<5x32x512xf32>
    %mul3A_1607 = arith.mulf %mul3A_1606, %slice3A_1605 : vector<5x32x512xf32>
    %reduce_sum3A_1608 = arith.constant dense<0.000000e+00> : vector<5x512xf32>
    %reduce_sum3A_1609 = vector.multi_reduction <add>, %mul3A_1607, %reduce_sum3A_1608 [1] : vector<5x32x512xf32> to vector<5x512xf32>
    %slice3A_1610 = vector.extract_strided_slice %stack3A_1436 {offsets = [22, 0, 0], sizes = [1, 32, 512], strides = [1, 1, 1]} : vector<27x32x512xf32> to vector<1x32x512xf32>
    %squeeze3A_1611 = vector.shape_cast %slice3A_1610 : vector<1x32x512xf32> to vector<32x512xf32>
    %broadcast_in_dim3A_1612 = vector.shape_cast %squeeze3A_1611 : vector<32x512xf32> to vector<1x32x512xf32>
    %slice3A_1613 = vector.extract_strided_slice %stack3A_1436 {offsets = [23, 0, 0], sizes = [4, 32, 512], strides = [1, 1, 1]} : vector<27x32x512xf32> to vector<4x32x512xf32>
    %mul3A_1614 = vector.broadcast %broadcast_in_dim3A_1612 : vector<1x32x512xf32> to vector<4x32x512xf32>
    %mul3A_1615 = arith.mulf %mul3A_1614, %slice3A_1613 : vector<4x32x512xf32>
    %reduce_sum3A_1616 = arith.constant dense<0.000000e+00> : vector<4x512xf32>
    %reduce_sum3A_1617 = vector.multi_reduction <add>, %mul3A_1615, %reduce_sum3A_1616 [1] : vector<4x32x512xf32> to vector<4x512xf32>
    %slice3A_1618 = vector.extract_strided_slice %stack3A_1436 {offsets = [23, 0, 0], sizes = [1, 32, 512], strides = [1, 1, 1]} : vector<27x32x512xf32> to vector<1x32x512xf32>
    %squeeze3A_1619 = vector.shape_cast %slice3A_1618 : vector<1x32x512xf32> to vector<32x512xf32>
    %broadcast_in_dim3A_1620 = vector.shape_cast %squeeze3A_1619 : vector<32x512xf32> to vector<1x32x512xf32>
    %slice3A_1621 = vector.extract_strided_slice %stack3A_1436 {offsets = [24, 0, 0], sizes = [3, 32, 512], strides = [1, 1, 1]} : vector<27x32x512xf32> to vector<3x32x512xf32>
    %mul3A_1622 = vector.broadcast %broadcast_in_dim3A_1620 : vector<1x32x512xf32> to vector<3x32x512xf32>
    %mul3A_1623 = arith.mulf %mul3A_1622, %slice3A_1621 : vector<3x32x512xf32>
    %reduce_sum3A_1624 = arith.constant dense<0.000000e+00> : vector<3x512xf32>
    %reduce_sum3A_1625 = vector.multi_reduction <add>, %mul3A_1623, %reduce_sum3A_1624 [1] : vector<3x32x512xf32> to vector<3x512xf32>
    %slice3A_1626 = vector.extract_strided_slice %stack3A_1436 {offsets = [24, 0, 0], sizes = [1, 32, 512], strides = [1, 1, 1]} : vector<27x32x512xf32> to vector<1x32x512xf32>
    %squeeze3A_1627 = vector.shape_cast %slice3A_1626 : vector<1x32x512xf32> to vector<32x512xf32>
    %broadcast_in_dim3A_1628 = vector.shape_cast %squeeze3A_1627 : vector<32x512xf32> to vector<1x32x512xf32>
    %slice3A_1629 = vector.extract_strided_slice %stack3A_1436 {offsets = [25, 0, 0], sizes = [2, 32, 512], strides = [1, 1, 1]} : vector<27x32x512xf32> to vector<2x32x512xf32>
    %mul3A_1630 = vector.broadcast %broadcast_in_dim3A_1628 : vector<1x32x512xf32> to vector<2x32x512xf32>
    %mul3A_1631 = arith.mulf %mul3A_1630, %slice3A_1629 : vector<2x32x512xf32>
    %reduce_sum3A_1632 = arith.constant dense<0.000000e+00> : vector<2x512xf32>
    %reduce_sum3A_1633 = vector.multi_reduction <add>, %mul3A_1631, %reduce_sum3A_1632 [1] : vector<2x32x512xf32> to vector<2x512xf32>
    %slice3A_1634 = vector.extract_strided_slice %stack3A_1436 {offsets = [25, 0, 0], sizes = [1, 32, 512], strides = [1, 1, 1]} : vector<27x32x512xf32> to vector<1x32x512xf32>
    %squeeze3A_1635 = vector.shape_cast %slice3A_1634 : vector<1x32x512xf32> to vector<32x512xf32>
    %broadcast_in_dim3A_1636 = vector.shape_cast %squeeze3A_1635 : vector<32x512xf32> to vector<1x32x512xf32>
    %slice3A_1637 = vector.extract_strided_slice %stack3A_1436 {offsets = [26, 0, 0], sizes = [1, 32, 512], strides = [1, 1, 1]} : vector<27x32x512xf32> to vector<1x32x512xf32>
    %mul3A_1638 = arith.mulf %broadcast_in_dim3A_1636, %slice3A_1637 : vector<1x32x512xf32>
    %reduce_sum3A_1639 = arith.constant dense<0.000000e+00> : vector<1x512xf32>
    %reduce_sum3A_1640 = vector.multi_reduction <add>, %mul3A_1638, %reduce_sum3A_1639 [1] : vector<1x32x512xf32> to vector<1x512xf32>
    %concatenate3A = tpu.concatenate %max3A_1409, %reduce_sum3A_1441, %reduce_sum3A_1449, %reduce_sum3A_1457, %reduce_sum3A_1465, %reduce_sum3A_1473, %reduce_sum3A_1481, %reduce_sum3A_1489, %reduce_sum3A_1497, %reduce_sum3A_1505, %reduce_sum3A_1513, %reduce_sum3A_1521, %reduce_sum3A_1529, %reduce_sum3A_1537, %reduce_sum3A_1545, %reduce_sum3A_1553, %reduce_sum3A_1561, %reduce_sum3A_1569, %reduce_sum3A_1577, %reduce_sum3A_1585, %reduce_sum3A_1593, %reduce_sum3A_1601, %reduce_sum3A_1609, %reduce_sum3A_1617, %reduce_sum3A_1625, %reduce_sum3A_1633, %reduce_sum3A_1640 in 0 : vector<32x512xf32>, vector<26x512xf32>, vector<25x512xf32>, vector<24x512xf32>, vector<23x512xf32>, vector<22x512xf32>, vector<21x512xf32>, vector<20x512xf32>, vector<19x512xf32>, vector<18x512xf32>, vector<17x512xf32>, vector<16x512xf32>, vector<15x512xf32>, vector<14x512xf32>, vector<13x512xf32>, vector<12x512xf32>, vector<11x512xf32>, vector<10x512xf32>, vector<9x512xf32>, vector<8x512xf32>, vector<7x512xf32>, vector<6x512xf32>, vector<5x512xf32>, vector<4x512xf32>, vector<3x512xf32>, vector<2x512xf32>, vector<1x512xf32> -> vector<383x512xf32>
    %get3A_1641 = arith.constant 0 : index
    %get3A_1642 = arith.constant 0 : index
    %get3A_1643 = vector.load %arg10[%get3A_1641, %get3A_1642] : memref<512x383xf32, #tpu.memory_space<vmem>>, vector<512x383xf32>
    %dot_general3A_1644 = arith.constant dense<0.000000e+00> : vector<512x512xf32>
    %dot_general3A_1645 = tpu.matmul %get3A_1643, %concatenate3A, %dot_general3A_1644 {dimension_numbers = #tpu.dot_dimension_numbers<[1], [0], [0], [1], [0, 0, 1, 1], [], []>, precision = #tpu.contract_precision<fp32>, transpose_lhs_hint = false} : vector<512x383xf32>, vector<383x512xf32>, vector<512x512xf32> -> vector<512x512xf32>
    %get3A_1646 = arith.constant 0 : index
    %get3A_1647 = arith.constant 0 : index
    %get3A_1648 = vector.load %arg11[%get3A_1646, %get3A_1647] : memref<512x1xf32, #tpu.memory_space<vmem>>, vector<512x1xf32>
    %add3A_1649 = vector.broadcast %get3A_1648 : vector<512x1xf32> to vector<512x512xf32>
    %add3A_1650 = arith.addf %dot_general3A_1645, %add3A_1649 : vector<512x512xf32>
    %max3A_1651 = arith.constant 0.000000e+00 : f32
    %max3A_1652 = vector.broadcast %max3A_1651 : f32 to vector<512x512xf32>
    %max3A_1653 = arith.maximumf %add3A_1650, %max3A_1652 : vector<512x512xf32>
    %get3A_1654 = arith.constant 0 : index
    %get3A_1655 = arith.constant 0 : index
    %get3A_1656 = vector.load %arg12[%get3A_1654, %get3A_1655] : memref<256x512xf32, #tpu.memory_space<vmem>>, vector<256x512xf32>
    %dot_general3A_1657 = arith.constant dense<0.000000e+00> : vector<256x512xf32>
    %dot_general3A_1658 = tpu.matmul %get3A_1656, %max3A_1653, %dot_general3A_1657 {dimension_numbers = #tpu.dot_dimension_numbers<[1], [0], [0], [1], [0, 0, 1, 1], [], []>, precision = #tpu.contract_precision<fp32>, transpose_lhs_hint = false} : vector<256x512xf32>, vector<512x512xf32>, vector<256x512xf32> -> vector<256x512xf32>
    %get3A_1659 = arith.constant 0 : index
    %get3A_1660 = arith.constant 0 : index
    %get3A_1661 = vector.load %arg13[%get3A_1659, %get3A_1660] : memref<256x1xf32, #tpu.memory_space<vmem>>, vector<256x1xf32>
    %add3A_1662 = vector.broadcast %get3A_1661 : vector<256x1xf32> to vector<256x512xf32>
    %add3A_1663 = arith.addf %dot_general3A_1658, %add3A_1662 : vector<256x512xf32>
    %max3A_1664 = arith.constant 0.000000e+00 : f32
    %max3A_1665 = vector.broadcast %max3A_1664 : f32 to vector<256x512xf32>
    %max3A_1666 = arith.maximumf %add3A_1663, %max3A_1665 : vector<256x512xf32>
    %get3A_1667 = arith.constant 0 : index
    %get3A_1668 = arith.constant 0 : index
    %get3A_1669 = vector.load %arg14[%get3A_1667, %get3A_1668] : memref<1x256xf32, #tpu.memory_space<vmem>>, vector<1x256xf32>
    %dot_general3A_1670 = arith.constant dense<0.000000e+00> : vector<1x512xf32>
    %dot_general3A_1671 = tpu.matmul %get3A_1669, %max3A_1666, %dot_general3A_1670 {dimension_numbers = #tpu.dot_dimension_numbers<[1], [0], [0], [1], [0, 0, 1, 1], [], []>, precision = #tpu.contract_precision<fp32>, transpose_lhs_hint = false} : vector<1x256xf32>, vector<256x512xf32>, vector<1x512xf32> -> vector<1x512xf32>
    %get3A_1672 = arith.constant 0 : index
    %get3A_1673 = arith.constant 0 : index
    %get3A_1674 = vector.load %arg15[%get3A_1672, %get3A_1673] : memref<1x1xf32, #tpu.memory_space<vmem>>, vector<1x1xf32>
    %add3A_1675 = vector.broadcast %get3A_1674 : vector<1x1xf32> to vector<1x512xf32>
    %add3A_1676 = arith.addf %dot_general3A_1671, %add3A_1675 : vector<1x512xf32>
    %swap3A = arith.constant 0 : index
    %swap3A_1677 = arith.constant 0 : index
    %swap3A_1678 = vector.load %arg16[%swap3A, %swap3A_1677] : memref<1x512xf32, #tpu.memory_space<vmem>>, vector<1x512xf32>
    tpu.vector_store %arg16[%swap3A, %swap3A_1677], %add3A_1676 {strides = array<i32>} : memref<1x512xf32, #tpu.memory_space<vmem>>, vector<1x512xf32>,
    return
  }
  func.func @transform_0(%arg0: i32) -> (i32, i32) {
    %c0_i32 = arith.constant 0 : i32
    %c0_i32_0 = arith.constant 0 : i32
    return %c0_i32, %arg0 : i32, i32
  }
  func.func @transform_1(%arg0: i32) -> (i32, i32, i32) {
    %c0_i32 = arith.constant 0 : i32
    %c0_i32_0 = arith.constant 0 : i32
    %c0_i32_1 = arith.constant 0 : i32
    return %c0_i32, %arg0, %c0_i32_0 : i32, i32, i32
  }
  func.func @transform_2(%arg0: i32) -> (i32, i32) {
    %c0_i32 = arith.constant 0 : i32
    %c0_i32_0 = arith.constant 0 : i32
    return %c0_i32, %arg0 : i32, i32
  }
  func.func @transform_3(%arg0: i32) -> (i32, i32) {
    %c0_i32 = arith.constant 0 : i32
    %c0_i32_0 = arith.constant 0 : i32
    %c0_i32_1 = arith.constant 0 : i32
    return %c0_i32, %c0_i32_0 : i32, i32
  }
  func.func @transform_4(%arg0: i32) -> (i32, i32) {
    %c0_i32 = arith.constant 0 : i32
    %c0_i32_0 = arith.constant 0 : i32
    %c0_i32_1 = arith.constant 0 : i32
    return %c0_i32, %c0_i32_0 : i32, i32
  }
  func.func @transform_5(%arg0: i32) -> (i32, i32) {
    %c0_i32 = arith.constant 0 : i32
    %c0_i32_0 = arith.constant 0 : i32
    %c0_i32_1 = arith.constant 0 : i32
    return %c0_i32, %c0_i32_0 : i32, i32
  }
  func.func @transform_6(%arg0: i32) -> (i32, i32) {
    %c0_i32 = arith.constant 0 : i32
    %c0_i32_0 = arith.constant 0 : i32
    %c0_i32_1 = arith.constant 0 : i32
    return %c0_i32, %c0_i32_0 : i32, i32
  }
  func.func @transform_7(%arg0: i32) -> (i32, i32) {
    %c0_i32 = arith.constant 0 : i32
    %c0_i32_0 = arith.constant 0 : i32
    %c0_i32_1 = arith.constant 0 : i32
    return %c0_i32, %c0_i32_0 : i32, i32
  }
  func.func @transform_8(%arg0: i32) -> (i32, i32) {
    %c0_i32 = arith.constant 0 : i32
    %c0_i32_0 = arith.constant 0 : i32
    %c0_i32_1 = arith.constant 0 : i32
    return %c0_i32, %c0_i32_0 : i32, i32
  }
  func.func @transform_9(%arg0: i32) -> (i32, i32) {
    %c0_i32 = arith.constant 0 : i32
    %c0_i32_0 = arith.constant 0 : i32
    %c0_i32_1 = arith.constant 0 : i32
    return %c0_i32, %c0_i32_0 : i32, i32
  }
  func.func @transform_10(%arg0: i32) -> (i32, i32) {
    %c0_i32 = arith.constant 0 : i32
    %c0_i32_0 = arith.constant 0 : i32
    %c0_i32_1 = arith.constant 0 : i32
    return %c0_i32, %c0_i32_0 : i32, i32
  }
  func.func @transform_11(%arg0: i32) -> (i32, i32) {
    %c0_i32 = arith.constant 0 : i32
    %c0_i32_0 = arith.constant 0 : i32
    %c0_i32_1 = arith.constant 0 : i32
    return %c0_i32, %c0_i32_0 : i32, i32
  }
  func.func @transform_12(%arg0: i32) -> (i32, i32) {
    %c0_i32 = arith.constant 0 : i32
    %c0_i32_0 = arith.constant 0 : i32
    %c0_i32_1 = arith.constant 0 : i32
    return %c0_i32, %c0_i32_0 : i32, i32
  }
  func.func @transform_13(%arg0: i32) -> (i32, i32) {
    %c0_i32 = arith.constant 0 : i32
    %c0_i32_0 = arith.constant 0 : i32
    %c0_i32_1 = arith.constant 0 : i32
    return %c0_i32, %c0_i32_0 : i32, i32
  }
  func.func @transform_14(%arg0: i32) -> (i32, i32) {
    %c0_i32 = arith.constant 0 : i32
    %c0_i32_0 = arith.constant 0 : i32
    %c0_i32_1 = arith.constant 0 : i32
    return %c0_i32, %c0_i32_0 : i32, i32
  }
  func.func @transform_15(%arg0: i32) -> (i32, i32) {
    %c0_i32 = arith.constant 0 : i32
    %c0_i32_0 = arith.constant 0 : i32
    return %c0_i32, %arg0 : i32, i32
  }
}

</mosaic_0001>

<sc_bundles>
// kernel: kernel.4.cloned.1.call-start
scs
__scs_entry_jumppad:
0x0: {  	(pc) =	sbr.rel $0x88, $3  }
0x1: {  	(tag) =	ssettag $0x0;
	lr =	simm.s32 $0x1  }
0x2: {  	[smem:$0x3F92] =	sst lr;
	_ =	strace $0xD0000000  }
0x3: {  	_ = 	snop  }
0x4: {  	_ = 	snop  }
0x5: {  	_ = 	snop  }
0x6: {  	_ = 	snop  }
0x7: {  	_ = 	snop  }
__scs_overlays_trampoline_lowered:
0x8: {  	[smem:$0x3FA1] =	sst s0  }
0x9: {  	[smem:$0x3FA2] =	sst s1  }
0xa: {  	[smem:$0x3FA3] =	sst s2  }
0xb: {  	[smem:$0x3FA4] =	sst s3  }
0xc: {  	[smem:$0x3FA5] =	sst s4  }
0xd: {  	[smem:$0x3FA6] =	sst s5  }
0xe: {  	[smem:$0x3FA7] =	sst s6  }
0xf: {  	[smem:$0x3FA8] =	sst s7  }
0x10: {  	[smem:$0x3FA9] =	sst s8  }
0x11: {  	[smem:$0x3FAA] =	sst s9;
	s0 =	simm.s32 @!p0 $0x0  }
0x12: {  	s1 =	sld [smem:$0x3F90];
	s0 =	simm.s32 @p0 $0x1  }
0x13: {  	[smem:$0x3FAB] =	sst s0;
	s0 =	simm.s32 @!p1 $0x0  }
0x14: {  	s2 =	sld [smem:$0x3F8F];
	s0 =	simm.s32 @p1 $0x1  }
0x15: {  	[smem:$0x3FAC] =	sst s0;
	s0 =	simm.s32 @!p2 $0x0  }
0x16: {  	s3 =	sld [smem:$0x3FDB];
	s0 =	simm.s32 @p2 $0x1  }
0x17: {  	s4 =	simm.s32 $0x1BF5;
	[smem:$0x3FAE] =	sst s0  }
0x18: {  	s0 =	sld [smem:$0x3F91];
	_ =	swait.ge [sflag:s4], $0x0  }
0x19: {  	s7 =	sld [smem:$0x3F92]  }
0x1a: {  	s8 =	sadd.s32 $0xFFFFE003, lr  }
0x1b: {  	s9 =	sadd.s32 $0xFFFFFEF7, lr;
	s5 =	simm.s32 $0xFFFFFFFF;
	p2 =	slt.u32 s8, $0xFFFFF086  }
0x1c: {  	p1 =	slt.u32 s9, $0xF7A;
	s5 =	simm.s32 @!p2 $0x0  }
0x1d: {  	s5 =	simm.s32 @p1 $0x1;
	p0 =	seq.s32 s7, s2  }
0x1e: {  	s7 =	smul.u32 @!p0 $0xF7A, s2;
	p2 =	seq.s32 @!p0 s5, $0x0  }
0x1f: {  	s9 =	smul.u32 $0xF7A, s1;
	s8 =	simm.s32 @!p0 $0x1BF5;
	p2 =	por !p2, p0  }
0x20: {  	[sflag:s8] =	ssyncset.s32 @!p0 $0xFFFFF086;
	s6 =	sadd.s32 @!p0 s3, s7;
	s7 =	simm.s32 @!p0 $0x108  }
0x21: {  	s3 =	sadd.s32 s3, s9;
	s6 =	sadd.s32 @!p0 $0x88, s6;
	s7 =	simm.s32 @p2 $0x1082  }
0x22: {  	[simem:s7], [sflag:s8] =	dma.local @!p0 [hbm:s6], $0xF7A  }
0x23: {  	s9 =	sor.u32 $0xD0000000, s2;
	s6 =	simm.s32 $0x108;
	_ =	swait.ge @!p0 [sflag:s8], $0x0  }
0x24: {  	s3 =	sadd.s32 $0x88, s3;
	s6 =	simm.s32 @!p1 $0x1082;
	[sflag:s4] =	ssyncset.s32 $0xFFFFF086  }
0x25: {  	[simem:s6], [sflag:s4] =	dma.local [hbm:s3], $0xF7A  }
0x26: {  	[smem:$0x3F92] =	sst s1;
	(tag) =	ssettag s2;
	_ =	strace s9  }
0x27: {  	s1 =	sld [smem:$0x3FA2]  }
0x28: {  	s2 =	sld [smem:$0x3FA3]  }
0x29: {  	s4 =	sld [smem:$0x3FA5]  }
0x2a: {  	p0 =	seq.s32 s5, $0x0;
	s5 =	sld [smem:$0x3FA6]  }
0x2b: {  	s6 =	sld [smem:$0x3FA7]  }
0x2c: {  	s7 =	sld [smem:$0x3FA8]  }
0x2d: {  	s3 =	simm.s32 $0x108;
	s8 =	sld [smem:$0x3FA9]  }
0x2e: {  	s3 =	simm.s32 @!p0 $0x1082;
	s9 =	sld [smem:$0x3FAA]  }
0x2f: {  	lr =	sadd.s32 s0, s3;
	s0 =	sld [smem:$0x3FA1]  }
0x30: {  	s3 =	sld [smem:$0x3FA4]  }
0x31: {  	[smem:$0x3FAD] =	sst s10  }
0x32: {  	s10 =	sld [smem:$0x3FAB];
	_ =	sdelay $0x3  }
0x33: {  	p0 =	seq.s32 s10, $0x1;
	s10 =	sld [smem:$0x3FAD];
	_ =	sdelay $0x3  }
0x34: {  	[smem:$0x3FAD] =	sst s10  }
0x35: {  	s10 =	sld [smem:$0x3FAC];
	_ =	sdelay $0x3  }
0x36: {  	p1 =	seq.s32 s10, $0x1;
	s10 =	sld [smem:$0x3FAD];
	_ =	sdelay $0x3  }
0x37: {  	[smem:$0x3FAD] =	sst s10  }
0x38: {  	s10 =	sld [smem:$0x3FAE]  }
0x39: {  	_ = 	snop;
	(pc) =	sbr.ind lr, $3  }
0x3a: {  	_ = 	snop  }
0x3b: {  	_ = 	snop  }
0x3c: {  	p2 =	seq.s32 s10, $0x1;
	s10 =	sld [smem:$0x3FAD]  }
0x3d: {  	_ =	shalt  }
0x3e: {  	_ =	shalt  }
0x3f: {  	_ =	shalt  }
0x40: {  	_ =	shalt  }
0x41: {  	_ =	shalt  }
0x42: {  	_ =	shalt  }
0x43: {  	_ =	shalt  }
0x44: {  	_ =	shalt  }
0x45: {  	_ =	shalt  }
0x46: {  	_ =	shalt  }
0x47: {  	_ =	shalt  }
0x48: {  	_ =	shalt  }
0x49: {  	_ =	shalt  }
0x4a: {  	_ =	shalt  }
0x4b: {  	_ =	shalt  }
0x4c: {  	_ =	shalt  }
0x4d: {  	_ =	shalt  }
0x4e: {  	_ =	shalt  }
0x4f: {  	_ =	shalt  }
0x50: {  	_ =	shalt  }
0x51: {  	_ =	shalt  }
0x52: {  	_ =	shalt  }
0x53: {  	_ =	shalt  }
0x54: {  	_ =	shalt  }
0x55: {  	_ =	shalt  }
0x56: {  	_ =	shalt  }
0x57: {  	_ =	shalt  }
0x58: {  	_ =	shalt  }
0x59: {  	_ =	shalt  }
0x5a: {  	_ =	shalt  }
0x5b: {  	_ =	shalt  }
0x5c: {  	_ =	shalt  }
0x5d: {  	_ =	shalt  }
0x5e: {  	_ =	shalt  }
0x5f: {  	_ =	shalt  }
0x60: {  	_ =	shalt  }
0x61: {  	_ =	shalt  }
0x62: {  	_ =	shalt  }
0x63: {  	_ =	shalt  }
0x64: {  	_ =	shalt  }
0x65: {  	_ =	shalt  }
0x66: {  	_ =	shalt  }
0x67: {  	_ =	shalt  }
0x68: {  	_ =	shalt  }
0x69: {  	_ =	shalt  }
0x6a: {  	_ =	shalt  }
0x6b: {  	_ =	shalt  }
0x6c: {  	_ =	shalt  }
0x6d: {  	_ =	shalt  }
0x6e: {  	_ =	shalt  }
0x6f: {  	_ =	shalt  }
0x70: {  	_ =	shalt  }
0x71: {  	_ =	shalt  }
0x72: {  	_ =	shalt  }
0x73: {  	_ =	shalt  }
0x74: {  	_ =	shalt  }
0x75: {  	_ =	shalt  }
0x76: {  	_ =	shalt  }
0x77: {  	_ =	shalt  }
0x78: {  	_ =	shalt  }
0x79: {  	_ =	shalt  }
0x7a: {  	_ =	shalt  }
0x7b: {  	_ =	shalt  }
0x7c: {  	_ =	shalt  }
0x7d: {  	_ =	shalt  }
0x7e: {  	_ =	shalt  }
0x7f: {  	_ =	shalt  }
0x80: {  	_ =	shalt  }
0x81: {  	_ =	shalt  }
0x82: {  	_ =	shalt  }
0x83: {  	_ =	shalt  }
0x84: {  	_ =	shalt  }
0x85: {  	_ =	shalt  }
0x86: {  	_ =	shalt  }
0x87: {  	_ =	shalt  }
.Lfunc_end0:
.L_simem_size_0:
called_computation_lowered:
.L_overlay_start_0:
0x88: {  	s2 =	sld [smem:$0x3FD9]  }
0x89: {  	s3 =	sld [smem:$0x3FFE];
	_ =	sdelay $0x1  }
0x8a: {  	s1 =	srdreg.scid  }
0x8b: {  	s0 =	sand.u32 $0x1, s1  }
0x8c: {  	s16 =	sshll.u32 s0, $0xA;
	s2 =	sadd.s32 s3, s2  }
0x8d: {  	s2 =	sadd.s32 s2, s16  }
0x8e: {  	[smem:$0x3FB9] =	sst s2  }
0x8f: {  	_ = 	snop  }
0x90: {  	(tm) =	ssettm $0x1  }
0x91: {  	s17 =	sld [smem:$0x3FFB];
	_ =	sdelay $0x3  }
0x92: {  	_ =	strace s17  }
0x93: {  	s2 =	sld [smem:$0x3FFC];
	_ =	sdelay $0x3  }
0x94: {  	_ =	strace s2  }
0x95: {  	s2 =	sld [smem:$0x3FFD];
	_ =	sdelay $0x3  }
0x96: {  	_ =	strace s2  }
0x97: {  	_ =	strace $0x8FFFFFFF  }
0x98: {  	s18 =	sld [smem:$0x3FDB];
	_ =	sdelay $0x1  }
0x99: {  	s19 =	simm.s32 $_scs_section_size  }
0x9a: {  	s4 =	simm.s32 $_size__tile_overlayer_lowered;
	s5 =	simm.s32 $_tile_overlayer_lowered  }
0x9b: {  	s22 =	simm.s32 $0x1BFF;
	s21 =	sshll.u32 s5, $0x1;
	s2 =	sadd.s32 s19, s18  }
0x9c: {  	s6 =	simm.s32 $0x0;
	s20 =	sshll.u32 s4, $0x1;
	s4 =	sadd.s32 s21, s2  }
0x9d: {  	[timem:s6], [sflag:s22] =	dma.local [hbm:s4], s20  }
0x9e: {  	_ =	swait.ge [sflag:s22], s20  }
0x9f: {  	s3 =	ssub.s32 $0x0, s20;
	[sflag:s22] =	ssyncset.done $0x0  }
0xa0: {  	[sflag:s22] =	ssyncadd.s32 s3;
	_ =	sdelay $0x1  }
0xa1: {  	s23 =	simm.s32 $0x1B8B  }
0xa2: {  	_ =	swait.ge [sflag:s23], $0x1  }
0xa3: {  	[sflag:s23] =	ssyncset.done $0x0  }
0xa4: {  	s25 =	simm.s32 $0x1B8E;
	s24 =	sld [smem:$0x3FFE];
	[sflag:s23] =	ssyncadd.s32 $0xFFFFFFFF  }
0xa5: {  	s26 =	simm.s32 $execute0_lowered;
	[smem:$0x3FD2] =	sst s25  }
0xa6: {  	s4 =	sshll.u32 s26, $0x1;
	_ =	strace $0x80000046;
	[dreg:$0x1] =	wrdreg $0xFFFFFFFF  }
0xa7: {  	s28 =	simm.s32 $_size_execute0_lowered;
	s2 =	sadd.s32 s2, s4;
	[dreg:$0x0] =	wrdreg $0x0  }
0xa8: {  	s4 =	sshll.u32 s28, $0x1;
	[dreg:$0x2] =	wrdreg s2  }
0xa9: {  	[dreg:$0x3] =	wrdreg s4  }
0xaa: {  	[dreg:$0x4] =	wrdreg $0xC0  }
0xab: {  	_ =	task [dreg:s6], $0x5FFFF  }
0xac: {  	[dreg:$0x1] =	wrdreg $0xFFFFFFFF  }
0xad: {  	[dreg:$0x0] =	wrdreg $0x60  }
0xae: {  	[dreg:$0x2] =	wrdreg s24  }
0xaf: {  	[dreg:$0x3] =	wrdreg $0x9  }
0xb0: {  	_ =	task.clear_ibuf [dreg:s6], $0x4FFFF;
	_ =	strace $0x90000046  }
0xb1: {  	s29 =	simm.s32 $0x9;
	_ =	strace $0x8000004F  }
0xb2: {  	_ =	swait.ge [sflag:s29], $0x1  }
0xb3: {  	[sflag:s29] =	ssyncadd.s32 $0xFFFFFFFF  }
0xb4: {  	_ =	strace $0x9000004F  }
0xb5: {  	_ =	sfence  }
0xb6: {  	s30 =	sld [smem:$0x0];
	_ =	sdelay $0x2  }
0xb7: {  	s31 =	sshll.u32 s1, $0xD;
	s1 =	sshrl.u32 s1, $0x2  }
0xb8: {  	s3 =	sand.u32 $0x4000, s31;
	s1 =	sadd.s32 s1, s30  }
0xb9: {  	s0 =	sor.u32 s3, s0;
	s1 =	sshll.u32 s1, $0x11  }
0xba: {  	s0 =	sor.u32 s1, s0  }
0xbb: {  	s0 =	sadd.s32 $0x8F2B, s0  }
0xbc: {  	[sflag:s0] =	ssyncadd.remote.s32 $0x1  }
0xbd: {  	_ =	sfence.sel $0xFFFF  }
0xbe: {  	[dreg:$0x0] =	wrdreg $0xFFFFFFFF;
	(pc) =	sbr.abs _section_cstart, $3  }
0xbf: {  	[dreg:$0x1] =	wrdreg $0xFFFFFFFF  }
0xc0: {  	_ =	task.clear_ibuf [dreg:s6], $0x2FFFF;
	_ =	strace $0x9FFFFFFF  }
0xc1: {  	(tm) =	ssettm $0x7FFFFFFF  }
tec
execute0_lowered:
.L_overlay_start_1:
0x0: {  	(tag) =	ssettag $0x1  }
0x1: {  	s3 =	rddreg [dreg:$0x0]  }
0x2: {  	s0 =	rddreg [dreg:$0x1];
	s1 =	simm.s32 $0x0  }
0x3: {  	s2 =	srdreg.scid;
	s8 =	simm.s32 $0x80;
	s9 =	simm.s32 $0x0  }
0x4: {  	[smem:$0x7FF] =	sst s1;
	s4 =	sand.u32 $0x1, s2;
	s5 =	sadd.s32 $0x27AE800, s3  }
0x5: {  	s2 =	stileid.u32;
	s30 =	sadd.s32 $0x1F400, s3;
	s3 =	sadd.s32 $0x12400, s3  }
0x6: {  	_ =	strace $0x80000047;
	s6 =	sshll.u32 s4, $0x4;
	[dreg:$0x2] =	wrdreg s5  }
0x7: {  	s4 =	ssub.s32 $0x2, s4;
	[dreg:$0x4] =	wrdreg s30;
	s29 =	sor.u32 s2, s6  }
0x8: {  	[dreg:$0x3] =	wrdreg s8;
	s31 =	sshrl.u32 s4, $0x1;
	s7 =	smul.u32 $0x680, s29  }
0x9: {  	s8 =	simm.s32 $0x5;
	s6 =	ssub.s32 s4, s31;
	s4 =	smul.u32 $0x68, s29  }
0xa: {  	s6 =	smax.u32 s6, $0x1;
	s5 =	sadd.s32 s3, s7;
	s7 =	simm.s32 $0x1  }
.LBB2_1:
0xb: {  	_ =	strace $0x80000048;
	s10 =	simm.s32 $0x1;
	p0 =	por $0x0, $0x0  }
0xc: {  	[tilespmem:s1], [sflag:$0x1] =	stream.linear.gather [hbm4b:s5+s1], $0x80, $0x200038;
	[tilespmem:$0x8100] =	vst v63  }
0xd: {  	s10 =	simm.s32 @p0 $0x0  }
0xe: {  	p4 =	por $0x1, $0x1;
	s19 =	sand.u32 $0x1, s1;
	p1 =	sne.s32 s10, $0x0  }
0xf: {  	p2 =	por $0x1, $0x1;
	s17 =	simm.s32 $0x66;
	p0 =	por !p4, !p1  }
0x10: {  	s15 =	simm.s32 $0x0;
	p5 =	por $0x0, $0x0;
	p0 =	por !p0, !p0  }
0x11: {  	s22 =	sadd.s32 $0x0, s4;
	s30 =	sadd.s32 $0x1, s19;
	s11 =	sadd.s32 @p0 s4, s10  }
0x12: {  	_ =	strace $0x90000048;
	s12 =	sand.u32 @p0 $0x1, s7;
	s11 =	sshll.u32 @p0 s11, $0x4  }
0x13: {  	_ =	strace @p0 $0x80000049;
	s14 =	simm.s32 @p0 $0x0;
	s11 =	sand.u32 @p0 $0x1FFFFFF0, s11  }
0x14: {  	s13 =	sshll.u32 @p0 s12, $0x7;
	s12 =	sadd.s32 @p0 $0x1, s12;
	s11 =	sadd.s32 @p0 s3, s11  }
0x15: {  	[tilespmem:s13], [sflag:s12] =	stream.linear.gather @p0 [hbm4b:s11+s14], $0x80, $0x200038;
	[tilespmem:$0x8100] =	vst v63  }
0x16: {  	p3 =	por p2, p2;
	s20 =	sshll.u32 s19, $0xE;
	_ =	strace @p0 $0x90000049  }
0x17: {  	s15 =	sand.u32 $0x80, s15;
	p2 =	por p5, p5;
	_ =	strace $0x8000004A  }
0x18: {  	s16 =	sadd.s32 $0x1, s10;
	s21 =	sor.u32 $0x100, s20;
	_ =	swait.ge [sflag:s30], $0x80  }
0x19: {  	s20 =	simm.s32 $0x1;
	p6 =	por p1, p1;
	[sflag:s30] =	ssyncset.done $0x0  }
0x1a: {  	p1 =	por p3, p3;
	p4 =	por $0x1, $0x1;
	[sflag:s30] =	ssyncadd.s32 $0xFFFFFF80  }
0x1b: {  	s11 =	simm.s32 $0x67;
	s14 =	sand.u32 @!p3 $0x1, s1;
	_ =	strace $0x9000004A  }
0x1c: {  	s12 =	simm.s32 $0x1;
	p3 =	seq.s32 s16, $0x68;
	_ =	strace $0x8000004B  }
0x1d: {  	s12 =	simm.s32 @!p0 $0x0;
	s16 =	simm.s32 @p3 $0x0;
	s18 =	rddreg [dreg:$0x3]  }
0x1e: {  	p0 =	por $0x0, $0x0;
	s13 =	sadd.s32 $0x1, s12;
	s31 =	rddreg [dreg:$0x2]  }
0x1f: {  	[tilespmem:s21], [sflag:$0x5] =	stream.indirect.gather [hbm4b:s31+s18], $0x80, s15, s18, $0x2000b8;
	[tilespmem:$0x8100] =	vst v63  }
0x20: {  	p3 =	sne.s32 s10, s16;
	s20 =	simm.s32 @!p0 $0x0;
	_ =	swait.ge [sflag:s8], $0x4000  }
0x21: {  	p5 =	por !p4, !p3;
	p4 =	por $0x0, $0x0;
	[sflag:s8] =	ssyncset.done $0x0  }
0x22: {  	s12 =	simm.s32 $0x0;
	p6 =	por p4, p6;
	[sflag:s8] =	ssyncadd.s32 $0xFFFFC000  }
0x23: {  	s15 =	simm.s32 $0x0;
	s18 =	simm.s32 $0x0;
	_ =	strace $0x9000004B  }
.LBB2_2:
0x24: {  	_ =	strace @p6 $0x8000004C;
	s30 =	smov.u32 s11  }
0x25: {  	s11 =	smov.u32 s17;
	s17 =	sadd.s32 $0xFFFFFFFF, s17;
	p0 =	por p3, p3  }
0x26: {  	s26 =	sshll.u32 @p6 s22, $0xB;
	s19 =	sadd.s32 @p6 $0x3, s19;
	s23 =	simm.s32 @!p0 $0x0  }
0x27: {  	s24 =	rddreg [dreg:$0x4];
	s26 =	sand.u32 @p6 $0x1FFFF800, s26;
	s23 =	simm.s32 @p0 $0x1  }
0x28: {  	s24 =	sadd.s32 @p6 s24, s26;
	s26 =	simm.s32 @p6 $0x0;
	p0 =	sne.s32 s17, $0x0  }
0x29: {  	[hbm4b:s24+s26] =	stream.linear.scatter @p6 [tilespmem:s21], [sflag:s19], $0x4000, $0x200038;
	[tilespmem:$0x8100] =	vst v63  }
0x2a: {  	s12 =	sadd.s32 s20, s12;
	s19 =	sadd.s32 @!p1 $0x3, s14;
	s14 =	simm.s32 @!p0 $0x0  }
0x2b: {  	s25 =	simm.s32 $0x1;
	[smem:$0x7FC] =	sst s23;
	s14 =	simm.s32 @p0 $0x1  }
0x2c: {  	s25 =	simm.s32 @!p6 $0x0;
	_ =	strace @p6 $0x9000004C;
	[smem:$0x7FD] =	sst s14  }
0x2d: {  	p5 =	por !p5, !p5;
	s18 =	sadd.s32 s25, s18;
	_ =	strace @!p1 $0x8000004D  }
0x2e: {  	s23 =	sand.u32 @!p2 $0x1, s12;
	s21 =	sand.u32 @p5 $0x1, s13;
	_ =	swait.ge @!p1 [sflag:s19], $0x4000  }
0x2f: {  	s14 =	smov.u32 s23;
	s23 =	sadd.s32 @p5 s4, s16;
	[sflag:s19] =	ssyncset.done @!p1 $0x0  }
0x30: {  	s24 =	sshll.u32 @p5 s21, $0x7;
	s23 =	sshll.u32 @p5 s23, $0x4;
	[sflag:s19] =	ssyncadd.s32 @!p1 $0xFFFFC000  }
0x31: {  	s19 =	sadd.s32 @p5 $0x1, s21;
	s21 =	sand.u32 @p5 $0x1FFFFFF0, s23;
	_ =	strace @!p1 $0x9000004D  }
0x32: {  	s23 =	simm.s32 @p5 $0x0;
	s21 =	sadd.s32 @p5 s3, s21;
	_ =	strace @p5 $0x80000049  }
0x33: {  	[tilespmem:s24], [sflag:s19] =	stream.linear.gather @p5 [hbm4b:s21+s23], $0x80, $0x200038;
	[tilespmem:$0x8100] =	vst v63  }
0x34: {  	s15 =	sadd.s32 s25, s15;
	s25 =	sand.u32 $0x1, s18;
	_ =	strace @p5 $0x90000049  }
0x35: {  	s23 =	sadd.s32 $0x1, s25;
	_ =	strace $0x8000004A  }
0x36: {  	_ =	swait.ge [sflag:s23], $0x80  }
0x37: {  	[sflag:s23] =	ssyncset.done $0x0  }
0x38: {  	s19 =	simm.s32 $0x1;
	[sflag:s23] =	ssyncadd.s32 $0xFFFFFF80  }
0x39: {  	s19 =	simm.s32 @!p5 $0x0;
	_ =	strace $0x9000004A  }
0x3a: {  	s13 =	sadd.s32 s19, s13;
	s19 =	sand.u32 $0x1, s15;
	_ =	strace $0x8000004B  }
0x3b: {  	s31 =	sshll.u32 s18, $0x7;
	s24 =	sshll.u32 s19, $0xE;
	s25 =	rddreg [dreg:$0x3]  }
0x3c: {  	s29 =	sand.u32 $0x80, s31;
	s21 =	sor.u32 $0x100, s24;
	s26 =	rddreg [dreg:$0x2]  }
0x3d: {  	[tilespmem:s21], [sflag:$0x5] =	stream.indirect.gather [hbm4b:s26+s25], $0x80, s29, s25, $0x2000b8;
	[tilespmem:$0x8100] =	vst v63  }
0x3e: {  	_ =	swait.ge [sflag:s8], $0x4000  }
0x3f: {  	[sflag:s8] =	ssyncset.done $0x0  }
0x40: {  	s28 =	sadd.s32 $0x1, s16;
	[sflag:s8] =	ssyncadd.s32 $0xFFFFC000  }
0x41: {  	s22 =	sadd.s32 s4, s10;
	s10 =	smov.u32 s16;
	_ =	strace $0x9000004B  }
0x42: {  	p3 =	seq.s32 s28, $0x68;
	s16 =	smov.u32 s28;
	s31 =	sld [smem:$0x7FD]  }
0x43: {  	s20 =	simm.s32 $0x1;
	s16 =	simm.s32 @p3 $0x0  }
0x44: {  	p6 =	sne.s32 s11, $0x1;
	p0 =	sne.s32 s30, $0x68;
	p3 =	sne.s32 s10, s16  }
0x45: {  	s20 =	simm.s32 @!p0 $0x0;
	p5 =	por !p6, !p3;
	p0 =	seq.s32 s31, $0x1  }
.Ltmp0:
0x46: {  	p6 =	seq.s32 s30, $0x1;
	s30 =	sld [smem:$0x7FC];
	(pc) =	sbr.rel @p0 .LBB2_2-.Ltmp0, $4  }
0x47: {  	_ = 	snop  }
0x48: {  	p4 =	seq.s32 s11, $0x68  }
0x49: {  	p1 =	por p2, p2;
	p2 =	por p4, p4;
	p4 =	seq.s32 s30, $0x1  }
0x4a: {  	p6 =	por p6, p4  }
0x4b: {  	_ =	strace @p6 $0x8000004C;
	s22 =	sshll.u32 @p6 s22, $0xB  }
0x4c: {  	s17 =	rddreg [dreg:$0x4];
	s22 =	sand.u32 @p6 $0x1FFFF800, s22  }
0x4d: {  	s19 =	sadd.s32 @p6 $0x3, s19;
	s17 =	sadd.s32 @p6 s17, s22;
	s22 =	simm.s32 @p6 $0x0  }
0x4e: {  	[hbm4b:s17+s22] =	stream.linear.scatter @p6 [tilespmem:s21], [sflag:s19], $0x4000, $0x200038;
	[tilespmem:$0x8100] =	vst v63  }
0x4f: {  	p0 =	por !p5, !p5;
	_ =	strace @p6 $0x9000004C  }
0x50: {  	s14 =	sadd.s32 @!p1 $0x3, s14;
	s16 =	sadd.s32 @p0 s4, s16;
	_ =	strace @!p1 $0x8000004D  }
0x51: {  	s13 =	sand.u32 @p0 $0x1, s13;
	s16 =	sshll.u32 @p0 s16, $0x4;
	_ =	swait.ge @!p1 [sflag:s14], $0x4000  }
0x52: {  	s17 =	simm.s32 $0x1;
	s19 =	sshll.u32 @p0 s13, $0x7;
	[sflag:s14] =	ssyncset.done @!p1 $0x0  }
0x53: {  	s13 =	sadd.s32 @p0 $0x1, s13;
	s17 =	simm.s32 @!p6 $0x0;
	[sflag:s14] =	ssyncadd.s32 @!p1 $0xFFFFC000  }
0x54: {  	s18 =	sadd.s32 s17, s18;
	s14 =	sand.u32 @p0 $0x1FFFFFF0, s16;
	_ =	strace @!p1 $0x9000004D  }
0x55: {  	s16 =	simm.s32 @p0 $0x0;
	s14 =	sadd.s32 @p0 s3, s14;
	_ =	strace @p0 $0x80000049  }
0x56: {  	[tilespmem:s19], [sflag:s13] =	stream.linear.gather @p0 [hbm4b:s14+s16], $0x80, $0x200038;
	[tilespmem:$0x8100] =	vst v63  }
0x57: {  	s24 =	sand.u32 $0x1, s18;
	_ =	strace @p0 $0x90000049  }
0x58: {  	s13 =	sadd.s32 $0x1, s24;
	_ =	strace $0x8000004A  }
0x59: {  	_ =	swait.ge [sflag:s13], $0x80  }
0x5a: {  	[sflag:s13] =	ssyncset.done $0x0  }
0x5b: {  	[sflag:s13] =	ssyncadd.s32 $0xFFFFFF80  }
0x5c: {  	s25 =	sadd.s32 s17, s15;
	_ =	strace $0x9000004A  }
0x5d: {  	s13 =	sand.u32 $0x1, s25;
	_ =	strace $0x8000004B  }
0x5e: {  	s29 =	sshll.u32 s18, $0x7;
	s30 =	sshll.u32 s13, $0xE;
	s26 =	rddreg [dreg:$0x3]  }
0x5f: {  	s16 =	sand.u32 $0x80, s29;
	s17 =	sor.u32 $0x100, s30;
	s28 =	rddreg [dreg:$0x2]  }
0x60: {  	[tilespmem:s17], [sflag:$0x5] =	stream.indirect.gather [hbm4b:s28+s26], $0x80, s16, s26, $0x2000b8;
	[tilespmem:$0x8100] =	vst v63  }
0x61: {  	_ =	swait.ge [sflag:s8], $0x4000  }
0x62: {  	[sflag:s8] =	ssyncset.done $0x0  }
0x63: {  	p5 =	por p3, p3;
	p6 =	seq.s32 s11, $0x1;
	[sflag:s8] =	ssyncadd.s32 $0xFFFFC000  }
0x64: {  	s10 =	sadd.s32 s4, s10;
	p0 =	por p6, p5;
	_ =	strace $0x9000004B  }
0x65: {  	s10 =	sshll.u32 @p0 s10, $0xB;
	_ =	strace @p0 $0x8000004C  }
0x66: {  	s12 =	sadd.s32 s20, s12;
	s10 =	sand.u32 @p0 $0x1FFFF800, s10;
	s14 =	rddreg [dreg:$0x4]  }
0x67: {  	s13 =	sadd.s32 @p0 $0x3, s13;
	s10 =	sadd.s32 @p0 s14, s10;
	s14 =	simm.s32 @p0 $0x0  }
0x68: {  	[hbm4b:s10+s14] =	stream.linear.scatter @p0 [tilespmem:s17], [sflag:s13], $0x4000, $0x200038;
	[tilespmem:$0x8100] =	vst v63  }
0x69: {  	p1 =	por p2, p2;
	s10 =	sand.u32 @!p2 $0x1, s12;
	_ =	strace @p0 $0x9000004C  }
0x6a: {  	s10 =	sadd.s32 @!p1 $0x3, s10;
	_ =	strace @!p1 $0x8000004D  }
0x6b: {  	p0 =	sne.s32 s11, $0x68;
	s11 =	simm.s32 $0x1;
	_ =	swait.ge @!p1 [sflag:s10], $0x4000  }
0x6c: {  	s11 =	simm.s32 @!p0 $0x0;
	[sflag:s10] =	ssyncset.done @!p1 $0x0  }
0x6d: {  	s9 =	sadd.s32 $0x1, s9;
	s11 =	sadd.s32 s11, s12;
	[sflag:s10] =	ssyncadd.s32 @!p1 $0xFFFFC000  }
0x6e: {  	p0 =	sne.s32 s9, s6;
	s31 =	sand.u32 $0x1, s11;
	_ =	strace @!p1 $0x9000004D  }
.Ltmp1:
0x6f: {  	s10 =	sadd.s32 $0x3, s31;
	_ =	strace $0x8000004E;
	(pc) =	sbr.rel @p0 .LBB2_1-.Ltmp1, $4  }
0x70: {  	_ =	swait.ge [sflag:s10], $0x4000  }
0x71: {  	[sflag:s10] =	ssyncset.done $0x0  }
0x72: {  	[sflag:s10] =	ssyncadd.s32 $0xFFFFC000  }
0x73: {  	_ =	strace $0x9000004E  }
0x74: {  	_ =	sfence.sel $0x180000  }
0x75: {  	[bflag:$0x0] =	sbarrier.arrive $0xFFFF  }
0x76: {  	p0 =	sne.s32 s2, $0x0;
	_ =	strace $0x90000047  }
0x77: {  	s0 =	sadd.s32 @!p0 $0x100000, s0;
	[bflag:$0x2] =	sbarrier.arrive $0xFFFF  }
0x78: {  	[sflag:s0] =	ssyncadd.tile.s32 @!p0 $0x1;
	_ =	shalt  }
.Lfunc_end2:
_tile_overlayer_lowered:
.L_overlay_start_2:
0x79: {  	(tag) =	ssettag $0x2  }
0x7a: {  	s0 =	rddreg [dreg:$0x0];
	s2 =	stileid.u32  }
0x7b: {  	s1 =	rddreg [dreg:$0x1];
	p0 =	sne.s32 s2, $0x0  }
0x7c: {  	s3 =	rddreg [dreg:$0x2];
	[bflag:$0x3] =	sbarrier.arrive $0xFFFF;
	s2 =	simm.s32 @!p0 $0x1C01  }
0x7d: {  	[timem:s3], [sflag:s2] =	dma.local @!p0 [hbm:s0], s1  }
0x7e: {  	s0 =	simm.s32 @!p0 $0x1  }
0x7f: {  	_ =	swait.ge @!p0 [sflag:s0], s1  }
0x80: {  	s1 =	ssub.s32 @!p0 $0x0, s1;
	[sflag:s0] =	ssyncset.done @!p0 $0x0  }
0x81: {  	[sflag:s0] =	ssyncadd.s32 @!p0 s1  }
0x82: {  	[bflag:$0x3] =	sbarrier.arrive $0xFFFF  }
0x83: {  	_ =	shalt  }

</sc_bundles>
